<compile_context>
chip_gen: v7x
topology: tpu7x:2x2x1
jax: 0.10.2.dev20260603
libtpu: 0.0.44.dev20260713+nightly
codegen_flags: <defaults>
</compile_context>

<pallas_src>
import functools
import jax
import jax.numpy as jnp
from jax import lax
from jax.experimental import pallas as pl
from jax.experimental.pallas import tpu as pltpu, tpu_sc as plsc

B = 16384
NC = 2
NS = 16
NW = NC * NS
PER_W = B // NW
CH = 4
CHW = PER_W // CH
L = 16


def _sigmoid(x):
    return 1.0 / (1.0 + jnp.exp(-x))


def _irt_body(stu_hbm, exer_hbm, ws_hbm, wk_hbm, we_hbm, out_hbm,
              si_v, ei_v, s_v, k_v, e_v, o_v, sem):
    wid = lax.axis_index("s") * NC + lax.axis_index("c")

    pltpu.sync_copy(stu_hbm.at[wid], si_v)
    pltpu.sync_copy(exer_hbm.at[wid], ei_v)

    copies = []
    for j in range(CH):
        copies.append(pltpu.async_copy(ws_hbm.at[si_v.at[j]], s_v.at[j], sem))
        copies.append(pltpu.async_copy(wk_hbm.at[ei_v.at[j]], k_v.at[j], sem))
        copies.append(pltpu.async_copy(we_hbm.at[ei_v.at[j]], e_v.at[j], sem))
    for c in copies:
        c.wait()

    for j in range(CH):
        for i in range(CHW // L):
            sl = pl.ds(i * L, L)
            s = _sigmoid(s_v[j, sl])
            k = _sigmoid(k_v[j, sl])
            e = _sigmoid(e_v[j, sl])
            o_v[j, sl] = _sigmoid(1.7 * e * (s - k))

    pltpu.sync_copy(o_v, out_hbm.at[wid])


@jax.jit
def _irt_sc(stu_id, exer_id, ws, wk, we):
    run = pl.kernel(
        _irt_body,
        out_type=jax.ShapeDtypeStruct((NW, CH, CHW), jnp.float32),
        mesh=plsc.VectorSubcoreMesh(core_axis_name="c", subcore_axis_name="s"),
        scratch_types=[
            pltpu.VMEM((CH, CHW), jnp.int32),
            pltpu.VMEM((CH, CHW), jnp.int32),
            pltpu.VMEM((CH, CHW), jnp.float32),
            pltpu.VMEM((CH, CHW), jnp.float32),
            pltpu.VMEM((CH, CHW), jnp.float32),
            pltpu.VMEM((CH, CHW), jnp.float32),
            pltpu.SemaphoreType.DMA,
        ],
    )
    return run(stu_id, exer_id, ws, wk, we)


def kernel(stu_id, exer_id, W_student, W_k_difficulty, W_e_discrimination):
    stu = stu_id.astype(jnp.int32).reshape(NW, CH, CHW)
    exer = exer_id.astype(jnp.int32).reshape(NW, CH, CHW)
    out = _irt_sc(
        stu, exer,
        W_student.reshape(-1),
        W_k_difficulty.reshape(-1),
        W_e_discrimination.reshape(-1),
    )
    return out.reshape(B)

# --- scband reference (transcript-rebuilt; emitter-appended) ---
"""Pipeline reference for scband-irt-2491081032065 (READ-ONLY COPY).

The authoritative reference and input builder live on the scoring server;
editing this copy changes nothing except your own understanding.
"""

import jax, jax.numpy as jnp
import numpy as np

STUDENT_N = 1000000
EXER_N = 100000
BATCH = 16384

def _xavier_normal(key, shape):
    fan_in, fan_out = shape[0], shape[1]
    std = np.sqrt(2.0 / (fan_in + fan_out))
    return jax.random.normal(key, shape, dtype=jnp.float32) * std

def setup_inputs(seed: int = 0) -> dict:
    key = jax.random.key(seed)
    k1, k2, k3, k4, k5 = jax.random.split(key, 5)
    stu_id = jax.random.randint(k1, (BATCH,), 0, STUDENT_N, dtype=jnp.int64 if jax.config.jax_enable_x64 else jnp.int32)
    exer_id = jax.random.randint(k2, (BATCH,), 0, EXER_N, dtype=jnp.int64 if jax.config.jax_enable_x64 else jnp.int32)
    W_student = _xavier_normal(k3, (STUDENT_N, 1))
    W_k_difficulty = _xavier_normal(k4, (EXER_N, 1))
    W_e_discrimination = _xavier_normal(k5, (EXER_N, 1))
    return {
        "stu_id": stu_id,
        "exer_id": exer_id,
        "W_student": W_student,
        "W_k_difficulty": W_k_difficulty,
        "W_e_discrimination": W_e_discrimination,
    }

def reference(stu_id, exer_id, W_student, W_k_difficulty, W_e_discrimination):
    stu_emb = jax.nn.sigmoid(jnp.take(W_student, stu_id, axis=0))            # [B, 1]
    k_difficulty = jax.nn.sigmoid(jnp.take(W_k_difficulty, exer_id, axis=0)) # [B, 1]
    e_discrimination = jax.nn.sigmoid(jnp.take(W_e_discrimination, exer_id, axis=0))  # [B, 1]
    output = 1.0 / (1.0 + jnp.exp(-e_discrimination * 1.7 * (stu_emb - k_difficulty)))
    output = jnp.squeeze(output, axis=1)  # [B]
    return output

if __name__ == "__main__":
    import jax
    _d = setup_inputs()
    print(jax.jit(kernel)(*tuple(_d.values())))

</pallas_src>

<mosaic_0001>
#map = affine_map<(d0, d1) -> (0, 0, 0)>
#map1 = affine_map<(d0, d1) -> (0)>
module attributes {stable_mosaic.version = 14 : i64} {
  func.func @_irt_body(%arg0: i32, %arg1: i32, %arg2: memref<32x4x128xi32, #tpu.memory_space<hbm>>, %arg3: memref<32x4x128xi32, #tpu.memory_space<hbm>>, %arg4: memref<1000000xf32, #tpu.memory_space<hbm>>, %arg5: memref<100000xf32, #tpu.memory_space<hbm>>, %arg6: memref<100000xf32, #tpu.memory_space<hbm>>, %arg7: memref<32x4x128xf32, #tpu.memory_space<hbm>>, %arg8: memref<4x128xi32, #tpu.memory_space<vmem>>, %arg9: memref<4x128xi32, #tpu.memory_space<vmem>>, %arg10: memref<4x128xf32, #tpu.memory_space<vmem>>, %arg11: memref<4x128xf32, #tpu.memory_space<vmem>>, %arg12: memref<4x128xf32, #tpu.memory_space<vmem>>, %arg13: memref<4x128xf32, #tpu.memory_space<vmem>>, %arg14: memref<!tpu.dma_semaphore, #tpu.memory_space<semaphore_mem>>) attributes {dimension_semantics = [#tpu.dimension_semantics<core_parallel>, #tpu.dimension_semantics<subcore_parallel>], iteration_bounds = array<i64: 2, 16>, scalar_prefetch = 0 : i64, scratch_operands = 7 : i64, tpu.core_type = #tpu.core_type<sc_vector_subcore>, window_params = [{transform_indices = #map}, {transform_indices = #map}, {transform_indices = #map1}, {transform_indices = #map1}, {transform_indices = #map1}, {transform_indices = #map}]} {
    %mul3A = arith.constant 2 : i32
    %mul3A_0 = arith.muli %arg1, %mul3A : i32
    %add3A = arith.addi %mul3A_0, %arg0 : i32
    "tpu.region"() ({
      %run_scoped3A = tpu.sem_alloc : memref<!tpu.dma_semaphore, #tpu.memory_space<semaphore_mem>>
      %dma_start3A_2345 = arith.constant 0 : i32
      %dma_start3A_2346 = arith.constant 0 : i32
      %dma_start3A_2347 = tpu.memref_slice %arg2[%add3A, %dma_start3A_2345, %dma_start3A_2346] : memref<32x4x128xi32, #tpu.memory_space<hbm>> -> memref<1x4x128xi32, #tpu.memory_space<hbm>>
      %dma_start3A_2348 = tpu.memref_squeeze %dma_start3A_2347 : memref<1x4x128xi32, #tpu.memory_space<hbm>> -> memref<4x128xi32, #tpu.memory_space<hbm>>
      %dma_start3A_2349 = arith.constant 0 : i32
      %dma_start3A_2350 = arith.constant 0 : i32
      %dma_start3A_2351 = tpu.memref_slice %arg2[%add3A, %dma_start3A_2349, %dma_start3A_2350] : memref<32x4x128xi32, #tpu.memory_space<hbm>> -> memref<1x4x128xi32, #tpu.memory_space<hbm>>
      %dma_start3A_2352 = tpu.memref_squeeze %dma_start3A_2351 : memref<1x4x128xi32, #tpu.memory_space<hbm>> -> memref<4x128xi32, #tpu.memory_space<hbm>>
      tpu.enqueue_dma source(%dma_start3A_2352 : memref<4x128xi32, #tpu.memory_space<hbm>>) target(%arg8 : memref<4x128xi32, #tpu.memory_space<vmem>>) target_semaphore(%run_scoped3A : memref<!tpu.dma_semaphore, #tpu.memory_space<semaphore_mem>>)
      %dma_wait3A_2353 = arith.constant 0 : i32
      %dma_wait3A_2354 = arith.constant 0 : i32
      %dma_wait3A_2355 = tpu.memref_slice %arg2[%add3A, %dma_wait3A_2353, %dma_wait3A_2354] : memref<32x4x128xi32, #tpu.memory_space<hbm>> -> memref<1x4x128xi32, #tpu.memory_space<hbm>>
      %dma_wait3A_2356 = tpu.memref_squeeze %dma_wait3A_2355 : memref<1x4x128xi32, #tpu.memory_space<hbm>> -> memref<4x128xi32, #tpu.memory_space<hbm>>
      %dma_wait3A_2357 = arith.constant 0 : i32
      %dma_wait3A_2358 = arith.constant 0 : i32
      %dma_wait3A_2359 = tpu.memref_slice %arg2[%add3A, %dma_wait3A_2357, %dma_wait3A_2358] : memref<32x4x128xi32, #tpu.memory_space<hbm>> -> memref<1x4x128xi32, #tpu.memory_space<hbm>>
      %dma_wait3A_2360 = tpu.memref_squeeze %dma_wait3A_2359 : memref<1x4x128xi32, #tpu.memory_space<hbm>> -> memref<4x128xi32, #tpu.memory_space<hbm>>
      tpu.wait_dma2 semaphore(%run_scoped3A : memref<!tpu.dma_semaphore, #tpu.memory_space<semaphore_mem>>) src(%dma_wait3A_2360 : memref<4x128xi32, #tpu.memory_space<hbm>>) dst(%arg8 : memref<4x128xi32, #tpu.memory_space<vmem>>)
      tpu.yield
    }) : () -> ()
    "tpu.region"() ({
      %run_scoped3A = tpu.sem_alloc : memref<!tpu.dma_semaphore, #tpu.memory_space<semaphore_mem>>
      %dma_start3A_2345 = arith.constant 0 : i32
      %dma_start3A_2346 = arith.constant 0 : i32
      %dma_start3A_2347 = tpu.memref_slice %arg3[%add3A, %dma_start3A_2345, %dma_start3A_2346] : memref<32x4x128xi32, #tpu.memory_space<hbm>> -> memref<1x4x128xi32, #tpu.memory_space<hbm>>
      %dma_start3A_2348 = tpu.memref_squeeze %dma_start3A_2347 : memref<1x4x128xi32, #tpu.memory_space<hbm>> -> memref<4x128xi32, #tpu.memory_space<hbm>>
      %dma_start3A_2349 = arith.constant 0 : i32
      %dma_start3A_2350 = arith.constant 0 : i32
      %dma_start3A_2351 = tpu.memref_slice %arg3[%add3A, %dma_start3A_2349, %dma_start3A_2350] : memref<32x4x128xi32, #tpu.memory_space<hbm>> -> memref<1x4x128xi32, #tpu.memory_space<hbm>>
      %dma_start3A_2352 = tpu.memref_squeeze %dma_start3A_2351 : memref<1x4x128xi32, #tpu.memory_space<hbm>> -> memref<4x128xi32, #tpu.memory_space<hbm>>
      tpu.enqueue_dma source(%dma_start3A_2352 : memref<4x128xi32, #tpu.memory_space<hbm>>) target(%arg9 : memref<4x128xi32, #tpu.memory_space<vmem>>) target_semaphore(%run_scoped3A : memref<!tpu.dma_semaphore, #tpu.memory_space<semaphore_mem>>)
      %dma_wait3A_2353 = arith.constant 0 : i32
      %dma_wait3A_2354 = arith.constant 0 : i32
      %dma_wait3A_2355 = tpu.memref_slice %arg3[%add3A, %dma_wait3A_2353, %dma_wait3A_2354] : memref<32x4x128xi32, #tpu.memory_space<hbm>> -> memref<1x4x128xi32, #tpu.memory_space<hbm>>
      %dma_wait3A_2356 = tpu.memref_squeeze %dma_wait3A_2355 : memref<1x4x128xi32, #tpu.memory_space<hbm>> -> memref<4x128xi32, #tpu.memory_space<hbm>>
      %dma_wait3A_2357 = arith.constant 0 : i32
      %dma_wait3A_2358 = arith.constant 0 : i32
      %dma_wait3A_2359 = tpu.memref_slice %arg3[%add3A, %dma_wait3A_2357, %dma_wait3A_2358] : memref<32x4x128xi32, #tpu.memory_space<hbm>> -> memref<1x4x128xi32, #tpu.memory_space<hbm>>
      %dma_wait3A_2360 = tpu.memref_squeeze %dma_wait3A_2359 : memref<1x4x128xi32, #tpu.memory_space<hbm>> -> memref<4x128xi32, #tpu.memory_space<hbm>>
      tpu.wait_dma2 semaphore(%run_scoped3A : memref<!tpu.dma_semaphore, #tpu.memory_space<semaphore_mem>>) src(%dma_wait3A_2360 : memref<4x128xi32, #tpu.memory_space<hbm>>) dst(%arg9 : memref<4x128xi32, #tpu.memory_space<vmem>>)
      tpu.yield
    }) : () -> ()
    %dma_start3A = arith.constant 0 : i32
    %dma_start3A_1 = arith.constant 0 : i32
    %dma_start3A_2 = arith.constant 0 : i32
    %dma_start3A_3 = tpu.memref_slice %arg10[%dma_start3A_1, %dma_start3A_2] : memref<4x128xf32, #tpu.memory_space<vmem>> -> memref<1x128xf32, #tpu.memory_space<vmem>>
    %dma_start3A_4 = tpu.memref_squeeze %dma_start3A_3 : memref<1x128xf32, #tpu.memory_space<vmem>> -> memref<128xf32, #tpu.memory_space<vmem>>
    %dma_start3A_5 = arith.constant 0 : i32
    %dma_start3A_6 = tpu.memref_slice %arg8[%dma_start3A, %dma_start3A_5] : memref<4x128xi32, #tpu.memory_space<vmem>> -> memref<1x128xi32, #tpu.memory_space<vmem>>
    %dma_start3A_7 = tpu.memref_squeeze %dma_start3A_6 : memref<1x128xi32, #tpu.memory_space<vmem>> -> memref<128xi32, #tpu.memory_space<vmem>>
    %dma_start3A_8 = arith.constant 0 : i32
    %dma_start3A_9 = tpu.memref_slice %arg4[%dma_start3A_8] : memref<1000000xf32, #tpu.memory_space<hbm>> -> memref<1000000xf32, #tpu.memory_space<hbm>>
    tpu.enqueue_indirect_dma source(%dma_start3A_9 : memref<1000000xf32, #tpu.memory_space<hbm>>) target(%dma_start3A_4 : memref<128xf32, #tpu.memory_space<vmem>>) offsets(%dma_start3A_7 : memref<128xi32, #tpu.memory_space<vmem>>) semaphore(%arg14 : memref<!tpu.dma_semaphore, #tpu.memory_space<semaphore_mem>>)
    %dma_start3A_10 = arith.constant 0 : i32
    %dma_start3A_11 = arith.constant 0 : i32
    %dma_start3A_12 = arith.constant 0 : i32
    %dma_start3A_13 = tpu.memref_slice %arg11[%dma_start3A_11, %dma_start3A_12] : memref<4x128xf32, #tpu.memory_space<vmem>> -> memref<1x128xf32, #tpu.memory_space<vmem>>
    %dma_start3A_14 = tpu.memref_squeeze %dma_start3A_13 : memref<1x128xf32, #tpu.memory_space<vmem>> -> memref<128xf32, #tpu.memory_space<vmem>>
    %dma_start3A_15 = arith.constant 0 : i32
    %dma_start3A_16 = tpu.memref_slice %arg9[%dma_start3A_10, %dma_start3A_15] : memref<4x128xi32, #tpu.memory_space<vmem>> -> memref<1x128xi32, #tpu.memory_space<vmem>>
    %dma_start3A_17 = tpu.memref_squeeze %dma_start3A_16 : memref<1x128xi32, #tpu.memory_space<vmem>> -> memref<128xi32, #tpu.memory_space<vmem>>
    %dma_start3A_18 = arith.constant 0 : i32
    %dma_start3A_19 = tpu.memref_slice %arg5[%dma_start3A_18] : memref<100000xf32, #tpu.memory_space<hbm>> -> memref<100000xf32, #tpu.memory_space<hbm>>
    tpu.enqueue_indirect_dma source(%dma_start3A_19 : memref<100000xf32, #tpu.memory_space<hbm>>) target(%dma_start3A_14 : memref<128xf32, #tpu.memory_space<vmem>>) offsets(%dma_start3A_17 : memref<128xi32, #tpu.memory_space<vmem>>) semaphore(%arg14 : memref<!tpu.dma_semaphore, #tpu.memory_space<semaphore_mem>>)
    %dma_start3A_20 = arith.constant 0 : i32
    %dma_start3A_21 = arith.constant 0 : i32
    %dma_start3A_22 = arith.constant 0 : i32
    %dma_start3A_23 = tpu.memref_slice %arg12[%dma_start3A_21, %dma_start3A_22] : memref<4x128xf32, #tpu.memory_space<vmem>> -> memref<1x128xf32, #tpu.memory_space<vmem>>
    %dma_start3A_24 = tpu.memref_squeeze %dma_start3A_23 : memref<1x128xf32, #tpu.memory_space<vmem>> -> memref<128xf32, #tpu.memory_space<vmem>>
    %dma_start3A_25 = arith.constant 0 : i32
    %dma_start3A_26 = tpu.memref_slice %arg9[%dma_start3A_20, %dma_start3A_25] : memref<4x128xi32, #tpu.memory_space<vmem>> -> memref<1x128xi32, #tpu.memory_space<vmem>>
    %dma_start3A_27 = tpu.memref_squeeze %dma_start3A_26 : memref<1x128xi32, #tpu.memory_space<vmem>> -> memref<128xi32, #tpu.memory_space<vmem>>
    %dma_start3A_28 = arith.constant 0 : i32
    %dma_start3A_29 = tpu.memref_slice %arg6[%dma_start3A_28] : memref<100000xf32, #tpu.memory_space<hbm>> -> memref<100000xf32, #tpu.memory_space<hbm>>
    tpu.enqueue_indirect_dma source(%dma_start3A_29 : memref<100000xf32, #tpu.memory_space<hbm>>) target(%dma_start3A_24 : memref<128xf32, #tpu.memory_space<vmem>>) offsets(%dma_start3A_27 : memref<128xi32, #tpu.memory_space<vmem>>) semaphore(%arg14 : memref<!tpu.dma_semaphore, #tpu.memory_space<semaphore_mem>>)
    %dma_start3A_30 = arith.constant 1 : i32
    %dma_start3A_31 = arith.constant 1 : i32
    %dma_start3A_32 = arith.constant 0 : i32
    %dma_start3A_33 = tpu.memref_slice %arg10[%dma_start3A_31, %dma_start3A_32] : memref<4x128xf32, #tpu.memory_space<vmem>> -> memref<1x128xf32, #tpu.memory_space<vmem>>
    %dma_start3A_34 = tpu.memref_squeeze %dma_start3A_33 : memref<1x128xf32, #tpu.memory_space<vmem>> -> memref<128xf32, #tpu.memory_space<vmem>>
    %dma_start3A_35 = arith.constant 0 : i32
    %dma_start3A_36 = tpu.memref_slice %arg8[%dma_start3A_30, %dma_start3A_35] : memref<4x128xi32, #tpu.memory_space<vmem>> -> memref<1x128xi32, #tpu.memory_space<vmem>>
    %dma_start3A_37 = tpu.memref_squeeze %dma_start3A_36 : memref<1x128xi32, #tpu.memory_space<vmem>> -> memref<128xi32, #tpu.memory_space<vmem>>
    %dma_start3A_38 = arith.constant 0 : i32
    %dma_start3A_39 = tpu.memref_slice %arg4[%dma_start3A_38] : memref<1000000xf32, #tpu.memory_space<hbm>> -> memref<1000000xf32, #tpu.memory_space<hbm>>
    tpu.enqueue_indirect_dma source(%dma_start3A_39 : memref<1000000xf32, #tpu.memory_space<hbm>>) target(%dma_start3A_34 : memref<128xf32, #tpu.memory_space<vmem>>) offsets(%dma_start3A_37 : memref<128xi32, #tpu.memory_space<vmem>>) semaphore(%arg14 : memref<!tpu.dma_semaphore, #tpu.memory_space<semaphore_mem>>)
    %dma_start3A_40 = arith.constant 1 : i32
    %dma_start3A_41 = arith.constant 1 : i32
    %dma_start3A_42 = arith.constant 0 : i32
    %dma_start3A_43 = tpu.memref_slice %arg11[%dma_start3A_41, %dma_start3A_42] : memref<4x128xf32, #tpu.memory_space<vmem>> -> memref<1x128xf32, #tpu.memory_space<vmem>>
    %dma_start3A_44 = tpu.memref_squeeze %dma_start3A_43 : memref<1x128xf32, #tpu.memory_space<vmem>> -> memref<128xf32, #tpu.memory_space<vmem>>
    %dma_start3A_45 = arith.constant 0 : i32
    %dma_start3A_46 = tpu.memref_slice %arg9[%dma_start3A_40, %dma_start3A_45] : memref<4x128xi32, #tpu.memory_space<vmem>> -> memref<1x128xi32, #tpu.memory_space<vmem>>
    %dma_start3A_47 = tpu.memref_squeeze %dma_start3A_46 : memref<1x128xi32, #tpu.memory_space<vmem>> -> memref<128xi32, #tpu.memory_space<vmem>>
    %dma_start3A_48 = arith.constant 0 : i32
    %dma_start3A_49 = tpu.memref_slice %arg5[%dma_start3A_48] : memref<100000xf32, #tpu.memory_space<hbm>> -> memref<100000xf32, #tpu.memory_space<hbm>>
    tpu.enqueue_indirect_dma source(%dma_start3A_49 : memref<100000xf32, #tpu.memory_space<hbm>>) target(%dma_start3A_44 : memref<128xf32, #tpu.memory_space<vmem>>) offsets(%dma_start3A_47 : memref<128xi32, #tpu.memory_space<vmem>>) semaphore(%arg14 : memref<!tpu.dma_semaphore, #tpu.memory_space<semaphore_mem>>)
    %dma_start3A_50 = arith.constant 1 : i32
    %dma_start3A_51 = arith.constant 1 : i32
    %dma_start3A_52 = arith.constant 0 : i32
    %dma_start3A_53 = tpu.memref_slice %arg12[%dma_start3A_51, %dma_start3A_52] : memref<4x128xf32, #tpu.memory_space<vmem>> -> memref<1x128xf32, #tpu.memory_space<vmem>>
    %dma_start3A_54 = tpu.memref_squeeze %dma_start3A_53 : memref<1x128xf32, #tpu.memory_space<vmem>> -> memref<128xf32, #tpu.memory_space<vmem>>
    %dma_start3A_55 = arith.constant 0 : i32
    %dma_start3A_56 = tpu.memref_slice %arg9[%dma_start3A_50, %dma_start3A_55] : memref<4x128xi32, #tpu.memory_space<vmem>> -> memref<1x128xi32, #tpu.memory_space<vmem>>
    %dma_start3A_57 = tpu.memref_squeeze %dma_start3A_56 : memref<1x128xi32, #tpu.memory_space<vmem>> -> memref<128xi32, #tpu.memory_space<vmem>>
    %dma_start3A_58 = arith.constant 0 : i32
    %dma_start3A_59 = tpu.memref_slice %arg6[%dma_start3A_58] : memref<100000xf32, #tpu.memory_space<hbm>> -> memref<100000xf32, #tpu.memory_space<hbm>>
    tpu.enqueue_indirect_dma source(%dma_start3A_59 : memref<100000xf32, #tpu.memory_space<hbm>>) target(%dma_start3A_54 : memref<128xf32, #tpu.memory_space<vmem>>) offsets(%dma_start3A_57 : memref<128xi32, #tpu.memory_space<vmem>>) semaphore(%arg14 : memref<!tpu.dma_semaphore, #tpu.memory_space<semaphore_mem>>)
    %dma_start3A_60 = arith.constant 2 : i32
    %dma_start3A_61 = arith.constant 2 : i32
    %dma_start3A_62 = arith.constant 0 : i32
    %dma_start3A_63 = tpu.memref_slice %arg10[%dma_start3A_61, %dma_start3A_62] : memref<4x128xf32, #tpu.memory_space<vmem>> -> memref<1x128xf32, #tpu.memory_space<vmem>>
    %dma_start3A_64 = tpu.memref_squeeze %dma_start3A_63 : memref<1x128xf32, #tpu.memory_space<vmem>> -> memref<128xf32, #tpu.memory_space<vmem>>
    %dma_start3A_65 = arith.constant 0 : i32
    %dma_start3A_66 = tpu.memref_slice %arg8[%dma_start3A_60, %dma_start3A_65] : memref<4x128xi32, #tpu.memory_space<vmem>> -> memref<1x128xi32, #tpu.memory_space<vmem>>
    %dma_start3A_67 = tpu.memref_squeeze %dma_start3A_66 : memref<1x128xi32, #tpu.memory_space<vmem>> -> memref<128xi32, #tpu.memory_space<vmem>>
    %dma_start3A_68 = arith.constant 0 : i32
    %dma_start3A_69 = tpu.memref_slice %arg4[%dma_start3A_68] : memref<1000000xf32, #tpu.memory_space<hbm>> -> memref<1000000xf32, #tpu.memory_space<hbm>>
    tpu.enqueue_indirect_dma source(%dma_start3A_69 : memref<1000000xf32, #tpu.memory_space<hbm>>) target(%dma_start3A_64 : memref<128xf32, #tpu.memory_space<vmem>>) offsets(%dma_start3A_67 : memref<128xi32, #tpu.memory_space<vmem>>) semaphore(%arg14 : memref<!tpu.dma_semaphore, #tpu.memory_space<semaphore_mem>>)
    %dma_start3A_70 = arith.constant 2 : i32
    %dma_start3A_71 = arith.constant 2 : i32
    %dma_start3A_72 = arith.constant 0 : i32
    %dma_start3A_73 = tpu.memref_slice %arg11[%dma_start3A_71, %dma_start3A_72] : memref<4x128xf32, #tpu.memory_space<vmem>> -> memref<1x128xf32, #tpu.memory_space<vmem>>
    %dma_start3A_74 = tpu.memref_squeeze %dma_start3A_73 : memref<1x128xf32, #tpu.memory_space<vmem>> -> memref<128xf32, #tpu.memory_space<vmem>>
    %dma_start3A_75 = arith.constant 0 : i32
    %dma_start3A_76 = tpu.memref_slice %arg9[%dma_start3A_70, %dma_start3A_75] : memref<4x128xi32, #tpu.memory_space<vmem>> -> memref<1x128xi32, #tpu.memory_space<vmem>>
    %dma_start3A_77 = tpu.memref_squeeze %dma_start3A_76 : memref<1x128xi32, #tpu.memory_space<vmem>> -> memref<128xi32, #tpu.memory_space<vmem>>
    %dma_start3A_78 = arith.constant 0 : i32
    %dma_start3A_79 = tpu.memref_slice %arg5[%dma_start3A_78] : memref<100000xf32, #tpu.memory_space<hbm>> -> memref<100000xf32, #tpu.memory_space<hbm>>
    tpu.enqueue_indirect_dma source(%dma_start3A_79 : memref<100000xf32, #tpu.memory_space<hbm>>) target(%dma_start3A_74 : memref<128xf32, #tpu.memory_space<vmem>>) offsets(%dma_start3A_77 : memref<128xi32, #tpu.memory_space<vmem>>) semaphore(%arg14 : memref<!tpu.dma_semaphore, #tpu.memory_space<semaphore_mem>>)
    %dma_start3A_80 = arith.constant 2 : i32
    %dma_start3A_81 = arith.constant 2 : i32
    %dma_start3A_82 = arith.constant 0 : i32
    %dma_start3A_83 = tpu.memref_slice %arg12[%dma_start3A_81, %dma_start3A_82] : memref<4x128xf32, #tpu.memory_space<vmem>> -> memref<1x128xf32, #tpu.memory_space<vmem>>
    %dma_start3A_84 = tpu.memref_squeeze %dma_start3A_83 : memref<1x128xf32, #tpu.memory_space<vmem>> -> memref<128xf32, #tpu.memory_space<vmem>>
    %dma_start3A_85 = arith.constant 0 : i32
    %dma_start3A_86 = tpu.memref_slice %arg9[%dma_start3A_80, %dma_start3A_85] : memref<4x128xi32, #tpu.memory_space<vmem>> -> memref<1x128xi32, #tpu.memory_space<vmem>>
    %dma_start3A_87 = tpu.memref_squeeze %dma_start3A_86 : memref<1x128xi32, #tpu.memory_space<vmem>> -> memref<128xi32, #tpu.memory_space<vmem>>
    %dma_start3A_88 = arith.constant 0 : i32
    %dma_start3A_89 = tpu.memref_slice %arg6[%dma_start3A_88] : memref<100000xf32, #tpu.memory_space<hbm>> -> memref<100000xf32, #tpu.memory_space<hbm>>
    tpu.enqueue_indirect_dma source(%dma_start3A_89 : memref<100000xf32, #tpu.memory_space<hbm>>) target(%dma_start3A_84 : memref<128xf32, #tpu.memory_space<vmem>>) offsets(%dma_start3A_87 : memref<128xi32, #tpu.memory_space<vmem>>) semaphore(%arg14 : memref<!tpu.dma_semaphore, #tpu.memory_space<semaphore_mem>>)
    %dma_start3A_90 = arith.constant 3 : i32
    %dma_start3A_91 = arith.constant 3 : i32
    %dma_start3A_92 = arith.constant 0 : i32
    %dma_start3A_93 = tpu.memref_slice %arg10[%dma_start3A_91, %dma_start3A_92] : memref<4x128xf32, #tpu.memory_space<vmem>> -> memref<1x128xf32, #tpu.memory_space<vmem>>
    %dma_start3A_94 = tpu.memref_squeeze %dma_start3A_93 : memref<1x128xf32, #tpu.memory_space<vmem>> -> memref<128xf32, #tpu.memory_space<vmem>>
    %dma_start3A_95 = arith.constant 0 : i32
    %dma_start3A_96 = tpu.memref_slice %arg8[%dma_start3A_90, %dma_start3A_95] : memref<4x128xi32, #tpu.memory_space<vmem>> -> memref<1x128xi32, #tpu.memory_space<vmem>>
    %dma_start3A_97 = tpu.memref_squeeze %dma_start3A_96 : memref<1x128xi32, #tpu.memory_space<vmem>> -> memref<128xi32, #tpu.memory_space<vmem>>
    %dma_start3A_98 = arith.constant 0 : i32
    %dma_start3A_99 = tpu.memref_slice %arg4[%dma_start3A_98] : memref<1000000xf32, #tpu.memory_space<hbm>> -> memref<1000000xf32, #tpu.memory_space<hbm>>
    tpu.enqueue_indirect_dma source(%dma_start3A_99 : memref<1000000xf32, #tpu.memory_space<hbm>>) target(%dma_start3A_94 : memref<128xf32, #tpu.memory_space<vmem>>) offsets(%dma_start3A_97 : memref<128xi32, #tpu.memory_space<vmem>>) semaphore(%arg14 : memref<!tpu.dma_semaphore, #tpu.memory_space<semaphore_mem>>)
    %dma_start3A_100 = arith.constant 3 : i32
    %dma_start3A_101 = arith.constant 3 : i32
    %dma_start3A_102 = arith.constant 0 : i32
    %dma_start3A_103 = tpu.memref_slice %arg11[%dma_start3A_101, %dma_start3A_102] : memref<4x128xf32, #tpu.memory_space<vmem>> -> memref<1x128xf32, #tpu.memory_space<vmem>>
    %dma_start3A_104 = tpu.memref_squeeze %dma_start3A_103 : memref<1x128xf32, #tpu.memory_space<vmem>> -> memref<128xf32, #tpu.memory_space<vmem>>
    %dma_start3A_105 = arith.constant 0 : i32
    %dma_start3A_106 = tpu.memref_slice %arg9[%dma_start3A_100, %dma_start3A_105] : memref<4x128xi32, #tpu.memory_space<vmem>> -> memref<1x128xi32, #tpu.memory_space<vmem>>
    %dma_start3A_107 = tpu.memref_squeeze %dma_start3A_106 : memref<1x128xi32, #tpu.memory_space<vmem>> -> memref<128xi32, #tpu.memory_space<vmem>>
    %dma_start3A_108 = arith.constant 0 : i32
    %dma_start3A_109 = tpu.memref_slice %arg5[%dma_start3A_108] : memref<100000xf32, #tpu.memory_space<hbm>> -> memref<100000xf32, #tpu.memory_space<hbm>>
    tpu.enqueue_indirect_dma source(%dma_start3A_109 : memref<100000xf32, #tpu.memory_space<hbm>>) target(%dma_start3A_104 : memref<128xf32, #tpu.memory_space<vmem>>) offsets(%dma_start3A_107 : memref<128xi32, #tpu.memory_space<vmem>>) semaphore(%arg14 : memref<!tpu.dma_semaphore, #tpu.memory_space<semaphore_mem>>)
    %dma_start3A_110 = arith.constant 3 : i32
    %dma_start3A_111 = arith.constant 3 : i32
    %dma_start3A_112 = arith.constant 0 : i32
    %dma_start3A_113 = tpu.memref_slice %arg12[%dma_start3A_111, %dma_start3A_112] : memref<4x128xf32, #tpu.memory_space<vmem>> -> memref<1x128xf32, #tpu.memory_space<vmem>>
    %dma_start3A_114 = tpu.memref_squeeze %dma_start3A_113 : memref<1x128xf32, #tpu.memory_space<vmem>> -> memref<128xf32, #tpu.memory_space<vmem>>
    %dma_start3A_115 = arith.constant 0 : i32
    %dma_start3A_116 = tpu.memref_slice %arg9[%dma_start3A_110, %dma_start3A_115] : memref<4x128xi32, #tpu.memory_space<vmem>> -> memref<1x128xi32, #tpu.memory_space<vmem>>
    %dma_start3A_117 = tpu.memref_squeeze %dma_start3A_116 : memref<1x128xi32, #tpu.memory_space<vmem>> -> memref<128xi32, #tpu.memory_space<vmem>>
    %dma_start3A_118 = arith.constant 0 : i32
    %dma_start3A_119 = tpu.memref_slice %arg6[%dma_start3A_118] : memref<100000xf32, #tpu.memory_space<hbm>> -> memref<100000xf32, #tpu.memory_space<hbm>>
    tpu.enqueue_indirect_dma source(%dma_start3A_119 : memref<100000xf32, #tpu.memory_space<hbm>>) target(%dma_start3A_114 : memref<128xf32, #tpu.memory_space<vmem>>) offsets(%dma_start3A_117 : memref<128xi32, #tpu.memory_space<vmem>>) semaphore(%arg14 : memref<!tpu.dma_semaphore, #tpu.memory_space<semaphore_mem>>)
    %dma_wait3A = arith.constant 0 : i32
    %dma_wait3A_120 = arith.constant 0 : i32
    %dma_wait3A_121 = arith.constant 0 : i32
    %dma_wait3A_122 = tpu.memref_slice %arg10[%dma_wait3A_120, %dma_wait3A_121] : memref<4x128xf32, #tpu.memory_space<vmem>> -> memref<1x128xf32, #tpu.memory_space<vmem>>
    %dma_wait3A_123 = tpu.memref_squeeze %dma_wait3A_122 : memref<1x128xf32, #tpu.memory_space<vmem>> -> memref<128xf32, #tpu.memory_space<vmem>>
    %dma_wait3A_124 = arith.constant 0 : i32
    %dma_wait3A_125 = tpu.memref_slice %arg8[%dma_wait3A, %dma_wait3A_124] : memref<4x128xi32, #tpu.memory_space<vmem>> -> memref<1x128xi32, #tpu.memory_space<vmem>>
    %dma_wait3A_126 = tpu.memref_squeeze %dma_wait3A_125 : memref<1x128xi32, #tpu.memory_space<vmem>> -> memref<128xi32, #tpu.memory_space<vmem>>
    %dma_wait3A_127 = arith.constant 0 : i32
    %dma_wait3A_128 = tpu.memref_slice %arg4[%dma_wait3A_127] : memref<1000000xf32, #tpu.memory_space<hbm>> -> memref<1000000xf32, #tpu.memory_space<hbm>>
    tpu.wait_indirect_dma semaphore(%arg14 : memref<!tpu.dma_semaphore, #tpu.memory_space<semaphore_mem>>) src(%dma_wait3A_128 : memref<1000000xf32, #tpu.memory_space<hbm>>) dst(%dma_wait3A_123 : memref<128xf32, #tpu.memory_space<vmem>>)
    %dma_wait3A_129 = arith.constant 0 : i32
    %dma_wait3A_130 = arith.constant 0 : i32
    %dma_wait3A_131 = arith.constant 0 : i32
    %dma_wait3A_132 = tpu.memref_slice %arg11[%dma_wait3A_130, %dma_wait3A_131] : memref<4x128xf32, #tpu.memory_space<vmem>> -> memref<1x128xf32, #tpu.memory_space<vmem>>
    %dma_wait3A_133 = tpu.memref_squeeze %dma_wait3A_132 : memref<1x128xf32, #tpu.memory_space<vmem>> -> memref<128xf32, #tpu.memory_space<vmem>>
    %dma_wait3A_134 = arith.constant 0 : i32
    %dma_wait3A_135 = tpu.memref_slice %arg9[%dma_wait3A_129, %dma_wait3A_134] : memref<4x128xi32, #tpu.memory_space<vmem>> -> memref<1x128xi32, #tpu.memory_space<vmem>>
    %dma_wait3A_136 = tpu.memref_squeeze %dma_wait3A_135 : memref<1x128xi32, #tpu.memory_space<vmem>> -> memref<128xi32, #tpu.memory_space<vmem>>
    %dma_wait3A_137 = arith.constant 0 : i32
    %dma_wait3A_138 = tpu.memref_slice %arg5[%dma_wait3A_137] : memref<100000xf32, #tpu.memory_space<hbm>> -> memref<100000xf32, #tpu.memory_space<hbm>>
    tpu.wait_indirect_dma semaphore(%arg14 : memref<!tpu.dma_semaphore, #tpu.memory_space<semaphore_mem>>) src(%dma_wait3A_138 : memref<100000xf32, #tpu.memory_space<hbm>>) dst(%dma_wait3A_133 : memref<128xf32, #tpu.memory_space<vmem>>)
    %dma_wait3A_139 = arith.constant 0 : i32
    %dma_wait3A_140 = arith.constant 0 : i32
    %dma_wait3A_141 = arith.constant 0 : i32
    %dma_wait3A_142 = tpu.memref_slice %arg12[%dma_wait3A_140, %dma_wait3A_141] : memref<4x128xf32, #tpu.memory_space<vmem>> -> memref<1x128xf32, #tpu.memory_space<vmem>>
    %dma_wait3A_143 = tpu.memref_squeeze %dma_wait3A_142 : memref<1x128xf32, #tpu.memory_space<vmem>> -> memref<128xf32, #tpu.memory_space<vmem>>
    %dma_wait3A_144 = arith.constant 0 : i32
    %dma_wait3A_145 = tpu.memref_slice %arg9[%dma_wait3A_139, %dma_wait3A_144] : memref<4x128xi32, #tpu.memory_space<vmem>> -> memref<1x128xi32, #tpu.memory_space<vmem>>
    %dma_wait3A_146 = tpu.memref_squeeze %dma_wait3A_145 : memref<1x128xi32, #tpu.memory_space<vmem>> -> memref<128xi32, #tpu.memory_space<vmem>>
    %dma_wait3A_147 = arith.constant 0 : i32
    %dma_wait3A_148 = tpu.memref_slice %arg6[%dma_wait3A_147] : memref<100000xf32, #tpu.memory_space<hbm>> -> memref<100000xf32, #tpu.memory_space<hbm>>
    tpu.wait_indirect_dma semaphore(%arg14 : memref<!tpu.dma_semaphore, #tpu.memory_space<semaphore_mem>>) src(%dma_wait3A_148 : memref<100000xf32, #tpu.memory_space<hbm>>) dst(%dma_wait3A_143 : memref<128xf32, #tpu.memory_space<vmem>>)
    %dma_wait3A_149 = arith.constant 1 : i32
    %dma_wait3A_150 = arith.constant 1 : i32
    %dma_wait3A_151 = arith.constant 0 : i32
    %dma_wait3A_152 = tpu.memref_slice %arg10[%dma_wait3A_150, %dma_wait3A_151] : memref<4x128xf32, #tpu.memory_space<vmem>> -> memref<1x128xf32, #tpu.memory_space<vmem>>
    %dma_wait3A_153 = tpu.memref_squeeze %dma_wait3A_152 : memref<1x128xf32, #tpu.memory_space<vmem>> -> memref<128xf32, #tpu.memory_space<vmem>>
    %dma_wait3A_154 = arith.constant 0 : i32
    %dma_wait3A_155 = tpu.memref_slice %arg8[%dma_wait3A_149, %dma_wait3A_154] : memref<4x128xi32, #tpu.memory_space<vmem>> -> memref<1x128xi32, #tpu.memory_space<vmem>>
    %dma_wait3A_156 = tpu.memref_squeeze %dma_wait3A_155 : memref<1x128xi32, #tpu.memory_space<vmem>> -> memref<128xi32, #tpu.memory_space<vmem>>
    %dma_wait3A_157 = arith.constant 0 : i32
    %dma_wait3A_158 = tpu.memref_slice %arg4[%dma_wait3A_157] : memref<1000000xf32, #tpu.memory_space<hbm>> -> memref<1000000xf32, #tpu.memory_space<hbm>>
    tpu.wait_indirect_dma semaphore(%arg14 : memref<!tpu.dma_semaphore, #tpu.memory_space<semaphore_mem>>) src(%dma_wait3A_158 : memref<1000000xf32, #tpu.memory_space<hbm>>) dst(%dma_wait3A_153 : memref<128xf32, #tpu.memory_space<vmem>>)
    %dma_wait3A_159 = arith.constant 1 : i32
    %dma_wait3A_160 = arith.constant 1 : i32
    %dma_wait3A_161 = arith.constant 0 : i32
    %dma_wait3A_162 = tpu.memref_slice %arg11[%dma_wait3A_160, %dma_wait3A_161] : memref<4x128xf32, #tpu.memory_space<vmem>> -> memref<1x128xf32, #tpu.memory_space<vmem>>
    %dma_wait3A_163 = tpu.memref_squeeze %dma_wait3A_162 : memref<1x128xf32, #tpu.memory_space<vmem>> -> memref<128xf32, #tpu.memory_space<vmem>>
    %dma_wait3A_164 = arith.constant 0 : i32
    %dma_wait3A_165 = tpu.memref_slice %arg9[%dma_wait3A_159, %dma_wait3A_164] : memref<4x128xi32, #tpu.memory_space<vmem>> -> memref<1x128xi32, #tpu.memory_space<vmem>>
    %dma_wait3A_166 = tpu.memref_squeeze %dma_wait3A_165 : memref<1x128xi32, #tpu.memory_space<vmem>> -> memref<128xi32, #tpu.memory_space<vmem>>
    %dma_wait3A_167 = arith.constant 0 : i32
    %dma_wait3A_168 = tpu.memref_slice %arg5[%dma_wait3A_167] : memref<100000xf32, #tpu.memory_space<hbm>> -> memref<100000xf32, #tpu.memory_space<hbm>>
    tpu.wait_indirect_dma semaphore(%arg14 : memref<!tpu.dma_semaphore, #tpu.memory_space<semaphore_mem>>) src(%dma_wait3A_168 : memref<100000xf32, #tpu.memory_space<hbm>>) dst(%dma_wait3A_163 : memref<128xf32, #tpu.memory_space<vmem>>)
    %dma_wait3A_169 = arith.constant 1 : i32
    %dma_wait3A_170 = arith.constant 1 : i32
    %dma_wait3A_171 = arith.constant 0 : i32
    %dma_wait3A_172 = tpu.memref_slice %arg12[%dma_wait3A_170, %dma_wait3A_171] : memref<4x128xf32, #tpu.memory_space<vmem>> -> memref<1x128xf32, #tpu.memory_space<vmem>>
    %dma_wait3A_173 = tpu.memref_squeeze %dma_wait3A_172 : memref<1x128xf32, #tpu.memory_space<vmem>> -> memref<128xf32, #tpu.memory_space<vmem>>
    %dma_wait3A_174 = arith.constant 0 : i32
    %dma_wait3A_175 = tpu.memref_slice %arg9[%dma_wait3A_169, %dma_wait3A_174] : memref<4x128xi32, #tpu.memory_space<vmem>> -> memref<1x128xi32, #tpu.memory_space<vmem>>
    %dma_wait3A_176 = tpu.memref_squeeze %dma_wait3A_175 : memref<1x128xi32, #tpu.memory_space<vmem>> -> memref<128xi32, #tpu.memory_space<vmem>>
    %dma_wait3A_177 = arith.constant 0 : i32
    %dma_wait3A_178 = tpu.memref_slice %arg6[%dma_wait3A_177] : memref<100000xf32, #tpu.memory_space<hbm>> -> memref<100000xf32, #tpu.memory_space<hbm>>
    tpu.wait_indirect_dma semaphore(%arg14 : memref<!tpu.dma_semaphore, #tpu.memory_space<semaphore_mem>>) src(%dma_wait3A_178 : memref<100000xf32, #tpu.memory_space<hbm>>) dst(%dma_wait3A_173 : memref<128xf32, #tpu.memory_space<vmem>>)
    %dma_wait3A_179 = arith.constant 2 : i32
    %dma_wait3A_180 = arith.constant 2 : i32
    %dma_wait3A_181 = arith.constant 0 : i32
    %dma_wait3A_182 = tpu.memref_slice %arg10[%dma_wait3A_180, %dma_wait3A_181] : memref<4x128xf32, #tpu.memory_space<vmem>> -> memref<1x128xf32, #tpu.memory_space<vmem>>
    %dma_wait3A_183 = tpu.memref_squeeze %dma_wait3A_182 : memref<1x128xf32, #tpu.memory_space<vmem>> -> memref<128xf32, #tpu.memory_space<vmem>>
    %dma_wait3A_184 = arith.constant 0 : i32
    %dma_wait3A_185 = tpu.memref_slice %arg8[%dma_wait3A_179, %dma_wait3A_184] : memref<4x128xi32, #tpu.memory_space<vmem>> -> memref<1x128xi32, #tpu.memory_space<vmem>>
    %dma_wait3A_186 = tpu.memref_squeeze %dma_wait3A_185 : memref<1x128xi32, #tpu.memory_space<vmem>> -> memref<128xi32, #tpu.memory_space<vmem>>
    %dma_wait3A_187 = arith.constant 0 : i32
    %dma_wait3A_188 = tpu.memref_slice %arg4[%dma_wait3A_187] : memref<1000000xf32, #tpu.memory_space<hbm>> -> memref<1000000xf32, #tpu.memory_space<hbm>>
    tpu.wait_indirect_dma semaphore(%arg14 : memref<!tpu.dma_semaphore, #tpu.memory_space<semaphore_mem>>) src(%dma_wait3A_188 : memref<1000000xf32, #tpu.memory_space<hbm>>) dst(%dma_wait3A_183 : memref<128xf32, #tpu.memory_space<vmem>>)
    %dma_wait3A_189 = arith.constant 2 : i32
    %dma_wait3A_190 = arith.constant 2 : i32
    %dma_wait3A_191 = arith.constant 0 : i32
    %dma_wait3A_192 = tpu.memref_slice %arg11[%dma_wait3A_190, %dma_wait3A_191] : memref<4x128xf32, #tpu.memory_space<vmem>> -> memref<1x128xf32, #tpu.memory_space<vmem>>
    %dma_wait3A_193 = tpu.memref_squeeze %dma_wait3A_192 : memref<1x128xf32, #tpu.memory_space<vmem>> -> memref<128xf32, #tpu.memory_space<vmem>>
    %dma_wait3A_194 = arith.constant 0 : i32
    %dma_wait3A_195 = tpu.memref_slice %arg9[%dma_wait3A_189, %dma_wait3A_194] : memref<4x128xi32, #tpu.memory_space<vmem>> -> memref<1x128xi32, #tpu.memory_space<vmem>>
    %dma_wait3A_196 = tpu.memref_squeeze %dma_wait3A_195 : memref<1x128xi32, #tpu.memory_space<vmem>> -> memref<128xi32, #tpu.memory_space<vmem>>
    %dma_wait3A_197 = arith.constant 0 : i32
    %dma_wait3A_198 = tpu.memref_slice %arg5[%dma_wait3A_197] : memref<100000xf32, #tpu.memory_space<hbm>> -> memref<100000xf32, #tpu.memory_space<hbm>>
    tpu.wait_indirect_dma semaphore(%arg14 : memref<!tpu.dma_semaphore, #tpu.memory_space<semaphore_mem>>) src(%dma_wait3A_198 : memref<100000xf32, #tpu.memory_space<hbm>>) dst(%dma_wait3A_193 : memref<128xf32, #tpu.memory_space<vmem>>)
    %dma_wait3A_199 = arith.constant 2 : i32
    %dma_wait3A_200 = arith.constant 2 : i32
    %dma_wait3A_201 = arith.constant 0 : i32
    %dma_wait3A_202 = tpu.memref_slice %arg12[%dma_wait3A_200, %dma_wait3A_201] : memref<4x128xf32, #tpu.memory_space<vmem>> -> memref<1x128xf32, #tpu.memory_space<vmem>>
    %dma_wait3A_203 = tpu.memref_squeeze %dma_wait3A_202 : memref<1x128xf32, #tpu.memory_space<vmem>> -> memref<128xf32, #tpu.memory_space<vmem>>
    %dma_wait3A_204 = arith.constant 0 : i32
    %dma_wait3A_205 = tpu.memref_slice %arg9[%dma_wait3A_199, %dma_wait3A_204] : memref<4x128xi32, #tpu.memory_space<vmem>> -> memref<1x128xi32, #tpu.memory_space<vmem>>
    %dma_wait3A_206 = tpu.memref_squeeze %dma_wait3A_205 : memref<1x128xi32, #tpu.memory_space<vmem>> -> memref<128xi32, #tpu.memory_space<vmem>>
    %dma_wait3A_207 = arith.constant 0 : i32
    %dma_wait3A_208 = tpu.memref_slice %arg6[%dma_wait3A_207] : memref<100000xf32, #tpu.memory_space<hbm>> -> memref<100000xf32, #tpu.memory_space<hbm>>
    tpu.wait_indirect_dma semaphore(%arg14 : memref<!tpu.dma_semaphore, #tpu.memory_space<semaphore_mem>>) src(%dma_wait3A_208 : memref<100000xf32, #tpu.memory_space<hbm>>) dst(%dma_wait3A_203 : memref<128xf32, #tpu.memory_space<vmem>>)
    %dma_wait3A_209 = arith.constant 3 : i32
    %dma_wait3A_210 = arith.constant 3 : i32
    %dma_wait3A_211 = arith.constant 0 : i32
    %dma_wait3A_212 = tpu.memref_slice %arg10[%dma_wait3A_210, %dma_wait3A_211] : memref<4x128xf32, #tpu.memory_space<vmem>> -> memref<1x128xf32, #tpu.memory_space<vmem>>
    %dma_wait3A_213 = tpu.memref_squeeze %dma_wait3A_212 : memref<1x128xf32, #tpu.memory_space<vmem>> -> memref<128xf32, #tpu.memory_space<vmem>>
    %dma_wait3A_214 = arith.constant 0 : i32
    %dma_wait3A_215 = tpu.memref_slice %arg8[%dma_wait3A_209, %dma_wait3A_214] : memref<4x128xi32, #tpu.memory_space<vmem>> -> memref<1x128xi32, #tpu.memory_space<vmem>>
    %dma_wait3A_216 = tpu.memref_squeeze %dma_wait3A_215 : memref<1x128xi32, #tpu.memory_space<vmem>> -> memref<128xi32, #tpu.memory_space<vmem>>
    %dma_wait3A_217 = arith.constant 0 : i32
    %dma_wait3A_218 = tpu.memref_slice %arg4[%dma_wait3A_217] : memref<1000000xf32, #tpu.memory_space<hbm>> -> memref<1000000xf32, #tpu.memory_space<hbm>>
    tpu.wait_indirect_dma semaphore(%arg14 : memref<!tpu.dma_semaphore, #tpu.memory_space<semaphore_mem>>) src(%dma_wait3A_218 : memref<1000000xf32, #tpu.memory_space<hbm>>) dst(%dma_wait3A_213 : memref<128xf32, #tpu.memory_space<vmem>>)
    %dma_wait3A_219 = arith.constant 3 : i32
    %dma_wait3A_220 = arith.constant 3 : i32
    %dma_wait3A_221 = arith.constant 0 : i32
    %dma_wait3A_222 = tpu.memref_slice %arg11[%dma_wait3A_220, %dma_wait3A_221] : memref<4x128xf32, #tpu.memory_space<vmem>> -> memref<1x128xf32, #tpu.memory_space<vmem>>
    %dma_wait3A_223 = tpu.memref_squeeze %dma_wait3A_222 : memref<1x128xf32, #tpu.memory_space<vmem>> -> memref<128xf32, #tpu.memory_space<vmem>>
    %dma_wait3A_224 = arith.constant 0 : i32
    %dma_wait3A_225 = tpu.memref_slice %arg9[%dma_wait3A_219, %dma_wait3A_224] : memref<4x128xi32, #tpu.memory_space<vmem>> -> memref<1x128xi32, #tpu.memory_space<vmem>>
    %dma_wait3A_226 = tpu.memref_squeeze %dma_wait3A_225 : memref<1x128xi32, #tpu.memory_space<vmem>> -> memref<128xi32, #tpu.memory_space<vmem>>
    %dma_wait3A_227 = arith.constant 0 : i32
    %dma_wait3A_228 = tpu.memref_slice %arg5[%dma_wait3A_227] : memref<100000xf32, #tpu.memory_space<hbm>> -> memref<100000xf32, #tpu.memory_space<hbm>>
    tpu.wait_indirect_dma semaphore(%arg14 : memref<!tpu.dma_semaphore, #tpu.memory_space<semaphore_mem>>) src(%dma_wait3A_228 : memref<100000xf32, #tpu.memory_space<hbm>>) dst(%dma_wait3A_223 : memref<128xf32, #tpu.memory_space<vmem>>)
    %dma_wait3A_229 = arith.constant 3 : i32
    %dma_wait3A_230 = arith.constant 3 : i32
    %dma_wait3A_231 = arith.constant 0 : i32
    %dma_wait3A_232 = tpu.memref_slice %arg12[%dma_wait3A_230, %dma_wait3A_231] : memref<4x128xf32, #tpu.memory_space<vmem>> -> memref<1x128xf32, #tpu.memory_space<vmem>>
    %dma_wait3A_233 = tpu.memref_squeeze %dma_wait3A_232 : memref<1x128xf32, #tpu.memory_space<vmem>> -> memref<128xf32, #tpu.memory_space<vmem>>
    %dma_wait3A_234 = arith.constant 0 : i32
    %dma_wait3A_235 = tpu.memref_slice %arg9[%dma_wait3A_229, %dma_wait3A_234] : memref<4x128xi32, #tpu.memory_space<vmem>> -> memref<1x128xi32, #tpu.memory_space<vmem>>
    %dma_wait3A_236 = tpu.memref_squeeze %dma_wait3A_235 : memref<1x128xi32, #tpu.memory_space<vmem>> -> memref<128xi32, #tpu.memory_space<vmem>>
    %dma_wait3A_237 = arith.constant 0 : i32
    %dma_wait3A_238 = tpu.memref_slice %arg6[%dma_wait3A_237] : memref<100000xf32, #tpu.memory_space<hbm>> -> memref<100000xf32, #tpu.memory_space<hbm>>
    tpu.wait_indirect_dma semaphore(%arg14 : memref<!tpu.dma_semaphore, #tpu.memory_space<semaphore_mem>>) src(%dma_wait3A_238 : memref<100000xf32, #tpu.memory_space<hbm>>) dst(%dma_wait3A_233 : memref<128xf32, #tpu.memory_space<vmem>>)
    %get3A = arith.constant 0 : i32
    %get3A_239 = arith.index_cast %get3A : i32 to index
    %get3A_240 = arith.constant 0 : index
    %get3A_241 = tpu.vector_load %arg10[%get3A_239, %get3A_240] {strides = array<i32>} : memref<4x128xf32, #tpu.memory_space<vmem>>, vector<1x16xf32>,
    %get3A_242 = vector.shape_cast %get3A_241 : vector<1x16xf32> to vector<16xf32>
    %neg3A = arith.constant 0.000000e+00 : f32
    %neg3A_243 = vector.broadcast %neg3A : f32 to vector<16xf32>
    %neg3A_244 = arith.subf %neg3A_243, %get3A_242 : vector<16xf32>
    %exp3A = math.exp %neg3A_244 : vector<16xf32>
    %add3A_245 = arith.constant 1.000000e+00 : f32
    %add3A_246 = vector.broadcast %add3A_245 : f32 to vector<16xf32>
    %add3A_247 = arith.addf %add3A_246, %exp3A : vector<16xf32>
    %div3A = arith.constant 1.000000e+00 : f32
    %div3A_248 = vector.broadcast %div3A : f32 to vector<16xf32>
    %div3A_249 = arith.divf %div3A_248, %add3A_247 : vector<16xf32>
    %get3A_250 = arith.constant 0 : i32
    %get3A_251 = arith.index_cast %get3A_250 : i32 to index
    %get3A_252 = arith.constant 0 : index
    %get3A_253 = tpu.vector_load %arg11[%get3A_251, %get3A_252] {strides = array<i32>} : memref<4x128xf32, #tpu.memory_space<vmem>>, vector<1x16xf32>,
    %get3A_254 = vector.shape_cast %get3A_253 : vector<1x16xf32> to vector<16xf32>
    %neg3A_255 = arith.constant 0.000000e+00 : f32
    %neg3A_256 = vector.broadcast %neg3A_255 : f32 to vector<16xf32>
    %neg3A_257 = arith.subf %neg3A_256, %get3A_254 : vector<16xf32>
    %exp3A_258 = math.exp %neg3A_257 : vector<16xf32>
    %add3A_259 = arith.constant 1.000000e+00 : f32
    %add3A_260 = vector.broadcast %add3A_259 : f32 to vector<16xf32>
    %add3A_261 = arith.addf %add3A_260, %exp3A_258 : vector<16xf32>
    %div3A_262 = arith.constant 1.000000e+00 : f32
    %div3A_263 = vector.broadcast %div3A_262 : f32 to vector<16xf32>
    %div3A_264 = arith.divf %div3A_263, %add3A_261 : vector<16xf32>
    %get3A_265 = arith.constant 0 : i32
    %get3A_266 = arith.index_cast %get3A_265 : i32 to index
    %get3A_267 = arith.constant 0 : index
    %get3A_268 = tpu.vector_load %arg12[%get3A_266, %get3A_267] {strides = array<i32>} : memref<4x128xf32, #tpu.memory_space<vmem>>, vector<1x16xf32>,
    %get3A_269 = vector.shape_cast %get3A_268 : vector<1x16xf32> to vector<16xf32>
    %neg3A_270 = arith.constant 0.000000e+00 : f32
    %neg3A_271 = vector.broadcast %neg3A_270 : f32 to vector<16xf32>
    %neg3A_272 = arith.subf %neg3A_271, %get3A_269 : vector<16xf32>
    %exp3A_273 = math.exp %neg3A_272 : vector<16xf32>
    %add3A_274 = arith.constant 1.000000e+00 : f32
    %add3A_275 = vector.broadcast %add3A_274 : f32 to vector<16xf32>
    %add3A_276 = arith.addf %add3A_275, %exp3A_273 : vector<16xf32>
    %div3A_277 = arith.constant 1.000000e+00 : f32
    %div3A_278 = vector.broadcast %div3A_277 : f32 to vector<16xf32>
    %div3A_279 = arith.divf %div3A_278, %add3A_276 : vector<16xf32>
    %mul3A_280 = arith.constant 1.700000e+00 : f32
    %mul3A_281 = vector.broadcast %mul3A_280 : f32 to vector<16xf32>
    %mul3A_282 = arith.mulf %mul3A_281, %div3A_279 : vector<16xf32>
    %sub3A = arith.subf %div3A_249, %div3A_264 : vector<16xf32>
    %mul3A_283 = arith.mulf %mul3A_282, %sub3A : vector<16xf32>
    %neg3A_284 = arith.constant 0.000000e+00 : f32
    %neg3A_285 = vector.broadcast %neg3A_284 : f32 to vector<16xf32>
    %neg3A_286 = arith.subf %neg3A_285, %mul3A_283 : vector<16xf32>
    %exp3A_287 = math.exp %neg3A_286 : vector<16xf32>
    %add3A_288 = arith.constant 1.000000e+00 : f32
    %add3A_289 = vector.broadcast %add3A_288 : f32 to vector<16xf32>
    %add3A_290 = arith.addf %add3A_289, %exp3A_287 : vector<16xf32>
    %div3A_291 = arith.constant 1.000000e+00 : f32
    %div3A_292 = vector.broadcast %div3A_291 : f32 to vector<16xf32>
    %div3A_293 = arith.divf %div3A_292, %add3A_290 : vector<16xf32>
    %swap3A = arith.constant 0 : i32
    %swap3A_294 = arith.index_cast %swap3A : i32 to index
    %swap3A_295 = arith.constant 0 : index
    %swap3A_296 = tpu.vector_load %arg13[%swap3A_294, %swap3A_295] {strides = array<i32>} : memref<4x128xf32, #tpu.memory_space<vmem>>, vector<1x16xf32>,
    %swap3A_297 = vector.shape_cast %swap3A_296 : vector<1x16xf32> to vector<16xf32>
    %swap3A_298 = vector.shape_cast %div3A_293 : vector<16xf32> to vector<1x16xf32>
    tpu.vector_store %arg13[%swap3A_294, %swap3A_295], %swap3A_298 {strides = array<i32>} : memref<4x128xf32, #tpu.memory_space<vmem>>, vector<1x16xf32>,
    %get3A_299 = arith.constant 0 : i32
    %get3A_300 = arith.index_cast %get3A_299 : i32 to index
    %get3A_301 = arith.constant 16 : index
    %get3A_302 = tpu.vector_load %arg10[%get3A_300, %get3A_301] {strides = array<i32>} : memref<4x128xf32, #tpu.memory_space<vmem>>, vector<1x16xf32>,
    %get3A_303 = vector.shape_cast %get3A_302 : vector<1x16xf32> to vector<16xf32>
    %neg3A_304 = arith.constant 0.000000e+00 : f32
    %neg3A_305 = vector.broadcast %neg3A_304 : f32 to vector<16xf32>
    %neg3A_306 = arith.subf %neg3A_305, %get3A_303 : vector<16xf32>
    %exp3A_307 = math.exp %neg3A_306 : vector<16xf32>
    %add3A_308 = arith.constant 1.000000e+00 : f32
    %add3A_309 = vector.broadcast %add3A_308 : f32 to vector<16xf32>
    %add3A_310 = arith.addf %add3A_309, %exp3A_307 : vector<16xf32>
    %div3A_311 = arith.constant 1.000000e+00 : f32
    %div3A_312 = vector.broadcast %div3A_311 : f32 to vector<16xf32>
    %div3A_313 = arith.divf %div3A_312, %add3A_310 : vector<16xf32>
    %get3A_314 = arith.constant 0 : i32
    %get3A_315 = arith.index_cast %get3A_314 : i32 to index
    %get3A_316 = arith.constant 16 : index
    %get3A_317 = tpu.vector_load %arg11[%get3A_315, %get3A_316] {strides = array<i32>} : memref<4x128xf32, #tpu.memory_space<vmem>>, vector<1x16xf32>,
    %get3A_318 = vector.shape_cast %get3A_317 : vector<1x16xf32> to vector<16xf32>
    %neg3A_319 = arith.constant 0.000000e+00 : f32
    %neg3A_320 = vector.broadcast %neg3A_319 : f32 to vector<16xf32>
    %neg3A_321 = arith.subf %neg3A_320, %get3A_318 : vector<16xf32>
    %exp3A_322 = math.exp %neg3A_321 : vector<16xf32>
    %add3A_323 = arith.constant 1.000000e+00 : f32
    %add3A_324 = vector.broadcast %add3A_323 : f32 to vector<16xf32>
    %add3A_325 = arith.addf %add3A_324, %exp3A_322 : vector<16xf32>
    %div3A_326 = arith.constant 1.000000e+00 : f32
    %div3A_327 = vector.broadcast %div3A_326 : f32 to vector<16xf32>
    %div3A_328 = arith.divf %div3A_327, %add3A_325 : vector<16xf32>
    %get3A_329 = arith.constant 0 : i32
    %get3A_330 = arith.index_cast %get3A_329 : i32 to index
    %get3A_331 = arith.constant 16 : index
    %get3A_332 = tpu.vector_load %arg12[%get3A_330, %get3A_331] {strides = array<i32>} : memref<4x128xf32, #tpu.memory_space<vmem>>, vector<1x16xf32>,
    %get3A_333 = vector.shape_cast %get3A_332 : vector<1x16xf32> to vector<16xf32>
    %neg3A_334 = arith.constant 0.000000e+00 : f32
    %neg3A_335 = vector.broadcast %neg3A_334 : f32 to vector<16xf32>
    %neg3A_336 = arith.subf %neg3A_335, %get3A_333 : vector<16xf32>
    %exp3A_337 = math.exp %neg3A_336 : vector<16xf32>
    %add3A_338 = arith.constant 1.000000e+00 : f32
    %add3A_339 = vector.broadcast %add3A_338 : f32 to vector<16xf32>
    %add3A_340 = arith.addf %add3A_339, %exp3A_337 : vector<16xf32>
    %div3A_341 = arith.constant 1.000000e+00 : f32
    %div3A_342 = vector.broadcast %div3A_341 : f32 to vector<16xf32>
    %div3A_343 = arith.divf %div3A_342, %add3A_340 : vector<16xf32>
    %mul3A_344 = arith.constant 1.700000e+00 : f32
    %mul3A_345 = vector.broadcast %mul3A_344 : f32 to vector<16xf32>
    %mul3A_346 = arith.mulf %mul3A_345, %div3A_343 : vector<16xf32>
    %sub3A_347 = arith.subf %div3A_313, %div3A_328 : vector<16xf32>
    %mul3A_348 = arith.mulf %mul3A_346, %sub3A_347 : vector<16xf32>
    %neg3A_349 = arith.constant 0.000000e+00 : f32
    %neg3A_350 = vector.broadcast %neg3A_349 : f32 to vector<16xf32>
    %neg3A_351 = arith.subf %neg3A_350, %mul3A_348 : vector<16xf32>
    %exp3A_352 = math.exp %neg3A_351 : vector<16xf32>
    %add3A_353 = arith.constant 1.000000e+00 : f32
    %add3A_354 = vector.broadcast %add3A_353 : f32 to vector<16xf32>
    %add3A_355 = arith.addf %add3A_354, %exp3A_352 : vector<16xf32>
    %div3A_356 = arith.constant 1.000000e+00 : f32
    %div3A_357 = vector.broadcast %div3A_356 : f32 to vector<16xf32>
    %div3A_358 = arith.divf %div3A_357, %add3A_355 : vector<16xf32>
    %swap3A_359 = arith.constant 0 : i32
    %swap3A_360 = arith.index_cast %swap3A_359 : i32 to index
    %swap3A_361 = arith.constant 16 : index
    %swap3A_362 = tpu.vector_load %arg13[%swap3A_360, %swap3A_361] {strides = array<i32>} : memref<4x128xf32, #tpu.memory_space<vmem>>, vector<1x16xf32>,
    %swap3A_363 = vector.shape_cast %swap3A_362 : vector<1x16xf32> to vector<16xf32>
    %swap3A_364 = vector.shape_cast %div3A_358 : vector<16xf32> to vector<1x16xf32>
    tpu.vector_store %arg13[%swap3A_360, %swap3A_361], %swap3A_364 {strides = array<i32>} : memref<4x128xf32, #tpu.memory_space<vmem>>, vector<1x16xf32>,
    %get3A_365 = arith.constant 0 : i32
    %get3A_366 = arith.index_cast %get3A_365 : i32 to index
    %get3A_367 = arith.constant 32 : index
    %get3A_368 = tpu.vector_load %arg10[%get3A_366, %get3A_367] {strides = array<i32>} : memref<4x128xf32, #tpu.memory_space<vmem>>, vector<1x16xf32>,
    %get3A_369 = vector.shape_cast %get3A_368 : vector<1x16xf32> to vector<16xf32>
    %neg3A_370 = arith.constant 0.000000e+00 : f32
    %neg3A_371 = vector.broadcast %neg3A_370 : f32 to vector<16xf32>
    %neg3A_372 = arith.subf %neg3A_371, %get3A_369 : vector<16xf32>
    %exp3A_373 = math.exp %neg3A_372 : vector<16xf32>
    %add3A_374 = arith.constant 1.000000e+00 : f32
    %add3A_375 = vector.broadcast %add3A_374 : f32 to vector<16xf32>
    %add3A_376 = arith.addf %add3A_375, %exp3A_373 : vector<16xf32>
    %div3A_377 = arith.constant 1.000000e+00 : f32
    %div3A_378 = vector.broadcast %div3A_377 : f32 to vector<16xf32>
    %div3A_379 = arith.divf %div3A_378, %add3A_376 : vector<16xf32>
    %get3A_380 = arith.constant 0 : i32
    %get3A_381 = arith.index_cast %get3A_380 : i32 to index
    %get3A_382 = arith.constant 32 : index
    %get3A_383 = tpu.vector_load %arg11[%get3A_381, %get3A_382] {strides = array<i32>} : memref<4x128xf32, #tpu.memory_space<vmem>>, vector<1x16xf32>,
    %get3A_384 = vector.shape_cast %get3A_383 : vector<1x16xf32> to vector<16xf32>
    %neg3A_385 = arith.constant 0.000000e+00 : f32
    %neg3A_386 = vector.broadcast %neg3A_385 : f32 to vector<16xf32>
    %neg3A_387 = arith.subf %neg3A_386, %get3A_384 : vector<16xf32>
    %exp3A_388 = math.exp %neg3A_387 : vector<16xf32>
    %add3A_389 = arith.constant 1.000000e+00 : f32
    %add3A_390 = vector.broadcast %add3A_389 : f32 to vector<16xf32>
    %add3A_391 = arith.addf %add3A_390, %exp3A_388 : vector<16xf32>
    %div3A_392 = arith.constant 1.000000e+00 : f32
    %div3A_393 = vector.broadcast %div3A_392 : f32 to vector<16xf32>
    %div3A_394 = arith.divf %div3A_393, %add3A_391 : vector<16xf32>
    %get3A_395 = arith.constant 0 : i32
    %get3A_396 = arith.index_cast %get3A_395 : i32 to index
    %get3A_397 = arith.constant 32 : index
    %get3A_398 = tpu.vector_load %arg12[%get3A_396, %get3A_397] {strides = array<i32>} : memref<4x128xf32, #tpu.memory_space<vmem>>, vector<1x16xf32>,
    %get3A_399 = vector.shape_cast %get3A_398 : vector<1x16xf32> to vector<16xf32>
    %neg3A_400 = arith.constant 0.000000e+00 : f32
    %neg3A_401 = vector.broadcast %neg3A_400 : f32 to vector<16xf32>
    %neg3A_402 = arith.subf %neg3A_401, %get3A_399 : vector<16xf32>
    %exp3A_403 = math.exp %neg3A_402 : vector<16xf32>
    %add3A_404 = arith.constant 1.000000e+00 : f32
    %add3A_405 = vector.broadcast %add3A_404 : f32 to vector<16xf32>
    %add3A_406 = arith.addf %add3A_405, %exp3A_403 : vector<16xf32>
    %div3A_407 = arith.constant 1.000000e+00 : f32
    %div3A_408 = vector.broadcast %div3A_407 : f32 to vector<16xf32>
    %div3A_409 = arith.divf %div3A_408, %add3A_406 : vector<16xf32>
    %mul3A_410 = arith.constant 1.700000e+00 : f32
    %mul3A_411 = vector.broadcast %mul3A_410 : f32 to vector<16xf32>
    %mul3A_412 = arith.mulf %mul3A_411, %div3A_409 : vector<16xf32>
    %sub3A_413 = arith.subf %div3A_379, %div3A_394 : vector<16xf32>
    %mul3A_414 = arith.mulf %mul3A_412, %sub3A_413 : vector<16xf32>
    %neg3A_415 = arith.constant 0.000000e+00 : f32
    %neg3A_416 = vector.broadcast %neg3A_415 : f32 to vector<16xf32>
    %neg3A_417 = arith.subf %neg3A_416, %mul3A_414 : vector<16xf32>
    %exp3A_418 = math.exp %neg3A_417 : vector<16xf32>
    %add3A_419 = arith.constant 1.000000e+00 : f32
    %add3A_420 = vector.broadcast %add3A_419 : f32 to vector<16xf32>
    %add3A_421 = arith.addf %add3A_420, %exp3A_418 : vector<16xf32>
    %div3A_422 = arith.constant 1.000000e+00 : f32
    %div3A_423 = vector.broadcast %div3A_422 : f32 to vector<16xf32>
    %div3A_424 = arith.divf %div3A_423, %add3A_421 : vector<16xf32>
    %swap3A_425 = arith.constant 0 : i32
    %swap3A_426 = arith.index_cast %swap3A_425 : i32 to index
    %swap3A_427 = arith.constant 32 : index
    %swap3A_428 = tpu.vector_load %arg13[%swap3A_426, %swap3A_427] {strides = array<i32>} : memref<4x128xf32, #tpu.memory_space<vmem>>, vector<1x16xf32>,
    %swap3A_429 = vector.shape_cast %swap3A_428 : vector<1x16xf32> to vector<16xf32>
    %swap3A_430 = vector.shape_cast %div3A_424 : vector<16xf32> to vector<1x16xf32>
    tpu.vector_store %arg13[%swap3A_426, %swap3A_427], %swap3A_430 {strides = array<i32>} : memref<4x128xf32, #tpu.memory_space<vmem>>, vector<1x16xf32>,
    %get3A_431 = arith.constant 0 : i32
    %get3A_432 = arith.index_cast %get3A_431 : i32 to index
    %get3A_433 = arith.constant 48 : index
    %get3A_434 = tpu.vector_load %arg10[%get3A_432, %get3A_433] {strides = array<i32>} : memref<4x128xf32, #tpu.memory_space<vmem>>, vector<1x16xf32>,
    %get3A_435 = vector.shape_cast %get3A_434 : vector<1x16xf32> to vector<16xf32>
    %neg3A_436 = arith.constant 0.000000e+00 : f32
    %neg3A_437 = vector.broadcast %neg3A_436 : f32 to vector<16xf32>
    %neg3A_438 = arith.subf %neg3A_437, %get3A_435 : vector<16xf32>
    %exp3A_439 = math.exp %neg3A_438 : vector<16xf32>
    %add3A_440 = arith.constant 1.000000e+00 : f32
    %add3A_441 = vector.broadcast %add3A_440 : f32 to vector<16xf32>
    %add3A_442 = arith.addf %add3A_441, %exp3A_439 : vector<16xf32>
    %div3A_443 = arith.constant 1.000000e+00 : f32
    %div3A_444 = vector.broadcast %div3A_443 : f32 to vector<16xf32>
    %div3A_445 = arith.divf %div3A_444, %add3A_442 : vector<16xf32>
    %get3A_446 = arith.constant 0 : i32
    %get3A_447 = arith.index_cast %get3A_446 : i32 to index
    %get3A_448 = arith.constant 48 : index
    %get3A_449 = tpu.vector_load %arg11[%get3A_447, %get3A_448] {strides = array<i32>} : memref<4x128xf32, #tpu.memory_space<vmem>>, vector<1x16xf32>,
    %get3A_450 = vector.shape_cast %get3A_449 : vector<1x16xf32> to vector<16xf32>
    %neg3A_451 = arith.constant 0.000000e+00 : f32
    %neg3A_452 = vector.broadcast %neg3A_451 : f32 to vector<16xf32>
    %neg3A_453 = arith.subf %neg3A_452, %get3A_450 : vector<16xf32>
    %exp3A_454 = math.exp %neg3A_453 : vector<16xf32>
    %add3A_455 = arith.constant 1.000000e+00 : f32
    %add3A_456 = vector.broadcast %add3A_455 : f32 to vector<16xf32>
    %add3A_457 = arith.addf %add3A_456, %exp3A_454 : vector<16xf32>
    %div3A_458 = arith.constant 1.000000e+00 : f32
    %div3A_459 = vector.broadcast %div3A_458 : f32 to vector<16xf32>
    %div3A_460 = arith.divf %div3A_459, %add3A_457 : vector<16xf32>
    %get3A_461 = arith.constant 0 : i32
    %get3A_462 = arith.index_cast %get3A_461 : i32 to index
    %get3A_463 = arith.constant 48 : index
    %get3A_464 = tpu.vector_load %arg12[%get3A_462, %get3A_463] {strides = array<i32>} : memref<4x128xf32, #tpu.memory_space<vmem>>, vector<1x16xf32>,
    %get3A_465 = vector.shape_cast %get3A_464 : vector<1x16xf32> to vector<16xf32>
    %neg3A_466 = arith.constant 0.000000e+00 : f32
    %neg3A_467 = vector.broadcast %neg3A_466 : f32 to vector<16xf32>
    %neg3A_468 = arith.subf %neg3A_467, %get3A_465 : vector<16xf32>
    %exp3A_469 = math.exp %neg3A_468 : vector<16xf32>
    %add3A_470 = arith.constant 1.000000e+00 : f32
    %add3A_471 = vector.broadcast %add3A_470 : f32 to vector<16xf32>
    %add3A_472 = arith.addf %add3A_471, %exp3A_469 : vector<16xf32>
    %div3A_473 = arith.constant 1.000000e+00 : f32
    %div3A_474 = vector.broadcast %div3A_473 : f32 to vector<16xf32>
    %div3A_475 = arith.divf %div3A_474, %add3A_472 : vector<16xf32>
    %mul3A_476 = arith.constant 1.700000e+00 : f32
    %mul3A_477 = vector.broadcast %mul3A_476 : f32 to vector<16xf32>
    %mul3A_478 = arith.mulf %mul3A_477, %div3A_475 : vector<16xf32>
    %sub3A_479 = arith.subf %div3A_445, %div3A_460 : vector<16xf32>
    %mul3A_480 = arith.mulf %mul3A_478, %sub3A_479 : vector<16xf32>
    %neg3A_481 = arith.constant 0.000000e+00 : f32
    %neg3A_482 = vector.broadcast %neg3A_481 : f32 to vector<16xf32>
    %neg3A_483 = arith.subf %neg3A_482, %mul3A_480 : vector<16xf32>
    %exp3A_484 = math.exp %neg3A_483 : vector<16xf32>
    %add3A_485 = arith.constant 1.000000e+00 : f32
    %add3A_486 = vector.broadcast %add3A_485 : f32 to vector<16xf32>
    %add3A_487 = arith.addf %add3A_486, %exp3A_484 : vector<16xf32>
    %div3A_488 = arith.constant 1.000000e+00 : f32
    %div3A_489 = vector.broadcast %div3A_488 : f32 to vector<16xf32>
    %div3A_490 = arith.divf %div3A_489, %add3A_487 : vector<16xf32>
    %swap3A_491 = arith.constant 0 : i32
    %swap3A_492 = arith.index_cast %swap3A_491 : i32 to index
    %swap3A_493 = arith.constant 48 : index
    %swap3A_494 = tpu.vector_load %arg13[%swap3A_492, %swap3A_493] {strides = array<i32>} : memref<4x128xf32, #tpu.memory_space<vmem>>, vector<1x16xf32>,
    %swap3A_495 = vector.shape_cast %swap3A_494 : vector<1x16xf32> to vector<16xf32>
    %swap3A_496 = vector.shape_cast %div3A_490 : vector<16xf32> to vector<1x16xf32>
    tpu.vector_store %arg13[%swap3A_492, %swap3A_493], %swap3A_496 {strides = array<i32>} : memref<4x128xf32, #tpu.memory_space<vmem>>, vector<1x16xf32>,
    %get3A_497 = arith.constant 0 : i32
    %get3A_498 = arith.index_cast %get3A_497 : i32 to index
    %get3A_499 = arith.constant 64 : index
    %get3A_500 = tpu.vector_load %arg10[%get3A_498, %get3A_499] {strides = array<i32>} : memref<4x128xf32, #tpu.memory_space<vmem>>, vector<1x16xf32>,
    %get3A_501 = vector.shape_cast %get3A_500 : vector<1x16xf32> to vector<16xf32>
    %neg3A_502 = arith.constant 0.000000e+00 : f32
    %neg3A_503 = vector.broadcast %neg3A_502 : f32 to vector<16xf32>
    %neg3A_504 = arith.subf %neg3A_503, %get3A_501 : vector<16xf32>
    %exp3A_505 = math.exp %neg3A_504 : vector<16xf32>
    %add3A_506 = arith.constant 1.000000e+00 : f32
    %add3A_507 = vector.broadcast %add3A_506 : f32 to vector<16xf32>
    %add3A_508 = arith.addf %add3A_507, %exp3A_505 : vector<16xf32>
    %div3A_509 = arith.constant 1.000000e+00 : f32
    %div3A_510 = vector.broadcast %div3A_509 : f32 to vector<16xf32>
    %div3A_511 = arith.divf %div3A_510, %add3A_508 : vector<16xf32>
    %get3A_512 = arith.constant 0 : i32
    %get3A_513 = arith.index_cast %get3A_512 : i32 to index
    %get3A_514 = arith.constant 64 : index
    %get3A_515 = tpu.vector_load %arg11[%get3A_513, %get3A_514] {strides = array<i32>} : memref<4x128xf32, #tpu.memory_space<vmem>>, vector<1x16xf32>,
    %get3A_516 = vector.shape_cast %get3A_515 : vector<1x16xf32> to vector<16xf32>
    %neg3A_517 = arith.constant 0.000000e+00 : f32
    %neg3A_518 = vector.broadcast %neg3A_517 : f32 to vector<16xf32>
    %neg3A_519 = arith.subf %neg3A_518, %get3A_516 : vector<16xf32>
    %exp3A_520 = math.exp %neg3A_519 : vector<16xf32>
    %add3A_521 = arith.constant 1.000000e+00 : f32
    %add3A_522 = vector.broadcast %add3A_521 : f32 to vector<16xf32>
    %add3A_523 = arith.addf %add3A_522, %exp3A_520 : vector<16xf32>
    %div3A_524 = arith.constant 1.000000e+00 : f32
    %div3A_525 = vector.broadcast %div3A_524 : f32 to vector<16xf32>
    %div3A_526 = arith.divf %div3A_525, %add3A_523 : vector<16xf32>
    %get3A_527 = arith.constant 0 : i32
    %get3A_528 = arith.index_cast %get3A_527 : i32 to index
    %get3A_529 = arith.constant 64 : index
    %get3A_530 = tpu.vector_load %arg12[%get3A_528, %get3A_529] {strides = array<i32>} : memref<4x128xf32, #tpu.memory_space<vmem>>, vector<1x16xf32>,
    %get3A_531 = vector.shape_cast %get3A_530 : vector<1x16xf32> to vector<16xf32>
    %neg3A_532 = arith.constant 0.000000e+00 : f32
    %neg3A_533 = vector.broadcast %neg3A_532 : f32 to vector<16xf32>
    %neg3A_534 = arith.subf %neg3A_533, %get3A_531 : vector<16xf32>
    %exp3A_535 = math.exp %neg3A_534 : vector<16xf32>
    %add3A_536 = arith.constant 1.000000e+00 : f32
    %add3A_537 = vector.broadcast %add3A_536 : f32 to vector<16xf32>
    %add3A_538 = arith.addf %add3A_537, %exp3A_535 : vector<16xf32>
    %div3A_539 = arith.constant 1.000000e+00 : f32
    %div3A_540 = vector.broadcast %div3A_539 : f32 to vector<16xf32>
    %div3A_541 = arith.divf %div3A_540, %add3A_538 : vector<16xf32>
    %mul3A_542 = arith.constant 1.700000e+00 : f32
    %mul3A_543 = vector.broadcast %mul3A_542 : f32 to vector<16xf32>
    %mul3A_544 = arith.mulf %mul3A_543, %div3A_541 : vector<16xf32>
    %sub3A_545 = arith.subf %div3A_511, %div3A_526 : vector<16xf32>
    %mul3A_546 = arith.mulf %mul3A_544, %sub3A_545 : vector<16xf32>
    %neg3A_547 = arith.constant 0.000000e+00 : f32
    %neg3A_548 = vector.broadcast %neg3A_547 : f32 to vector<16xf32>
    %neg3A_549 = arith.subf %neg3A_548, %mul3A_546 : vector<16xf32>
    %exp3A_550 = math.exp %neg3A_549 : vector<16xf32>
    %add3A_551 = arith.constant 1.000000e+00 : f32
    %add3A_552 = vector.broadcast %add3A_551 : f32 to vector<16xf32>
    %add3A_553 = arith.addf %add3A_552, %exp3A_550 : vector<16xf32>
    %div3A_554 = arith.constant 1.000000e+00 : f32
    %div3A_555 = vector.broadcast %div3A_554 : f32 to vector<16xf32>
    %div3A_556 = arith.divf %div3A_555, %add3A_553 : vector<16xf32>
    %swap3A_557 = arith.constant 0 : i32
    %swap3A_558 = arith.index_cast %swap3A_557 : i32 to index
    %swap3A_559 = arith.constant 64 : index
    %swap3A_560 = tpu.vector_load %arg13[%swap3A_558, %swap3A_559] {strides = array<i32>} : memref<4x128xf32, #tpu.memory_space<vmem>>, vector<1x16xf32>,
    %swap3A_561 = vector.shape_cast %swap3A_560 : vector<1x16xf32> to vector<16xf32>
    %swap3A_562 = vector.shape_cast %div3A_556 : vector<16xf32> to vector<1x16xf32>
    tpu.vector_store %arg13[%swap3A_558, %swap3A_559], %swap3A_562 {strides = array<i32>} : memref<4x128xf32, #tpu.memory_space<vmem>>, vector<1x16xf32>,
    %get3A_563 = arith.constant 0 : i32
    %get3A_564 = arith.index_cast %get3A_563 : i32 to index
    %get3A_565 = arith.constant 80 : index
    %get3A_566 = tpu.vector_load %arg10[%get3A_564, %get3A_565] {strides = array<i32>} : memref<4x128xf32, #tpu.memory_space<vmem>>, vector<1x16xf32>,
    %get3A_567 = vector.shape_cast %get3A_566 : vector<1x16xf32> to vector<16xf32>
    %neg3A_568 = arith.constant 0.000000e+00 : f32
    %neg3A_569 = vector.broadcast %neg3A_568 : f32 to vector<16xf32>
    %neg3A_570 = arith.subf %neg3A_569, %get3A_567 : vector<16xf32>
    %exp3A_571 = math.exp %neg3A_570 : vector<16xf32>
    %add3A_572 = arith.constant 1.000000e+00 : f32
    %add3A_573 = vector.broadcast %add3A_572 : f32 to vector<16xf32>
    %add3A_574 = arith.addf %add3A_573, %exp3A_571 : vector<16xf32>
    %div3A_575 = arith.constant 1.000000e+00 : f32
    %div3A_576 = vector.broadcast %div3A_575 : f32 to vector<16xf32>
    %div3A_577 = arith.divf %div3A_576, %add3A_574 : vector<16xf32>
    %get3A_578 = arith.constant 0 : i32
    %get3A_579 = arith.index_cast %get3A_578 : i32 to index
    %get3A_580 = arith.constant 80 : index
    %get3A_581 = tpu.vector_load %arg11[%get3A_579, %get3A_580] {strides = array<i32>} : memref<4x128xf32, #tpu.memory_space<vmem>>, vector<1x16xf32>,
    %get3A_582 = vector.shape_cast %get3A_581 : vector<1x16xf32> to vector<16xf32>
    %neg3A_583 = arith.constant 0.000000e+00 : f32
    %neg3A_584 = vector.broadcast %neg3A_583 : f32 to vector<16xf32>
    %neg3A_585 = arith.subf %neg3A_584, %get3A_582 : vector<16xf32>
    %exp3A_586 = math.exp %neg3A_585 : vector<16xf32>
    %add3A_587 = arith.constant 1.000000e+00 : f32
    %add3A_588 = vector.broadcast %add3A_587 : f32 to vector<16xf32>
    %add3A_589 = arith.addf %add3A_588, %exp3A_586 : vector<16xf32>
    %div3A_590 = arith.constant 1.000000e+00 : f32
    %div3A_591 = vector.broadcast %div3A_590 : f32 to vector<16xf32>
    %div3A_592 = arith.divf %div3A_591, %add3A_589 : vector<16xf32>
    %get3A_593 = arith.constant 0 : i32
    %get3A_594 = arith.index_cast %get3A_593 : i32 to index
    %get3A_595 = arith.constant 80 : index
    %get3A_596 = tpu.vector_load %arg12[%get3A_594, %get3A_595] {strides = array<i32>} : memref<4x128xf32, #tpu.memory_space<vmem>>, vector<1x16xf32>,
    %get3A_597 = vector.shape_cast %get3A_596 : vector<1x16xf32> to vector<16xf32>
    %neg3A_598 = arith.constant 0.000000e+00 : f32
    %neg3A_599 = vector.broadcast %neg3A_598 : f32 to vector<16xf32>
    %neg3A_600 = arith.subf %neg3A_599, %get3A_597 : vector<16xf32>
    %exp3A_601 = math.exp %neg3A_600 : vector<16xf32>
    %add3A_602 = arith.constant 1.000000e+00 : f32
    %add3A_603 = vector.broadcast %add3A_602 : f32 to vector<16xf32>
    %add3A_604 = arith.addf %add3A_603, %exp3A_601 : vector<16xf32>
    %div3A_605 = arith.constant 1.000000e+00 : f32
    %div3A_606 = vector.broadcast %div3A_605 : f32 to vector<16xf32>
    %div3A_607 = arith.divf %div3A_606, %add3A_604 : vector<16xf32>
    %mul3A_608 = arith.constant 1.700000e+00 : f32
    %mul3A_609 = vector.broadcast %mul3A_608 : f32 to vector<16xf32>
    %mul3A_610 = arith.mulf %mul3A_609, %div3A_607 : vector<16xf32>
    %sub3A_611 = arith.subf %div3A_577, %div3A_592 : vector<16xf32>
    %mul3A_612 = arith.mulf %mul3A_610, %sub3A_611 : vector<16xf32>
    %neg3A_613 = arith.constant 0.000000e+00 : f32
    %neg3A_614 = vector.broadcast %neg3A_613 : f32 to vector<16xf32>
    %neg3A_615 = arith.subf %neg3A_614, %mul3A_612 : vector<16xf32>
    %exp3A_616 = math.exp %neg3A_615 : vector<16xf32>
    %add3A_617 = arith.constant 1.000000e+00 : f32
    %add3A_618 = vector.broadcast %add3A_617 : f32 to vector<16xf32>
    %add3A_619 = arith.addf %add3A_618, %exp3A_616 : vector<16xf32>
    %div3A_620 = arith.constant 1.000000e+00 : f32
    %div3A_621 = vector.broadcast %div3A_620 : f32 to vector<16xf32>
    %div3A_622 = arith.divf %div3A_621, %add3A_619 : vector<16xf32>
    %swap3A_623 = arith.constant 0 : i32
    %swap3A_624 = arith.index_cast %swap3A_623 : i32 to index
    %swap3A_625 = arith.constant 80 : index
    %swap3A_626 = tpu.vector_load %arg13[%swap3A_624, %swap3A_625] {strides = array<i32>} : memref<4x128xf32, #tpu.memory_space<vmem>>, vector<1x16xf32>,
    %swap3A_627 = vector.shape_cast %swap3A_626 : vector<1x16xf32> to vector<16xf32>
    %swap3A_628 = vector.shape_cast %div3A_622 : vector<16xf32> to vector<1x16xf32>
    tpu.vector_store %arg13[%swap3A_624, %swap3A_625], %swap3A_628 {strides = array<i32>} : memref<4x128xf32, #tpu.memory_space<vmem>>, vector<1x16xf32>,
    %get3A_629 = arith.constant 0 : i32
    %get3A_630 = arith.index_cast %get3A_629 : i32 to index
    %get3A_631 = arith.constant 96 : index
    %get3A_632 = tpu.vector_load %arg10[%get3A_630, %get3A_631] {strides = array<i32>} : memref<4x128xf32, #tpu.memory_space<vmem>>, vector<1x16xf32>,
    %get3A_633 = vector.shape_cast %get3A_632 : vector<1x16xf32> to vector<16xf32>
    %neg3A_634 = arith.constant 0.000000e+00 : f32
    %neg3A_635 = vector.broadcast %neg3A_634 : f32 to vector<16xf32>
    %neg3A_636 = arith.subf %neg3A_635, %get3A_633 : vector<16xf32>
    %exp3A_637 = math.exp %neg3A_636 : vector<16xf32>
    %add3A_638 = arith.constant 1.000000e+00 : f32
    %add3A_639 = vector.broadcast %add3A_638 : f32 to vector<16xf32>
    %add3A_640 = arith.addf %add3A_639, %exp3A_637 : vector<16xf32>
    %div3A_641 = arith.constant 1.000000e+00 : f32
    %div3A_642 = vector.broadcast %div3A_641 : f32 to vector<16xf32>
    %div3A_643 = arith.divf %div3A_642, %add3A_640 : vector<16xf32>
    %get3A_644 = arith.constant 0 : i32
    %get3A_645 = arith.index_cast %get3A_644 : i32 to index
    %get3A_646 = arith.constant 96 : index
    %get3A_647 = tpu.vector_load %arg11[%get3A_645, %get3A_646] {strides = array<i32>} : memref<4x128xf32, #tpu.memory_space<vmem>>, vector<1x16xf32>,
    %get3A_648 = vector.shape_cast %get3A_647 : vector<1x16xf32> to vector<16xf32>
    %neg3A_649 = arith.constant 0.000000e+00 : f32
    %neg3A_650 = vector.broadcast %neg3A_649 : f32 to vector<16xf32>
    %neg3A_651 = arith.subf %neg3A_650, %get3A_648 : vector<16xf32>
    %exp3A_652 = math.exp %neg3A_651 : vector<16xf32>
    %add3A_653 = arith.constant 1.000000e+00 : f32
    %add3A_654 = vector.broadcast %add3A_653 : f32 to vector<16xf32>
    %add3A_655 = arith.addf %add3A_654, %exp3A_652 : vector<16xf32>
    %div3A_656 = arith.constant 1.000000e+00 : f32
    %div3A_657 = vector.broadcast %div3A_656 : f32 to vector<16xf32>
    %div3A_658 = arith.divf %div3A_657, %add3A_655 : vector<16xf32>
    %get3A_659 = arith.constant 0 : i32
    %get3A_660 = arith.index_cast %get3A_659 : i32 to index
    %get3A_661 = arith.constant 96 : index
    %get3A_662 = tpu.vector_load %arg12[%get3A_660, %get3A_661] {strides = array<i32>} : memref<4x128xf32, #tpu.memory_space<vmem>>, vector<1x16xf32>,
    %get3A_663 = vector.shape_cast %get3A_662 : vector<1x16xf32> to vector<16xf32>
    %neg3A_664 = arith.constant 0.000000e+00 : f32
    %neg3A_665 = vector.broadcast %neg3A_664 : f32 to vector<16xf32>
    %neg3A_666 = arith.subf %neg3A_665, %get3A_663 : vector<16xf32>
    %exp3A_667 = math.exp %neg3A_666 : vector<16xf32>
    %add3A_668 = arith.constant 1.000000e+00 : f32
    %add3A_669 = vector.broadcast %add3A_668 : f32 to vector<16xf32>
    %add3A_670 = arith.addf %add3A_669, %exp3A_667 : vector<16xf32>
    %div3A_671 = arith.constant 1.000000e+00 : f32
    %div3A_672 = vector.broadcast %div3A_671 : f32 to vector<16xf32>
    %div3A_673 = arith.divf %div3A_672, %add3A_670 : vector<16xf32>
    %mul3A_674 = arith.constant 1.700000e+00 : f32
    %mul3A_675 = vector.broadcast %mul3A_674 : f32 to vector<16xf32>
    %mul3A_676 = arith.mulf %mul3A_675, %div3A_673 : vector<16xf32>
    %sub3A_677 = arith.subf %div3A_643, %div3A_658 : vector<16xf32>
    %mul3A_678 = arith.mulf %mul3A_676, %sub3A_677 : vector<16xf32>
    %neg3A_679 = arith.constant 0.000000e+00 : f32
    %neg3A_680 = vector.broadcast %neg3A_679 : f32 to vector<16xf32>
    %neg3A_681 = arith.subf %neg3A_680, %mul3A_678 : vector<16xf32>
    %exp3A_682 = math.exp %neg3A_681 : vector<16xf32>
    %add3A_683 = arith.constant 1.000000e+00 : f32
    %add3A_684 = vector.broadcast %add3A_683 : f32 to vector<16xf32>
    %add3A_685 = arith.addf %add3A_684, %exp3A_682 : vector<16xf32>
    %div3A_686 = arith.constant 1.000000e+00 : f32
    %div3A_687 = vector.broadcast %div3A_686 : f32 to vector<16xf32>
    %div3A_688 = arith.divf %div3A_687, %add3A_685 : vector<16xf32>
    %swap3A_689 = arith.constant 0 : i32
    %swap3A_690 = arith.index_cast %swap3A_689 : i32 to index
    %swap3A_691 = arith.constant 96 : index
    %swap3A_692 = tpu.vector_load %arg13[%swap3A_690, %swap3A_691] {strides = array<i32>} : memref<4x128xf32, #tpu.memory_space<vmem>>, vector<1x16xf32>,
    %swap3A_693 = vector.shape_cast %swap3A_692 : vector<1x16xf32> to vector<16xf32>
    %swap3A_694 = vector.shape_cast %div3A_688 : vector<16xf32> to vector<1x16xf32>
    tpu.vector_store %arg13[%swap3A_690, %swap3A_691], %swap3A_694 {strides = array<i32>} : memref<4x128xf32, #tpu.memory_space<vmem>>, vector<1x16xf32>,
    %get3A_695 = arith.constant 0 : i32
    %get3A_696 = arith.index_cast %get3A_695 : i32 to index
    %get3A_697 = arith.constant 112 : index
    %get3A_698 = tpu.vector_load %arg10[%get3A_696, %get3A_697] {strides = array<i32>} : memref<4x128xf32, #tpu.memory_space<vmem>>, vector<1x16xf32>,
    %get3A_699 = vector.shape_cast %get3A_698 : vector<1x16xf32> to vector<16xf32>
    %neg3A_700 = arith.constant 0.000000e+00 : f32
    %neg3A_701 = vector.broadcast %neg3A_700 : f32 to vector<16xf32>
    %neg3A_702 = arith.subf %neg3A_701, %get3A_699 : vector<16xf32>
    %exp3A_703 = math.exp %neg3A_702 : vector<16xf32>
    %add3A_704 = arith.constant 1.000000e+00 : f32
    %add3A_705 = vector.broadcast %add3A_704 : f32 to vector<16xf32>
    %add3A_706 = arith.addf %add3A_705, %exp3A_703 : vector<16xf32>
    %div3A_707 = arith.constant 1.000000e+00 : f32
    %div3A_708 = vector.broadcast %div3A_707 : f32 to vector<16xf32>
    %div3A_709 = arith.divf %div3A_708, %add3A_706 : vector<16xf32>
    %get3A_710 = arith.constant 0 : i32
    %get3A_711 = arith.index_cast %get3A_710 : i32 to index
    %get3A_712 = arith.constant 112 : index
    %get3A_713 = tpu.vector_load %arg11[%get3A_711, %get3A_712] {strides = array<i32>} : memref<4x128xf32, #tpu.memory_space<vmem>>, vector<1x16xf32>,
    %get3A_714 = vector.shape_cast %get3A_713 : vector<1x16xf32> to vector<16xf32>
    %neg3A_715 = arith.constant 0.000000e+00 : f32
    %neg3A_716 = vector.broadcast %neg3A_715 : f32 to vector<16xf32>
    %neg3A_717 = arith.subf %neg3A_716, %get3A_714 : vector<16xf32>
    %exp3A_718 = math.exp %neg3A_717 : vector<16xf32>
    %add3A_719 = arith.constant 1.000000e+00 : f32
    %add3A_720 = vector.broadcast %add3A_719 : f32 to vector<16xf32>
    %add3A_721 = arith.addf %add3A_720, %exp3A_718 : vector<16xf32>
    %div3A_722 = arith.constant 1.000000e+00 : f32
    %div3A_723 = vector.broadcast %div3A_722 : f32 to vector<16xf32>
    %div3A_724 = arith.divf %div3A_723, %add3A_721 : vector<16xf32>
    %get3A_725 = arith.constant 0 : i32
    %get3A_726 = arith.index_cast %get3A_725 : i32 to index
    %get3A_727 = arith.constant 112 : index
    %get3A_728 = tpu.vector_load %arg12[%get3A_726, %get3A_727] {strides = array<i32>} : memref<4x128xf32, #tpu.memory_space<vmem>>, vector<1x16xf32>,
    %get3A_729 = vector.shape_cast %get3A_728 : vector<1x16xf32> to vector<16xf32>
    %neg3A_730 = arith.constant 0.000000e+00 : f32
    %neg3A_731 = vector.broadcast %neg3A_730 : f32 to vector<16xf32>
    %neg3A_732 = arith.subf %neg3A_731, %get3A_729 : vector<16xf32>
    %exp3A_733 = math.exp %neg3A_732 : vector<16xf32>
    %add3A_734 = arith.constant 1.000000e+00 : f32
    %add3A_735 = vector.broadcast %add3A_734 : f32 to vector<16xf32>
    %add3A_736 = arith.addf %add3A_735, %exp3A_733 : vector<16xf32>
    %div3A_737 = arith.constant 1.000000e+00 : f32
    %div3A_738 = vector.broadcast %div3A_737 : f32 to vector<16xf32>
    %div3A_739 = arith.divf %div3A_738, %add3A_736 : vector<16xf32>
    %mul3A_740 = arith.constant 1.700000e+00 : f32
    %mul3A_741 = vector.broadcast %mul3A_740 : f32 to vector<16xf32>
    %mul3A_742 = arith.mulf %mul3A_741, %div3A_739 : vector<16xf32>
    %sub3A_743 = arith.subf %div3A_709, %div3A_724 : vector<16xf32>
    %mul3A_744 = arith.mulf %mul3A_742, %sub3A_743 : vector<16xf32>
    %neg3A_745 = arith.constant 0.000000e+00 : f32
    %neg3A_746 = vector.broadcast %neg3A_745 : f32 to vector<16xf32>
    %neg3A_747 = arith.subf %neg3A_746, %mul3A_744 : vector<16xf32>
    %exp3A_748 = math.exp %neg3A_747 : vector<16xf32>
    %add3A_749 = arith.constant 1.000000e+00 : f32
    %add3A_750 = vector.broadcast %add3A_749 : f32 to vector<16xf32>
    %add3A_751 = arith.addf %add3A_750, %exp3A_748 : vector<16xf32>
    %div3A_752 = arith.constant 1.000000e+00 : f32
    %div3A_753 = vector.broadcast %div3A_752 : f32 to vector<16xf32>
    %div3A_754 = arith.divf %div3A_753, %add3A_751 : vector<16xf32>
    %swap3A_755 = arith.constant 0 : i32
    %swap3A_756 = arith.index_cast %swap3A_755 : i32 to index
    %swap3A_757 = arith.constant 112 : index
    %swap3A_758 = tpu.vector_load %arg13[%swap3A_756, %swap3A_757] {strides = array<i32>} : memref<4x128xf32, #tpu.memory_space<vmem>>, vector<1x16xf32>,
    %swap3A_759 = vector.shape_cast %swap3A_758 : vector<1x16xf32> to vector<16xf32>
    %swap3A_760 = vector.shape_cast %div3A_754 : vector<16xf32> to vector<1x16xf32>
    tpu.vector_store %arg13[%swap3A_756, %swap3A_757], %swap3A_760 {strides = array<i32>} : memref<4x128xf32, #tpu.memory_space<vmem>>, vector<1x16xf32>,
    %get3A_761 = arith.constant 1 : i32
    %get3A_762 = arith.index_cast %get3A_761 : i32 to index
    %get3A_763 = arith.constant 0 : index
    %get3A_764 = tpu.vector_load %arg10[%get3A_762, %get3A_763] {strides = array<i32>} : memref<4x128xf32, #tpu.memory_space<vmem>>, vector<1x16xf32>,
    %get3A_765 = vector.shape_cast %get3A_764 : vector<1x16xf32> to vector<16xf32>
    %neg3A_766 = arith.constant 0.000000e+00 : f32
    %neg3A_767 = vector.broadcast %neg3A_766 : f32 to vector<16xf32>
    %neg3A_768 = arith.subf %neg3A_767, %get3A_765 : vector<16xf32>
    %exp3A_769 = math.exp %neg3A_768 : vector<16xf32>
    %add3A_770 = arith.constant 1.000000e+00 : f32
    %add3A_771 = vector.broadcast %add3A_770 : f32 to vector<16xf32>
    %add3A_772 = arith.addf %add3A_771, %exp3A_769 : vector<16xf32>
    %div3A_773 = arith.constant 1.000000e+00 : f32
    %div3A_774 = vector.broadcast %div3A_773 : f32 to vector<16xf32>
    %div3A_775 = arith.divf %div3A_774, %add3A_772 : vector<16xf32>
    %get3A_776 = arith.constant 1 : i32
    %get3A_777 = arith.index_cast %get3A_776 : i32 to index
    %get3A_778 = arith.constant 0 : index
    %get3A_779 = tpu.vector_load %arg11[%get3A_777, %get3A_778] {strides = array<i32>} : memref<4x128xf32, #tpu.memory_space<vmem>>, vector<1x16xf32>,
    %get3A_780 = vector.shape_cast %get3A_779 : vector<1x16xf32> to vector<16xf32>
    %neg3A_781 = arith.constant 0.000000e+00 : f32
    %neg3A_782 = vector.broadcast %neg3A_781 : f32 to vector<16xf32>
    %neg3A_783 = arith.subf %neg3A_782, %get3A_780 : vector<16xf32>
    %exp3A_784 = math.exp %neg3A_783 : vector<16xf32>
    %add3A_785 = arith.constant 1.000000e+00 : f32
    %add3A_786 = vector.broadcast %add3A_785 : f32 to vector<16xf32>
    %add3A_787 = arith.addf %add3A_786, %exp3A_784 : vector<16xf32>
    %div3A_788 = arith.constant 1.000000e+00 : f32
    %div3A_789 = vector.broadcast %div3A_788 : f32 to vector<16xf32>
    %div3A_790 = arith.divf %div3A_789, %add3A_787 : vector<16xf32>
    %get3A_791 = arith.constant 1 : i32
    %get3A_792 = arith.index_cast %get3A_791 : i32 to index
    %get3A_793 = arith.constant 0 : index
    %get3A_794 = tpu.vector_load %arg12[%get3A_792, %get3A_793] {strides = array<i32>} : memref<4x128xf32, #tpu.memory_space<vmem>>, vector<1x16xf32>,
    %get3A_795 = vector.shape_cast %get3A_794 : vector<1x16xf32> to vector<16xf32>
    %neg3A_796 = arith.constant 0.000000e+00 : f32
    %neg3A_797 = vector.broadcast %neg3A_796 : f32 to vector<16xf32>
    %neg3A_798 = arith.subf %neg3A_797, %get3A_795 : vector<16xf32>
    %exp3A_799 = math.exp %neg3A_798 : vector<16xf32>
    %add3A_800 = arith.constant 1.000000e+00 : f32
    %add3A_801 = vector.broadcast %add3A_800 : f32 to vector<16xf32>
    %add3A_802 = arith.addf %add3A_801, %exp3A_799 : vector<16xf32>
    %div3A_803 = arith.constant 1.000000e+00 : f32
    %div3A_804 = vector.broadcast %div3A_803 : f32 to vector<16xf32>
    %div3A_805 = arith.divf %div3A_804, %add3A_802 : vector<16xf32>
    %mul3A_806 = arith.constant 1.700000e+00 : f32
    %mul3A_807 = vector.broadcast %mul3A_806 : f32 to vector<16xf32>
    %mul3A_808 = arith.mulf %mul3A_807, %div3A_805 : vector<16xf32>
    %sub3A_809 = arith.subf %div3A_775, %div3A_790 : vector<16xf32>
    %mul3A_810 = arith.mulf %mul3A_808, %sub3A_809 : vector<16xf32>
    %neg3A_811 = arith.constant 0.000000e+00 : f32
    %neg3A_812 = vector.broadcast %neg3A_811 : f32 to vector<16xf32>
    %neg3A_813 = arith.subf %neg3A_812, %mul3A_810 : vector<16xf32>
    %exp3A_814 = math.exp %neg3A_813 : vector<16xf32>
    %add3A_815 = arith.constant 1.000000e+00 : f32
    %add3A_816 = vector.broadcast %add3A_815 : f32 to vector<16xf32>
    %add3A_817 = arith.addf %add3A_816, %exp3A_814 : vector<16xf32>
    %div3A_818 = arith.constant 1.000000e+00 : f32
    %div3A_819 = vector.broadcast %div3A_818 : f32 to vector<16xf32>
    %div3A_820 = arith.divf %div3A_819, %add3A_817 : vector<16xf32>
    %swap3A_821 = arith.constant 1 : i32
    %swap3A_822 = arith.index_cast %swap3A_821 : i32 to index
    %swap3A_823 = arith.constant 0 : index
    %swap3A_824 = tpu.vector_load %arg13[%swap3A_822, %swap3A_823] {strides = array<i32>} : memref<4x128xf32, #tpu.memory_space<vmem>>, vector<1x16xf32>,
    %swap3A_825 = vector.shape_cast %swap3A_824 : vector<1x16xf32> to vector<16xf32>
    %swap3A_826 = vector.shape_cast %div3A_820 : vector<16xf32> to vector<1x16xf32>
    tpu.vector_store %arg13[%swap3A_822, %swap3A_823], %swap3A_826 {strides = array<i32>} : memref<4x128xf32, #tpu.memory_space<vmem>>, vector<1x16xf32>,
    %get3A_827 = arith.constant 1 : i32
    %get3A_828 = arith.index_cast %get3A_827 : i32 to index
    %get3A_829 = arith.constant 16 : index
    %get3A_830 = tpu.vector_load %arg10[%get3A_828, %get3A_829] {strides = array<i32>} : memref<4x128xf32, #tpu.memory_space<vmem>>, vector<1x16xf32>,
    %get3A_831 = vector.shape_cast %get3A_830 : vector<1x16xf32> to vector<16xf32>
    %neg3A_832 = arith.constant 0.000000e+00 : f32
    %neg3A_833 = vector.broadcast %neg3A_832 : f32 to vector<16xf32>
    %neg3A_834 = arith.subf %neg3A_833, %get3A_831 : vector<16xf32>
    %exp3A_835 = math.exp %neg3A_834 : vector<16xf32>
    %add3A_836 = arith.constant 1.000000e+00 : f32
    %add3A_837 = vector.broadcast %add3A_836 : f32 to vector<16xf32>
    %add3A_838 = arith.addf %add3A_837, %exp3A_835 : vector<16xf32>
    %div3A_839 = arith.constant 1.000000e+00 : f32
    %div3A_840 = vector.broadcast %div3A_839 : f32 to vector<16xf32>
    %div3A_841 = arith.divf %div3A_840, %add3A_838 : vector<16xf32>
    %get3A_842 = arith.constant 1 : i32
    %get3A_843 = arith.index_cast %get3A_842 : i32 to index
    %get3A_844 = arith.constant 16 : index
    %get3A_845 = tpu.vector_load %arg11[%get3A_843, %get3A_844] {strides = array<i32>} : memref<4x128xf32, #tpu.memory_space<vmem>>, vector<1x16xf32>,
    %get3A_846 = vector.shape_cast %get3A_845 : vector<1x16xf32> to vector<16xf32>
    %neg3A_847 = arith.constant 0.000000e+00 : f32
    %neg3A_848 = vector.broadcast %neg3A_847 : f32 to vector<16xf32>
    %neg3A_849 = arith.subf %neg3A_848, %get3A_846 : vector<16xf32>
    %exp3A_850 = math.exp %neg3A_849 : vector<16xf32>
    %add3A_851 = arith.constant 1.000000e+00 : f32
    %add3A_852 = vector.broadcast %add3A_851 : f32 to vector<16xf32>
    %add3A_853 = arith.addf %add3A_852, %exp3A_850 : vector<16xf32>
    %div3A_854 = arith.constant 1.000000e+00 : f32
    %div3A_855 = vector.broadcast %div3A_854 : f32 to vector<16xf32>
    %div3A_856 = arith.divf %div3A_855, %add3A_853 : vector<16xf32>
    %get3A_857 = arith.constant 1 : i32
    %get3A_858 = arith.index_cast %get3A_857 : i32 to index
    %get3A_859 = arith.constant 16 : index
    %get3A_860 = tpu.vector_load %arg12[%get3A_858, %get3A_859] {strides = array<i32>} : memref<4x128xf32, #tpu.memory_space<vmem>>, vector<1x16xf32>,
    %get3A_861 = vector.shape_cast %get3A_860 : vector<1x16xf32> to vector<16xf32>
    %neg3A_862 = arith.constant 0.000000e+00 : f32
    %neg3A_863 = vector.broadcast %neg3A_862 : f32 to vector<16xf32>
    %neg3A_864 = arith.subf %neg3A_863, %get3A_861 : vector<16xf32>
    %exp3A_865 = math.exp %neg3A_864 : vector<16xf32>
    %add3A_866 = arith.constant 1.000000e+00 : f32
    %add3A_867 = vector.broadcast %add3A_866 : f32 to vector<16xf32>
    %add3A_868 = arith.addf %add3A_867, %exp3A_865 : vector<16xf32>
    %div3A_869 = arith.constant 1.000000e+00 : f32
    %div3A_870 = vector.broadcast %div3A_869 : f32 to vector<16xf32>
    %div3A_871 = arith.divf %div3A_870, %add3A_868 : vector<16xf32>
    %mul3A_872 = arith.constant 1.700000e+00 : f32
    %mul3A_873 = vector.broadcast %mul3A_872 : f32 to vector<16xf32>
    %mul3A_874 = arith.mulf %mul3A_873, %div3A_871 : vector<16xf32>
    %sub3A_875 = arith.subf %div3A_841, %div3A_856 : vector<16xf32>
    %mul3A_876 = arith.mulf %mul3A_874, %sub3A_875 : vector<16xf32>
    %neg3A_877 = arith.constant 0.000000e+00 : f32
    %neg3A_878 = vector.broadcast %neg3A_877 : f32 to vector<16xf32>
    %neg3A_879 = arith.subf %neg3A_878, %mul3A_876 : vector<16xf32>
    %exp3A_880 = math.exp %neg3A_879 : vector<16xf32>
    %add3A_881 = arith.constant 1.000000e+00 : f32
    %add3A_882 = vector.broadcast %add3A_881 : f32 to vector<16xf32>
    %add3A_883 = arith.addf %add3A_882, %exp3A_880 : vector<16xf32>
    %div3A_884 = arith.constant 1.000000e+00 : f32
    %div3A_885 = vector.broadcast %div3A_884 : f32 to vector<16xf32>
    %div3A_886 = arith.divf %div3A_885, %add3A_883 : vector<16xf32>
    %swap3A_887 = arith.constant 1 : i32
    %swap3A_888 = arith.index_cast %swap3A_887 : i32 to index
    %swap3A_889 = arith.constant 16 : index
    %swap3A_890 = tpu.vector_load %arg13[%swap3A_888, %swap3A_889] {strides = array<i32>} : memref<4x128xf32, #tpu.memory_space<vmem>>, vector<1x16xf32>,
    %swap3A_891 = vector.shape_cast %swap3A_890 : vector<1x16xf32> to vector<16xf32>
    %swap3A_892 = vector.shape_cast %div3A_886 : vector<16xf32> to vector<1x16xf32>
    tpu.vector_store %arg13[%swap3A_888, %swap3A_889], %swap3A_892 {strides = array<i32>} : memref<4x128xf32, #tpu.memory_space<vmem>>, vector<1x16xf32>,
    %get3A_893 = arith.constant 1 : i32
    %get3A_894 = arith.index_cast %get3A_893 : i32 to index
    %get3A_895 = arith.constant 32 : index
    %get3A_896 = tpu.vector_load %arg10[%get3A_894, %get3A_895] {strides = array<i32>} : memref<4x128xf32, #tpu.memory_space<vmem>>, vector<1x16xf32>,
    %get3A_897 = vector.shape_cast %get3A_896 : vector<1x16xf32> to vector<16xf32>
    %neg3A_898 = arith.constant 0.000000e+00 : f32
    %neg3A_899 = vector.broadcast %neg3A_898 : f32 to vector<16xf32>
    %neg3A_900 = arith.subf %neg3A_899, %get3A_897 : vector<16xf32>
    %exp3A_901 = math.exp %neg3A_900 : vector<16xf32>
    %add3A_902 = arith.constant 1.000000e+00 : f32
    %add3A_903 = vector.broadcast %add3A_902 : f32 to vector<16xf32>
    %add3A_904 = arith.addf %add3A_903, %exp3A_901 : vector<16xf32>
    %div3A_905 = arith.constant 1.000000e+00 : f32
    %div3A_906 = vector.broadcast %div3A_905 : f32 to vector<16xf32>
    %div3A_907 = arith.divf %div3A_906, %add3A_904 : vector<16xf32>
    %get3A_908 = arith.constant 1 : i32
    %get3A_909 = arith.index_cast %get3A_908 : i32 to index
    %get3A_910 = arith.constant 32 : index
    %get3A_911 = tpu.vector_load %arg11[%get3A_909, %get3A_910] {strides = array<i32>} : memref<4x128xf32, #tpu.memory_space<vmem>>, vector<1x16xf32>,
    %get3A_912 = vector.shape_cast %get3A_911 : vector<1x16xf32> to vector<16xf32>
    %neg3A_913 = arith.constant 0.000000e+00 : f32
    %neg3A_914 = vector.broadcast %neg3A_913 : f32 to vector<16xf32>
    %neg3A_915 = arith.subf %neg3A_914, %get3A_912 : vector<16xf32>
    %exp3A_916 = math.exp %neg3A_915 : vector<16xf32>
    %add3A_917 = arith.constant 1.000000e+00 : f32
    %add3A_918 = vector.broadcast %add3A_917 : f32 to vector<16xf32>
    %add3A_919 = arith.addf %add3A_918, %exp3A_916 : vector<16xf32>
    %div3A_920 = arith.constant 1.000000e+00 : f32
    %div3A_921 = vector.broadcast %div3A_920 : f32 to vector<16xf32>
    %div3A_922 = arith.divf %div3A_921, %add3A_919 : vector<16xf32>
    %get3A_923 = arith.constant 1 : i32
    %get3A_924 = arith.index_cast %get3A_923 : i32 to index
    %get3A_925 = arith.constant 32 : index
    %get3A_926 = tpu.vector_load %arg12[%get3A_924, %get3A_925] {strides = array<i32>} : memref<4x128xf32, #tpu.memory_space<vmem>>, vector<1x16xf32>,
    %get3A_927 = vector.shape_cast %get3A_926 : vector<1x16xf32> to vector<16xf32>
    %neg3A_928 = arith.constant 0.000000e+00 : f32
    %neg3A_929 = vector.broadcast %neg3A_928 : f32 to vector<16xf32>
    %neg3A_930 = arith.subf %neg3A_929, %get3A_927 : vector<16xf32>
    %exp3A_931 = math.exp %neg3A_930 : vector<16xf32>
    %add3A_932 = arith.constant 1.000000e+00 : f32
    %add3A_933 = vector.broadcast %add3A_932 : f32 to vector<16xf32>
    %add3A_934 = arith.addf %add3A_933, %exp3A_931 : vector<16xf32>
    %div3A_935 = arith.constant 1.000000e+00 : f32
    %div3A_936 = vector.broadcast %div3A_935 : f32 to vector<16xf32>
    %div3A_937 = arith.divf %div3A_936, %add3A_934 : vector<16xf32>
    %mul3A_938 = arith.constant 1.700000e+00 : f32
    %mul3A_939 = vector.broadcast %mul3A_938 : f32 to vector<16xf32>
    %mul3A_940 = arith.mulf %mul3A_939, %div3A_937 : vector<16xf32>
    %sub3A_941 = arith.subf %div3A_907, %div3A_922 : vector<16xf32>
    %mul3A_942 = arith.mulf %mul3A_940, %sub3A_941 : vector<16xf32>
    %neg3A_943 = arith.constant 0.000000e+00 : f32
    %neg3A_944 = vector.broadcast %neg3A_943 : f32 to vector<16xf32>
    %neg3A_945 = arith.subf %neg3A_944, %mul3A_942 : vector<16xf32>
    %exp3A_946 = math.exp %neg3A_945 : vector<16xf32>
    %add3A_947 = arith.constant 1.000000e+00 : f32
    %add3A_948 = vector.broadcast %add3A_947 : f32 to vector<16xf32>
    %add3A_949 = arith.addf %add3A_948, %exp3A_946 : vector<16xf32>
    %div3A_950 = arith.constant 1.000000e+00 : f32
    %div3A_951 = vector.broadcast %div3A_950 : f32 to vector<16xf32>
    %div3A_952 = arith.divf %div3A_951, %add3A_949 : vector<16xf32>
    %swap3A_953 = arith.constant 1 : i32
    %swap3A_954 = arith.index_cast %swap3A_953 : i32 to index
    %swap3A_955 = arith.constant 32 : index
    %swap3A_956 = tpu.vector_load %arg13[%swap3A_954, %swap3A_955] {strides = array<i32>} : memref<4x128xf32, #tpu.memory_space<vmem>>, vector<1x16xf32>,
    %swap3A_957 = vector.shape_cast %swap3A_956 : vector<1x16xf32> to vector<16xf32>
    %swap3A_958 = vector.shape_cast %div3A_952 : vector<16xf32> to vector<1x16xf32>
    tpu.vector_store %arg13[%swap3A_954, %swap3A_955], %swap3A_958 {strides = array<i32>} : memref<4x128xf32, #tpu.memory_space<vmem>>, vector<1x16xf32>,
    %get3A_959 = arith.constant 1 : i32
    %get3A_960 = arith.index_cast %get3A_959 : i32 to index
    %get3A_961 = arith.constant 48 : index
    %get3A_962 = tpu.vector_load %arg10[%get3A_960, %get3A_961] {strides = array<i32>} : memref<4x128xf32, #tpu.memory_space<vmem>>, vector<1x16xf32>,
    %get3A_963 = vector.shape_cast %get3A_962 : vector<1x16xf32> to vector<16xf32>
    %neg3A_964 = arith.constant 0.000000e+00 : f32
    %neg3A_965 = vector.broadcast %neg3A_964 : f32 to vector<16xf32>
    %neg3A_966 = arith.subf %neg3A_965, %get3A_963 : vector<16xf32>
    %exp3A_967 = math.exp %neg3A_966 : vector<16xf32>
    %add3A_968 = arith.constant 1.000000e+00 : f32
    %add3A_969 = vector.broadcast %add3A_968 : f32 to vector<16xf32>
    %add3A_970 = arith.addf %add3A_969, %exp3A_967 : vector<16xf32>
    %div3A_971 = arith.constant 1.000000e+00 : f32
    %div3A_972 = vector.broadcast %div3A_971 : f32 to vector<16xf32>
    %div3A_973 = arith.divf %div3A_972, %add3A_970 : vector<16xf32>
    %get3A_974 = arith.constant 1 : i32
    %get3A_975 = arith.index_cast %get3A_974 : i32 to index
    %get3A_976 = arith.constant 48 : index
    %get3A_977 = tpu.vector_load %arg11[%get3A_975, %get3A_976] {strides = array<i32>} : memref<4x128xf32, #tpu.memory_space<vmem>>, vector<1x16xf32>,
    %get3A_978 = vector.shape_cast %get3A_977 : vector<1x16xf32> to vector<16xf32>
    %neg3A_979 = arith.constant 0.000000e+00 : f32
    %neg3A_980 = vector.broadcast %neg3A_979 : f32 to vector<16xf32>
    %neg3A_981 = arith.subf %neg3A_980, %get3A_978 : vector<16xf32>
    %exp3A_982 = math.exp %neg3A_981 : vector<16xf32>
    %add3A_983 = arith.constant 1.000000e+00 : f32
    %add3A_984 = vector.broadcast %add3A_983 : f32 to vector<16xf32>
    %add3A_985 = arith.addf %add3A_984, %exp3A_982 : vector<16xf32>
    %div3A_986 = arith.constant 1.000000e+00 : f32
    %div3A_987 = vector.broadcast %div3A_986 : f32 to vector<16xf32>
    %div3A_988 = arith.divf %div3A_987, %add3A_985 : vector<16xf32>
    %get3A_989 = arith.constant 1 : i32
    %get3A_990 = arith.index_cast %get3A_989 : i32 to index
    %get3A_991 = arith.constant 48 : index
    %get3A_992 = tpu.vector_load %arg12[%get3A_990, %get3A_991] {strides = array<i32>} : memref<4x128xf32, #tpu.memory_space<vmem>>, vector<1x16xf32>,
    %get3A_993 = vector.shape_cast %get3A_992 : vector<1x16xf32> to vector<16xf32>
    %neg3A_994 = arith.constant 0.000000e+00 : f32
    %neg3A_995 = vector.broadcast %neg3A_994 : f32 to vector<16xf32>
    %neg3A_996 = arith.subf %neg3A_995, %get3A_993 : vector<16xf32>
    %exp3A_997 = math.exp %neg3A_996 : vector<16xf32>
    %add3A_998 = arith.constant 1.000000e+00 : f32
    %add3A_999 = vector.broadcast %add3A_998 : f32 to vector<16xf32>
    %add3A_1000 = arith.addf %add3A_999, %exp3A_997 : vector<16xf32>
    %div3A_1001 = arith.constant 1.000000e+00 : f32
    %div3A_1002 = vector.broadcast %div3A_1001 : f32 to vector<16xf32>
    %div3A_1003 = arith.divf %div3A_1002, %add3A_1000 : vector<16xf32>
    %mul3A_1004 = arith.constant 1.700000e+00 : f32
    %mul3A_1005 = vector.broadcast %mul3A_1004 : f32 to vector<16xf32>
    %mul3A_1006 = arith.mulf %mul3A_1005, %div3A_1003 : vector<16xf32>
    %sub3A_1007 = arith.subf %div3A_973, %div3A_988 : vector<16xf32>
    %mul3A_1008 = arith.mulf %mul3A_1006, %sub3A_1007 : vector<16xf32>
    %neg3A_1009 = arith.constant 0.000000e+00 : f32
    %neg3A_1010 = vector.broadcast %neg3A_1009 : f32 to vector<16xf32>
    %neg3A_1011 = arith.subf %neg3A_1010, %mul3A_1008 : vector<16xf32>
    %exp3A_1012 = math.exp %neg3A_1011 : vector<16xf32>
    %add3A_1013 = arith.constant 1.000000e+00 : f32
    %add3A_1014 = vector.broadcast %add3A_1013 : f32 to vector<16xf32>
    %add3A_1015 = arith.addf %add3A_1014, %exp3A_1012 : vector<16xf32>
    %div3A_1016 = arith.constant 1.000000e+00 : f32
    %div3A_1017 = vector.broadcast %div3A_1016 : f32 to vector<16xf32>
    %div3A_1018 = arith.divf %div3A_1017, %add3A_1015 : vector<16xf32>
    %swap3A_1019 = arith.constant 1 : i32
    %swap3A_1020 = arith.index_cast %swap3A_1019 : i32 to index
    %swap3A_1021 = arith.constant 48 : index
    %swap3A_1022 = tpu.vector_load %arg13[%swap3A_1020, %swap3A_1021] {strides = array<i32>} : memref<4x128xf32, #tpu.memory_space<vmem>>, vector<1x16xf32>,
    %swap3A_1023 = vector.shape_cast %swap3A_1022 : vector<1x16xf32> to vector<16xf32>
    %swap3A_1024 = vector.shape_cast %div3A_1018 : vector<16xf32> to vector<1x16xf32>
    tpu.vector_store %arg13[%swap3A_1020, %swap3A_1021], %swap3A_1024 {strides = array<i32>} : memref<4x128xf32, #tpu.memory_space<vmem>>, vector<1x16xf32>,
    %get3A_1025 = arith.constant 1 : i32
    %get3A_1026 = arith.index_cast %get3A_1025 : i32 to index
    %get3A_1027 = arith.constant 64 : index
    %get3A_1028 = tpu.vector_load %arg10[%get3A_1026, %get3A_1027] {strides = array<i32>} : memref<4x128xf32, #tpu.memory_space<vmem>>, vector<1x16xf32>,
    %get3A_1029 = vector.shape_cast %get3A_1028 : vector<1x16xf32> to vector<16xf32>
    %neg3A_1030 = arith.constant 0.000000e+00 : f32
    %neg3A_1031 = vector.broadcast %neg3A_1030 : f32 to vector<16xf32>
    %neg3A_1032 = arith.subf %neg3A_1031, %get3A_1029 : vector<16xf32>
    %exp3A_1033 = math.exp %neg3A_1032 : vector<16xf32>
    %add3A_1034 = arith.constant 1.000000e+00 : f32
    %add3A_1035 = vector.broadcast %add3A_1034 : f32 to vector<16xf32>
    %add3A_1036 = arith.addf %add3A_1035, %exp3A_1033 : vector<16xf32>
    %div3A_1037 = arith.constant 1.000000e+00 : f32
    %div3A_1038 = vector.broadcast %div3A_1037 : f32 to vector<16xf32>
    %div3A_1039 = arith.divf %div3A_1038, %add3A_1036 : vector<16xf32>
    %get3A_1040 = arith.constant 1 : i32
    %get3A_1041 = arith.index_cast %get3A_1040 : i32 to index
    %get3A_1042 = arith.constant 64 : index
    %get3A_1043 = tpu.vector_load %arg11[%get3A_1041, %get3A_1042] {strides = array<i32>} : memref<4x128xf32, #tpu.memory_space<vmem>>, vector<1x16xf32>,
    %get3A_1044 = vector.shape_cast %get3A_1043 : vector<1x16xf32> to vector<16xf32>
    %neg3A_1045 = arith.constant 0.000000e+00 : f32
    %neg3A_1046 = vector.broadcast %neg3A_1045 : f32 to vector<16xf32>
    %neg3A_1047 = arith.subf %neg3A_1046, %get3A_1044 : vector<16xf32>
    %exp3A_1048 = math.exp %neg3A_1047 : vector<16xf32>
    %add3A_1049 = arith.constant 1.000000e+00 : f32
    %add3A_1050 = vector.broadcast %add3A_1049 : f32 to vector<16xf32>
    %add3A_1051 = arith.addf %add3A_1050, %exp3A_1048 : vector<16xf32>
    %div3A_1052 = arith.constant 1.000000e+00 : f32
    %div3A_1053 = vector.broadcast %div3A_1052 : f32 to vector<16xf32>
    %div3A_1054 = arith.divf %div3A_1053, %add3A_1051 : vector<16xf32>
    %get3A_1055 = arith.constant 1 : i32
    %get3A_1056 = arith.index_cast %get3A_1055 : i32 to index
    %get3A_1057 = arith.constant 64 : index
    %get3A_1058 = tpu.vector_load %arg12[%get3A_1056, %get3A_1057] {strides = array<i32>} : memref<4x128xf32, #tpu.memory_space<vmem>>, vector<1x16xf32>,
    %get3A_1059 = vector.shape_cast %get3A_1058 : vector<1x16xf32> to vector<16xf32>
    %neg3A_1060 = arith.constant 0.000000e+00 : f32
    %neg3A_1061 = vector.broadcast %neg3A_1060 : f32 to vector<16xf32>
    %neg3A_1062 = arith.subf %neg3A_1061, %get3A_1059 : vector<16xf32>
    %exp3A_1063 = math.exp %neg3A_1062 : vector<16xf32>
    %add3A_1064 = arith.constant 1.000000e+00 : f32
    %add3A_1065 = vector.broadcast %add3A_1064 : f32 to vector<16xf32>
    %add3A_1066 = arith.addf %add3A_1065, %exp3A_1063 : vector<16xf32>
    %div3A_1067 = arith.constant 1.000000e+00 : f32
    %div3A_1068 = vector.broadcast %div3A_1067 : f32 to vector<16xf32>
    %div3A_1069 = arith.divf %div3A_1068, %add3A_1066 : vector<16xf32>
    %mul3A_1070 = arith.constant 1.700000e+00 : f32
    %mul3A_1071 = vector.broadcast %mul3A_1070 : f32 to vector<16xf32>
    %mul3A_1072 = arith.mulf %mul3A_1071, %div3A_1069 : vector<16xf32>
    %sub3A_1073 = arith.subf %div3A_1039, %div3A_1054 : vector<16xf32>
    %mul3A_1074 = arith.mulf %mul3A_1072, %sub3A_1073 : vector<16xf32>
    %neg3A_1075 = arith.constant 0.000000e+00 : f32
    %neg3A_1076 = vector.broadcast %neg3A_1075 : f32 to vector<16xf32>
    %neg3A_1077 = arith.subf %neg3A_1076, %mul3A_1074 : vector<16xf32>
    %exp3A_1078 = math.exp %neg3A_1077 : vector<16xf32>
    %add3A_1079 = arith.constant 1.000000e+00 : f32
    %add3A_1080 = vector.broadcast %add3A_1079 : f32 to vector<16xf32>
    %add3A_1081 = arith.addf %add3A_1080, %exp3A_1078 : vector<16xf32>
    %div3A_1082 = arith.constant 1.000000e+00 : f32
    %div3A_1083 = vector.broadcast %div3A_1082 : f32 to vector<16xf32>
    %div3A_1084 = arith.divf %div3A_1083, %add3A_1081 : vector<16xf32>
    %swap3A_1085 = arith.constant 1 : i32
    %swap3A_1086 = arith.index_cast %swap3A_1085 : i32 to index
    %swap3A_1087 = arith.constant 64 : index
    %swap3A_1088 = tpu.vector_load %arg13[%swap3A_1086, %swap3A_1087] {strides = array<i32>} : memref<4x128xf32, #tpu.memory_space<vmem>>, vector<1x16xf32>,
    %swap3A_1089 = vector.shape_cast %swap3A_1088 : vector<1x16xf32> to vector<16xf32>
    %swap3A_1090 = vector.shape_cast %div3A_1084 : vector<16xf32> to vector<1x16xf32>
    tpu.vector_store %arg13[%swap3A_1086, %swap3A_1087], %swap3A_1090 {strides = array<i32>} : memref<4x128xf32, #tpu.memory_space<vmem>>, vector<1x16xf32>,
    %get3A_1091 = arith.constant 1 : i32
    %get3A_1092 = arith.index_cast %get3A_1091 : i32 to index
    %get3A_1093 = arith.constant 80 : index
    %get3A_1094 = tpu.vector_load %arg10[%get3A_1092, %get3A_1093] {strides = array<i32>} : memref<4x128xf32, #tpu.memory_space<vmem>>, vector<1x16xf32>,
    %get3A_1095 = vector.shape_cast %get3A_1094 : vector<1x16xf32> to vector<16xf32>
    %neg3A_1096 = arith.constant 0.000000e+00 : f32
    %neg3A_1097 = vector.broadcast %neg3A_1096 : f32 to vector<16xf32>
    %neg3A_1098 = arith.subf %neg3A_1097, %get3A_1095 : vector<16xf32>
    %exp3A_1099 = math.exp %neg3A_1098 : vector<16xf32>
    %add3A_1100 = arith.constant 1.000000e+00 : f32
    %add3A_1101 = vector.broadcast %add3A_1100 : f32 to vector<16xf32>
    %add3A_1102 = arith.addf %add3A_1101, %exp3A_1099 : vector<16xf32>
    %div3A_1103 = arith.constant 1.000000e+00 : f32
    %div3A_1104 = vector.broadcast %div3A_1103 : f32 to vector<16xf32>
    %div3A_1105 = arith.divf %div3A_1104, %add3A_1102 : vector<16xf32>
    %get3A_1106 = arith.constant 1 : i32
    %get3A_1107 = arith.index_cast %get3A_1106 : i32 to index
    %get3A_1108 = arith.constant 80 : index
    %get3A_1109 = tpu.vector_load %arg11[%get3A_1107, %get3A_1108] {strides = array<i32>} : memref<4x128xf32, #tpu.memory_space<vmem>>, vector<1x16xf32>,
    %get3A_1110 = vector.shape_cast %get3A_1109 : vector<1x16xf32> to vector<16xf32>
    %neg3A_1111 = arith.constant 0.000000e+00 : f32
    %neg3A_1112 = vector.broadcast %neg3A_1111 : f32 to vector<16xf32>
    %neg3A_1113 = arith.subf %neg3A_1112, %get3A_1110 : vector<16xf32>
    %exp3A_1114 = math.exp %neg3A_1113 : vector<16xf32>
    %add3A_1115 = arith.constant 1.000000e+00 : f32
    %add3A_1116 = vector.broadcast %add3A_1115 : f32 to vector<16xf32>
    %add3A_1117 = arith.addf %add3A_1116, %exp3A_1114 : vector<16xf32>
    %div3A_1118 = arith.constant 1.000000e+00 : f32
    %div3A_1119 = vector.broadcast %div3A_1118 : f32 to vector<16xf32>
    %div3A_1120 = arith.divf %div3A_1119, %add3A_1117 : vector<16xf32>
    %get3A_1121 = arith.constant 1 : i32
    %get3A_1122 = arith.index_cast %get3A_1121 : i32 to index
    %get3A_1123 = arith.constant 80 : index
    %get3A_1124 = tpu.vector_load %arg12[%get3A_1122, %get3A_1123] {strides = array<i32>} : memref<4x128xf32, #tpu.memory_space<vmem>>, vector<1x16xf32>,
    %get3A_1125 = vector.shape_cast %get3A_1124 : vector<1x16xf32> to vector<16xf32>
    %neg3A_1126 = arith.constant 0.000000e+00 : f32
    %neg3A_1127 = vector.broadcast %neg3A_1126 : f32 to vector<16xf32>
    %neg3A_1128 = arith.subf %neg3A_1127, %get3A_1125 : vector<16xf32>
    %exp3A_1129 = math.exp %neg3A_1128 : vector<16xf32>
    %add3A_1130 = arith.constant 1.000000e+00 : f32
    %add3A_1131 = vector.broadcast %add3A_1130 : f32 to vector<16xf32>
    %add3A_1132 = arith.addf %add3A_1131, %exp3A_1129 : vector<16xf32>
    %div3A_1133 = arith.constant 1.000000e+00 : f32
    %div3A_1134 = vector.broadcast %div3A_1133 : f32 to vector<16xf32>
    %div3A_1135 = arith.divf %div3A_1134, %add3A_1132 : vector<16xf32>
    %mul3A_1136 = arith.constant 1.700000e+00 : f32
    %mul3A_1137 = vector.broadcast %mul3A_1136 : f32 to vector<16xf32>
    %mul3A_1138 = arith.mulf %mul3A_1137, %div3A_1135 : vector<16xf32>
    %sub3A_1139 = arith.subf %div3A_1105, %div3A_1120 : vector<16xf32>
    %mul3A_1140 = arith.mulf %mul3A_1138, %sub3A_1139 : vector<16xf32>
    %neg3A_1141 = arith.constant 0.000000e+00 : f32
    %neg3A_1142 = vector.broadcast %neg3A_1141 : f32 to vector<16xf32>
    %neg3A_1143 = arith.subf %neg3A_1142, %mul3A_1140 : vector<16xf32>
    %exp3A_1144 = math.exp %neg3A_1143 : vector<16xf32>
    %add3A_1145 = arith.constant 1.000000e+00 : f32
    %add3A_1146 = vector.broadcast %add3A_1145 : f32 to vector<16xf32>
    %add3A_1147 = arith.addf %add3A_1146, %exp3A_1144 : vector<16xf32>
    %div3A_1148 = arith.constant 1.000000e+00 : f32
    %div3A_1149 = vector.broadcast %div3A_1148 : f32 to vector<16xf32>
    %div3A_1150 = arith.divf %div3A_1149, %add3A_1147 : vector<16xf32>
    %swap3A_1151 = arith.constant 1 : i32
    %swap3A_1152 = arith.index_cast %swap3A_1151 : i32 to index
    %swap3A_1153 = arith.constant 80 : index
    %swap3A_1154 = tpu.vector_load %arg13[%swap3A_1152, %swap3A_1153] {strides = array<i32>} : memref<4x128xf32, #tpu.memory_space<vmem>>, vector<1x16xf32>,
    %swap3A_1155 = vector.shape_cast %swap3A_1154 : vector<1x16xf32> to vector<16xf32>
    %swap3A_1156 = vector.shape_cast %div3A_1150 : vector<16xf32> to vector<1x16xf32>
    tpu.vector_store %arg13[%swap3A_1152, %swap3A_1153], %swap3A_1156 {strides = array<i32>} : memref<4x128xf32, #tpu.memory_space<vmem>>, vector<1x16xf32>,
    %get3A_1157 = arith.constant 1 : i32
    %get3A_1158 = arith.index_cast %get3A_1157 : i32 to index
    %get3A_1159 = arith.constant 96 : index
    %get3A_1160 = tpu.vector_load %arg10[%get3A_1158, %get3A_1159] {strides = array<i32>} : memref<4x128xf32, #tpu.memory_space<vmem>>, vector<1x16xf32>,
    %get3A_1161 = vector.shape_cast %get3A_1160 : vector<1x16xf32> to vector<16xf32>
    %neg3A_1162 = arith.constant 0.000000e+00 : f32
    %neg3A_1163 = vector.broadcast %neg3A_1162 : f32 to vector<16xf32>
    %neg3A_1164 = arith.subf %neg3A_1163, %get3A_1161 : vector<16xf32>
    %exp3A_1165 = math.exp %neg3A_1164 : vector<16xf32>
    %add3A_1166 = arith.constant 1.000000e+00 : f32
    %add3A_1167 = vector.broadcast %add3A_1166 : f32 to vector<16xf32>
    %add3A_1168 = arith.addf %add3A_1167, %exp3A_1165 : vector<16xf32>
    %div3A_1169 = arith.constant 1.000000e+00 : f32
    %div3A_1170 = vector.broadcast %div3A_1169 : f32 to vector<16xf32>
    %div3A_1171 = arith.divf %div3A_1170, %add3A_1168 : vector<16xf32>
    %get3A_1172 = arith.constant 1 : i32
    %get3A_1173 = arith.index_cast %get3A_1172 : i32 to index
    %get3A_1174 = arith.constant 96 : index
    %get3A_1175 = tpu.vector_load %arg11[%get3A_1173, %get3A_1174] {strides = array<i32>} : memref<4x128xf32, #tpu.memory_space<vmem>>, vector<1x16xf32>,
    %get3A_1176 = vector.shape_cast %get3A_1175 : vector<1x16xf32> to vector<16xf32>
    %neg3A_1177 = arith.constant 0.000000e+00 : f32
    %neg3A_1178 = vector.broadcast %neg3A_1177 : f32 to vector<16xf32>
    %neg3A_1179 = arith.subf %neg3A_1178, %get3A_1176 : vector<16xf32>
    %exp3A_1180 = math.exp %neg3A_1179 : vector<16xf32>
    %add3A_1181 = arith.constant 1.000000e+00 : f32
    %add3A_1182 = vector.broadcast %add3A_1181 : f32 to vector<16xf32>
    %add3A_1183 = arith.addf %add3A_1182, %exp3A_1180 : vector<16xf32>
    %div3A_1184 = arith.constant 1.000000e+00 : f32
    %div3A_1185 = vector.broadcast %div3A_1184 : f32 to vector<16xf32>
    %div3A_1186 = arith.divf %div3A_1185, %add3A_1183 : vector<16xf32>
    %get3A_1187 = arith.constant 1 : i32
    %get3A_1188 = arith.index_cast %get3A_1187 : i32 to index
    %get3A_1189 = arith.constant 96 : index
    %get3A_1190 = tpu.vector_load %arg12[%get3A_1188, %get3A_1189] {strides = array<i32>} : memref<4x128xf32, #tpu.memory_space<vmem>>, vector<1x16xf32>,
    %get3A_1191 = vector.shape_cast %get3A_1190 : vector<1x16xf32> to vector<16xf32>
    %neg3A_1192 = arith.constant 0.000000e+00 : f32
    %neg3A_1193 = vector.broadcast %neg3A_1192 : f32 to vector<16xf32>
    %neg3A_1194 = arith.subf %neg3A_1193, %get3A_1191 : vector<16xf32>
    %exp3A_1195 = math.exp %neg3A_1194 : vector<16xf32>
    %add3A_1196 = arith.constant 1.000000e+00 : f32
    %add3A_1197 = vector.broadcast %add3A_1196 : f32 to vector<16xf32>
    %add3A_1198 = arith.addf %add3A_1197, %exp3A_1195 : vector<16xf32>
    %div3A_1199 = arith.constant 1.000000e+00 : f32
    %div3A_1200 = vector.broadcast %div3A_1199 : f32 to vector<16xf32>
    %div3A_1201 = arith.divf %div3A_1200, %add3A_1198 : vector<16xf32>
    %mul3A_1202 = arith.constant 1.700000e+00 : f32
    %mul3A_1203 = vector.broadcast %mul3A_1202 : f32 to vector<16xf32>
    %mul3A_1204 = arith.mulf %mul3A_1203, %div3A_1201 : vector<16xf32>
    %sub3A_1205 = arith.subf %div3A_1171, %div3A_1186 : vector<16xf32>
    %mul3A_1206 = arith.mulf %mul3A_1204, %sub3A_1205 : vector<16xf32>
    %neg3A_1207 = arith.constant 0.000000e+00 : f32
    %neg3A_1208 = vector.broadcast %neg3A_1207 : f32 to vector<16xf32>
    %neg3A_1209 = arith.subf %neg3A_1208, %mul3A_1206 : vector<16xf32>
    %exp3A_1210 = math.exp %neg3A_1209 : vector<16xf32>
    %add3A_1211 = arith.constant 1.000000e+00 : f32
    %add3A_1212 = vector.broadcast %add3A_1211 : f32 to vector<16xf32>
    %add3A_1213 = arith.addf %add3A_1212, %exp3A_1210 : vector<16xf32>
    %div3A_1214 = arith.constant 1.000000e+00 : f32
    %div3A_1215 = vector.broadcast %div3A_1214 : f32 to vector<16xf32>
    %div3A_1216 = arith.divf %div3A_1215, %add3A_1213 : vector<16xf32>
    %swap3A_1217 = arith.constant 1 : i32
    %swap3A_1218 = arith.index_cast %swap3A_1217 : i32 to index
    %swap3A_1219 = arith.constant 96 : index
    %swap3A_1220 = tpu.vector_load %arg13[%swap3A_1218, %swap3A_1219] {strides = array<i32>} : memref<4x128xf32, #tpu.memory_space<vmem>>, vector<1x16xf32>,
    %swap3A_1221 = vector.shape_cast %swap3A_1220 : vector<1x16xf32> to vector<16xf32>
    %swap3A_1222 = vector.shape_cast %div3A_1216 : vector<16xf32> to vector<1x16xf32>
    tpu.vector_store %arg13[%swap3A_1218, %swap3A_1219], %swap3A_1222 {strides = array<i32>} : memref<4x128xf32, #tpu.memory_space<vmem>>, vector<1x16xf32>,
    %get3A_1223 = arith.constant 1 : i32
    %get3A_1224 = arith.index_cast %get3A_1223 : i32 to index
    %get3A_1225 = arith.constant 112 : index
    %get3A_1226 = tpu.vector_load %arg10[%get3A_1224, %get3A_1225] {strides = array<i32>} : memref<4x128xf32, #tpu.memory_space<vmem>>, vector<1x16xf32>,
    %get3A_1227 = vector.shape_cast %get3A_1226 : vector<1x16xf32> to vector<16xf32>
    %neg3A_1228 = arith.constant 0.000000e+00 : f32
    %neg3A_1229 = vector.broadcast %neg3A_1228 : f32 to vector<16xf32>
    %neg3A_1230 = arith.subf %neg3A_1229, %get3A_1227 : vector<16xf32>
    %exp3A_1231 = math.exp %neg3A_1230 : vector<16xf32>
    %add3A_1232 = arith.constant 1.000000e+00 : f32
    %add3A_1233 = vector.broadcast %add3A_1232 : f32 to vector<16xf32>
    %add3A_1234 = arith.addf %add3A_1233, %exp3A_1231 : vector<16xf32>
    %div3A_1235 = arith.constant 1.000000e+00 : f32
    %div3A_1236 = vector.broadcast %div3A_1235 : f32 to vector<16xf32>
    %div3A_1237 = arith.divf %div3A_1236, %add3A_1234 : vector<16xf32>
    %get3A_1238 = arith.constant 1 : i32
    %get3A_1239 = arith.index_cast %get3A_1238 : i32 to index
    %get3A_1240 = arith.constant 112 : index
    %get3A_1241 = tpu.vector_load %arg11[%get3A_1239, %get3A_1240] {strides = array<i32>} : memref<4x128xf32, #tpu.memory_space<vmem>>, vector<1x16xf32>,
    %get3A_1242 = vector.shape_cast %get3A_1241 : vector<1x16xf32> to vector<16xf32>
    %neg3A_1243 = arith.constant 0.000000e+00 : f32
    %neg3A_1244 = vector.broadcast %neg3A_1243 : f32 to vector<16xf32>
    %neg3A_1245 = arith.subf %neg3A_1244, %get3A_1242 : vector<16xf32>
    %exp3A_1246 = math.exp %neg3A_1245 : vector<16xf32>
    %add3A_1247 = arith.constant 1.000000e+00 : f32
    %add3A_1248 = vector.broadcast %add3A_1247 : f32 to vector<16xf32>
    %add3A_1249 = arith.addf %add3A_1248, %exp3A_1246 : vector<16xf32>
    %div3A_1250 = arith.constant 1.000000e+00 : f32
    %div3A_1251 = vector.broadcast %div3A_1250 : f32 to vector<16xf32>
    %div3A_1252 = arith.divf %div3A_1251, %add3A_1249 : vector<16xf32>
    %get3A_1253 = arith.constant 1 : i32
    %get3A_1254 = arith.index_cast %get3A_1253 : i32 to index
    %get3A_1255 = arith.constant 112 : index
    %get3A_1256 = tpu.vector_load %arg12[%get3A_1254, %get3A_1255] {strides = array<i32>} : memref<4x128xf32, #tpu.memory_space<vmem>>, vector<1x16xf32>,
    %get3A_1257 = vector.shape_cast %get3A_1256 : vector<1x16xf32> to vector<16xf32>
    %neg3A_1258 = arith.constant 0.000000e+00 : f32
    %neg3A_1259 = vector.broadcast %neg3A_1258 : f32 to vector<16xf32>
    %neg3A_1260 = arith.subf %neg3A_1259, %get3A_1257 : vector<16xf32>
    %exp3A_1261 = math.exp %neg3A_1260 : vector<16xf32>
    %add3A_1262 = arith.constant 1.000000e+00 : f32
    %add3A_1263 = vector.broadcast %add3A_1262 : f32 to vector<16xf32>
    %add3A_1264 = arith.addf %add3A_1263, %exp3A_1261 : vector<16xf32>
    %div3A_1265 = arith.constant 1.000000e+00 : f32
    %div3A_1266 = vector.broadcast %div3A_1265 : f32 to vector<16xf32>
    %div3A_1267 = arith.divf %div3A_1266, %add3A_1264 : vector<16xf32>
    %mul3A_1268 = arith.constant 1.700000e+00 : f32
    %mul3A_1269 = vector.broadcast %mul3A_1268 : f32 to vector<16xf32>
    %mul3A_1270 = arith.mulf %mul3A_1269, %div3A_1267 : vector<16xf32>
    %sub3A_1271 = arith.subf %div3A_1237, %div3A_1252 : vector<16xf32>
    %mul3A_1272 = arith.mulf %mul3A_1270, %sub3A_1271 : vector<16xf32>
    %neg3A_1273 = arith.constant 0.000000e+00 : f32
    %neg3A_1274 = vector.broadcast %neg3A_1273 : f32 to vector<16xf32>
    %neg3A_1275 = arith.subf %neg3A_1274, %mul3A_1272 : vector<16xf32>
    %exp3A_1276 = math.exp %neg3A_1275 : vector<16xf32>
    %add3A_1277 = arith.constant 1.000000e+00 : f32
    %add3A_1278 = vector.broadcast %add3A_1277 : f32 to vector<16xf32>
    %add3A_1279 = arith.addf %add3A_1278, %exp3A_1276 : vector<16xf32>
    %div3A_1280 = arith.constant 1.000000e+00 : f32
    %div3A_1281 = vector.broadcast %div3A_1280 : f32 to vector<16xf32>
    %div3A_1282 = arith.divf %div3A_1281, %add3A_1279 : vector<16xf32>
    %swap3A_1283 = arith.constant 1 : i32
    %swap3A_1284 = arith.index_cast %swap3A_1283 : i32 to index
    %swap3A_1285 = arith.constant 112 : index
    %swap3A_1286 = tpu.vector_load %arg13[%swap3A_1284, %swap3A_1285] {strides = array<i32>} : memref<4x128xf32, #tpu.memory_space<vmem>>, vector<1x16xf32>,
    %swap3A_1287 = vector.shape_cast %swap3A_1286 : vector<1x16xf32> to vector<16xf32>
    %swap3A_1288 = vector.shape_cast %div3A_1282 : vector<16xf32> to vector<1x16xf32>
    tpu.vector_store %arg13[%swap3A_1284, %swap3A_1285], %swap3A_1288 {strides = array<i32>} : memref<4x128xf32, #tpu.memory_space<vmem>>, vector<1x16xf32>,
    %get3A_1289 = arith.constant 2 : i32
    %get3A_1290 = arith.index_cast %get3A_1289 : i32 to index
    %get3A_1291 = arith.constant 0 : index
    %get3A_1292 = tpu.vector_load %arg10[%get3A_1290, %get3A_1291] {strides = array<i32>} : memref<4x128xf32, #tpu.memory_space<vmem>>, vector<1x16xf32>,
    %get3A_1293 = vector.shape_cast %get3A_1292 : vector<1x16xf32> to vector<16xf32>
    %neg3A_1294 = arith.constant 0.000000e+00 : f32
    %neg3A_1295 = vector.broadcast %neg3A_1294 : f32 to vector<16xf32>
    %neg3A_1296 = arith.subf %neg3A_1295, %get3A_1293 : vector<16xf32>
    %exp3A_1297 = math.exp %neg3A_1296 : vector<16xf32>
    %add3A_1298 = arith.constant 1.000000e+00 : f32
    %add3A_1299 = vector.broadcast %add3A_1298 : f32 to vector<16xf32>
    %add3A_1300 = arith.addf %add3A_1299, %exp3A_1297 : vector<16xf32>
    %div3A_1301 = arith.constant 1.000000e+00 : f32
    %div3A_1302 = vector.broadcast %div3A_1301 : f32 to vector<16xf32>
    %div3A_1303 = arith.divf %div3A_1302, %add3A_1300 : vector<16xf32>
    %get3A_1304 = arith.constant 2 : i32
    %get3A_1305 = arith.index_cast %get3A_1304 : i32 to index
    %get3A_1306 = arith.constant 0 : index
    %get3A_1307 = tpu.vector_load %arg11[%get3A_1305, %get3A_1306] {strides = array<i32>} : memref<4x128xf32, #tpu.memory_space<vmem>>, vector<1x16xf32>,
    %get3A_1308 = vector.shape_cast %get3A_1307 : vector<1x16xf32> to vector<16xf32>
    %neg3A_1309 = arith.constant 0.000000e+00 : f32
    %neg3A_1310 = vector.broadcast %neg3A_1309 : f32 to vector<16xf32>
    %neg3A_1311 = arith.subf %neg3A_1310, %get3A_1308 : vector<16xf32>
    %exp3A_1312 = math.exp %neg3A_1311 : vector<16xf32>
    %add3A_1313 = arith.constant 1.000000e+00 : f32
    %add3A_1314 = vector.broadcast %add3A_1313 : f32 to vector<16xf32>
    %add3A_1315 = arith.addf %add3A_1314, %exp3A_1312 : vector<16xf32>
    %div3A_1316 = arith.constant 1.000000e+00 : f32
    %div3A_1317 = vector.broadcast %div3A_1316 : f32 to vector<16xf32>
    %div3A_1318 = arith.divf %div3A_1317, %add3A_1315 : vector<16xf32>
    %get3A_1319 = arith.constant 2 : i32
    %get3A_1320 = arith.index_cast %get3A_1319 : i32 to index
    %get3A_1321 = arith.constant 0 : index
    %get3A_1322 = tpu.vector_load %arg12[%get3A_1320, %get3A_1321] {strides = array<i32>} : memref<4x128xf32, #tpu.memory_space<vmem>>, vector<1x16xf32>,
    %get3A_1323 = vector.shape_cast %get3A_1322 : vector<1x16xf32> to vector<16xf32>
    %neg3A_1324 = arith.constant 0.000000e+00 : f32
    %neg3A_1325 = vector.broadcast %neg3A_1324 : f32 to vector<16xf32>
    %neg3A_1326 = arith.subf %neg3A_1325, %get3A_1323 : vector<16xf32>
    %exp3A_1327 = math.exp %neg3A_1326 : vector<16xf32>
    %add3A_1328 = arith.constant 1.000000e+00 : f32
    %add3A_1329 = vector.broadcast %add3A_1328 : f32 to vector<16xf32>
    %add3A_1330 = arith.addf %add3A_1329, %exp3A_1327 : vector<16xf32>
    %div3A_1331 = arith.constant 1.000000e+00 : f32
    %div3A_1332 = vector.broadcast %div3A_1331 : f32 to vector<16xf32>
    %div3A_1333 = arith.divf %div3A_1332, %add3A_1330 : vector<16xf32>
    %mul3A_1334 = arith.constant 1.700000e+00 : f32
    %mul3A_1335 = vector.broadcast %mul3A_1334 : f32 to vector<16xf32>
    %mul3A_1336 = arith.mulf %mul3A_1335, %div3A_1333 : vector<16xf32>
    %sub3A_1337 = arith.subf %div3A_1303, %div3A_1318 : vector<16xf32>
    %mul3A_1338 = arith.mulf %mul3A_1336, %sub3A_1337 : vector<16xf32>
    %neg3A_1339 = arith.constant 0.000000e+00 : f32
    %neg3A_1340 = vector.broadcast %neg3A_1339 : f32 to vector<16xf32>
    %neg3A_1341 = arith.subf %neg3A_1340, %mul3A_1338 : vector<16xf32>
    %exp3A_1342 = math.exp %neg3A_1341 : vector<16xf32>
    %add3A_1343 = arith.constant 1.000000e+00 : f32
    %add3A_1344 = vector.broadcast %add3A_1343 : f32 to vector<16xf32>
    %add3A_1345 = arith.addf %add3A_1344, %exp3A_1342 : vector<16xf32>
    %div3A_1346 = arith.constant 1.000000e+00 : f32
    %div3A_1347 = vector.broadcast %div3A_1346 : f32 to vector<16xf32>
    %div3A_1348 = arith.divf %div3A_1347, %add3A_1345 : vector<16xf32>
    %swap3A_1349 = arith.constant 2 : i32
    %swap3A_1350 = arith.index_cast %swap3A_1349 : i32 to index
    %swap3A_1351 = arith.constant 0 : index
    %swap3A_1352 = tpu.vector_load %arg13[%swap3A_1350, %swap3A_1351] {strides = array<i32>} : memref<4x128xf32, #tpu.memory_space<vmem>>, vector<1x16xf32>,
    %swap3A_1353 = vector.shape_cast %swap3A_1352 : vector<1x16xf32> to vector<16xf32>
    %swap3A_1354 = vector.shape_cast %div3A_1348 : vector<16xf32> to vector<1x16xf32>
    tpu.vector_store %arg13[%swap3A_1350, %swap3A_1351], %swap3A_1354 {strides = array<i32>} : memref<4x128xf32, #tpu.memory_space<vmem>>, vector<1x16xf32>,
    %get3A_1355 = arith.constant 2 : i32
    %get3A_1356 = arith.index_cast %get3A_1355 : i32 to index
    %get3A_1357 = arith.constant 16 : index
    %get3A_1358 = tpu.vector_load %arg10[%get3A_1356, %get3A_1357] {strides = array<i32>} : memref<4x128xf32, #tpu.memory_space<vmem>>, vector<1x16xf32>,
    %get3A_1359 = vector.shape_cast %get3A_1358 : vector<1x16xf32> to vector<16xf32>
    %neg3A_1360 = arith.constant 0.000000e+00 : f32
    %neg3A_1361 = vector.broadcast %neg3A_1360 : f32 to vector<16xf32>
    %neg3A_1362 = arith.subf %neg3A_1361, %get3A_1359 : vector<16xf32>
    %exp3A_1363 = math.exp %neg3A_1362 : vector<16xf32>
    %add3A_1364 = arith.constant 1.000000e+00 : f32
    %add3A_1365 = vector.broadcast %add3A_1364 : f32 to vector<16xf32>
    %add3A_1366 = arith.addf %add3A_1365, %exp3A_1363 : vector<16xf32>
    %div3A_1367 = arith.constant 1.000000e+00 : f32
    %div3A_1368 = vector.broadcast %div3A_1367 : f32 to vector<16xf32>
    %div3A_1369 = arith.divf %div3A_1368, %add3A_1366 : vector<16xf32>
    %get3A_1370 = arith.constant 2 : i32
    %get3A_1371 = arith.index_cast %get3A_1370 : i32 to index
    %get3A_1372 = arith.constant 16 : index
    %get3A_1373 = tpu.vector_load %arg11[%get3A_1371, %get3A_1372] {strides = array<i32>} : memref<4x128xf32, #tpu.memory_space<vmem>>, vector<1x16xf32>,
    %get3A_1374 = vector.shape_cast %get3A_1373 : vector<1x16xf32> to vector<16xf32>
    %neg3A_1375 = arith.constant 0.000000e+00 : f32
    %neg3A_1376 = vector.broadcast %neg3A_1375 : f32 to vector<16xf32>
    %neg3A_1377 = arith.subf %neg3A_1376, %get3A_1374 : vector<16xf32>
    %exp3A_1378 = math.exp %neg3A_1377 : vector<16xf32>
    %add3A_1379 = arith.constant 1.000000e+00 : f32
    %add3A_1380 = vector.broadcast %add3A_1379 : f32 to vector<16xf32>
    %add3A_1381 = arith.addf %add3A_1380, %exp3A_1378 : vector<16xf32>
    %div3A_1382 = arith.constant 1.000000e+00 : f32
    %div3A_1383 = vector.broadcast %div3A_1382 : f32 to vector<16xf32>
    %div3A_1384 = arith.divf %div3A_1383, %add3A_1381 : vector<16xf32>
    %get3A_1385 = arith.constant 2 : i32
    %get3A_1386 = arith.index_cast %get3A_1385 : i32 to index
    %get3A_1387 = arith.constant 16 : index
    %get3A_1388 = tpu.vector_load %arg12[%get3A_1386, %get3A_1387] {strides = array<i32>} : memref<4x128xf32, #tpu.memory_space<vmem>>, vector<1x16xf32>,
    %get3A_1389 = vector.shape_cast %get3A_1388 : vector<1x16xf32> to vector<16xf32>
    %neg3A_1390 = arith.constant 0.000000e+00 : f32
    %neg3A_1391 = vector.broadcast %neg3A_1390 : f32 to vector<16xf32>
    %neg3A_1392 = arith.subf %neg3A_1391, %get3A_1389 : vector<16xf32>
    %exp3A_1393 = math.exp %neg3A_1392 : vector<16xf32>
    %add3A_1394 = arith.constant 1.000000e+00 : f32
    %add3A_1395 = vector.broadcast %add3A_1394 : f32 to vector<16xf32>
    %add3A_1396 = arith.addf %add3A_1395, %exp3A_1393 : vector<16xf32>
    %div3A_1397 = arith.constant 1.000000e+00 : f32
    %div3A_1398 = vector.broadcast %div3A_1397 : f32 to vector<16xf32>
    %div3A_1399 = arith.divf %div3A_1398, %add3A_1396 : vector<16xf32>
    %mul3A_1400 = arith.constant 1.700000e+00 : f32
    %mul3A_1401 = vector.broadcast %mul3A_1400 : f32 to vector<16xf32>
    %mul3A_1402 = arith.mulf %mul3A_1401, %div3A_1399 : vector<16xf32>
    %sub3A_1403 = arith.subf %div3A_1369, %div3A_1384 : vector<16xf32>
    %mul3A_1404 = arith.mulf %mul3A_1402, %sub3A_1403 : vector<16xf32>
    %neg3A_1405 = arith.constant 0.000000e+00 : f32
    %neg3A_1406 = vector.broadcast %neg3A_1405 : f32 to vector<16xf32>
    %neg3A_1407 = arith.subf %neg3A_1406, %mul3A_1404 : vector<16xf32>
    %exp3A_1408 = math.exp %neg3A_1407 : vector<16xf32>
    %add3A_1409 = arith.constant 1.000000e+00 : f32
    %add3A_1410 = vector.broadcast %add3A_1409 : f32 to vector<16xf32>
    %add3A_1411 = arith.addf %add3A_1410, %exp3A_1408 : vector<16xf32>
    %div3A_1412 = arith.constant 1.000000e+00 : f32
    %div3A_1413 = vector.broadcast %div3A_1412 : f32 to vector<16xf32>
    %div3A_1414 = arith.divf %div3A_1413, %add3A_1411 : vector<16xf32>
    %swap3A_1415 = arith.constant 2 : i32
    %swap3A_1416 = arith.index_cast %swap3A_1415 : i32 to index
    %swap3A_1417 = arith.constant 16 : index
    %swap3A_1418 = tpu.vector_load %arg13[%swap3A_1416, %swap3A_1417] {strides = array<i32>} : memref<4x128xf32, #tpu.memory_space<vmem>>, vector<1x16xf32>,
    %swap3A_1419 = vector.shape_cast %swap3A_1418 : vector<1x16xf32> to vector<16xf32>
    %swap3A_1420 = vector.shape_cast %div3A_1414 : vector<16xf32> to vector<1x16xf32>
    tpu.vector_store %arg13[%swap3A_1416, %swap3A_1417], %swap3A_1420 {strides = array<i32>} : memref<4x128xf32, #tpu.memory_space<vmem>>, vector<1x16xf32>,
    %get3A_1421 = arith.constant 2 : i32
    %get3A_1422 = arith.index_cast %get3A_1421 : i32 to index
    %get3A_1423 = arith.constant 32 : index
    %get3A_1424 = tpu.vector_load %arg10[%get3A_1422, %get3A_1423] {strides = array<i32>} : memref<4x128xf32, #tpu.memory_space<vmem>>, vector<1x16xf32>,
    %get3A_1425 = vector.shape_cast %get3A_1424 : vector<1x16xf32> to vector<16xf32>
    %neg3A_1426 = arith.constant 0.000000e+00 : f32
    %neg3A_1427 = vector.broadcast %neg3A_1426 : f32 to vector<16xf32>
    %neg3A_1428 = arith.subf %neg3A_1427, %get3A_1425 : vector<16xf32>
    %exp3A_1429 = math.exp %neg3A_1428 : vector<16xf32>
    %add3A_1430 = arith.constant 1.000000e+00 : f32
    %add3A_1431 = vector.broadcast %add3A_1430 : f32 to vector<16xf32>
    %add3A_1432 = arith.addf %add3A_1431, %exp3A_1429 : vector<16xf32>
    %div3A_1433 = arith.constant 1.000000e+00 : f32
    %div3A_1434 = vector.broadcast %div3A_1433 : f32 to vector<16xf32>
    %div3A_1435 = arith.divf %div3A_1434, %add3A_1432 : vector<16xf32>
    %get3A_1436 = arith.constant 2 : i32
    %get3A_1437 = arith.index_cast %get3A_1436 : i32 to index
    %get3A_1438 = arith.constant 32 : index
    %get3A_1439 = tpu.vector_load %arg11[%get3A_1437, %get3A_1438] {strides = array<i32>} : memref<4x128xf32, #tpu.memory_space<vmem>>, vector<1x16xf32>,
    %get3A_1440 = vector.shape_cast %get3A_1439 : vector<1x16xf32> to vector<16xf32>
    %neg3A_1441 = arith.constant 0.000000e+00 : f32
    %neg3A_1442 = vector.broadcast %neg3A_1441 : f32 to vector<16xf32>
    %neg3A_1443 = arith.subf %neg3A_1442, %get3A_1440 : vector<16xf32>
    %exp3A_1444 = math.exp %neg3A_1443 : vector<16xf32>
    %add3A_1445 = arith.constant 1.000000e+00 : f32
    %add3A_1446 = vector.broadcast %add3A_1445 : f32 to vector<16xf32>
    %add3A_1447 = arith.addf %add3A_1446, %exp3A_1444 : vector<16xf32>
    %div3A_1448 = arith.constant 1.000000e+00 : f32
    %div3A_1449 = vector.broadcast %div3A_1448 : f32 to vector<16xf32>
    %div3A_1450 = arith.divf %div3A_1449, %add3A_1447 : vector<16xf32>
    %get3A_1451 = arith.constant 2 : i32
    %get3A_1452 = arith.index_cast %get3A_1451 : i32 to index
    %get3A_1453 = arith.constant 32 : index
    %get3A_1454 = tpu.vector_load %arg12[%get3A_1452, %get3A_1453] {strides = array<i32>} : memref<4x128xf32, #tpu.memory_space<vmem>>, vector<1x16xf32>,
    %get3A_1455 = vector.shape_cast %get3A_1454 : vector<1x16xf32> to vector<16xf32>
    %neg3A_1456 = arith.constant 0.000000e+00 : f32
    %neg3A_1457 = vector.broadcast %neg3A_1456 : f32 to vector<16xf32>
    %neg3A_1458 = arith.subf %neg3A_1457, %get3A_1455 : vector<16xf32>
    %exp3A_1459 = math.exp %neg3A_1458 : vector<16xf32>
    %add3A_1460 = arith.constant 1.000000e+00 : f32
    %add3A_1461 = vector.broadcast %add3A_1460 : f32 to vector<16xf32>
    %add3A_1462 = arith.addf %add3A_1461, %exp3A_1459 : vector<16xf32>
    %div3A_1463 = arith.constant 1.000000e+00 : f32
    %div3A_1464 = vector.broadcast %div3A_1463 : f32 to vector<16xf32>
    %div3A_1465 = arith.divf %div3A_1464, %add3A_1462 : vector<16xf32>
    %mul3A_1466 = arith.constant 1.700000e+00 : f32
    %mul3A_1467 = vector.broadcast %mul3A_1466 : f32 to vector<16xf32>
    %mul3A_1468 = arith.mulf %mul3A_1467, %div3A_1465 : vector<16xf32>
    %sub3A_1469 = arith.subf %div3A_1435, %div3A_1450 : vector<16xf32>
    %mul3A_1470 = arith.mulf %mul3A_1468, %sub3A_1469 : vector<16xf32>
    %neg3A_1471 = arith.constant 0.000000e+00 : f32
    %neg3A_1472 = vector.broadcast %neg3A_1471 : f32 to vector<16xf32>
    %neg3A_1473 = arith.subf %neg3A_1472, %mul3A_1470 : vector<16xf32>
    %exp3A_1474 = math.exp %neg3A_1473 : vector<16xf32>
    %add3A_1475 = arith.constant 1.000000e+00 : f32
    %add3A_1476 = vector.broadcast %add3A_1475 : f32 to vector<16xf32>
    %add3A_1477 = arith.addf %add3A_1476, %exp3A_1474 : vector<16xf32>
    %div3A_1478 = arith.constant 1.000000e+00 : f32
    %div3A_1479 = vector.broadcast %div3A_1478 : f32 to vector<16xf32>
    %div3A_1480 = arith.divf %div3A_1479, %add3A_1477 : vector<16xf32>
    %swap3A_1481 = arith.constant 2 : i32
    %swap3A_1482 = arith.index_cast %swap3A_1481 : i32 to index
    %swap3A_1483 = arith.constant 32 : index
    %swap3A_1484 = tpu.vector_load %arg13[%swap3A_1482, %swap3A_1483] {strides = array<i32>} : memref<4x128xf32, #tpu.memory_space<vmem>>, vector<1x16xf32>,
    %swap3A_1485 = vector.shape_cast %swap3A_1484 : vector<1x16xf32> to vector<16xf32>
    %swap3A_1486 = vector.shape_cast %div3A_1480 : vector<16xf32> to vector<1x16xf32>
    tpu.vector_store %arg13[%swap3A_1482, %swap3A_1483], %swap3A_1486 {strides = array<i32>} : memref<4x128xf32, #tpu.memory_space<vmem>>, vector<1x16xf32>,
    %get3A_1487 = arith.constant 2 : i32
    %get3A_1488 = arith.index_cast %get3A_1487 : i32 to index
    %get3A_1489 = arith.constant 48 : index
    %get3A_1490 = tpu.vector_load %arg10[%get3A_1488, %get3A_1489] {strides = array<i32>} : memref<4x128xf32, #tpu.memory_space<vmem>>, vector<1x16xf32>,
    %get3A_1491 = vector.shape_cast %get3A_1490 : vector<1x16xf32> to vector<16xf32>
    %neg3A_1492 = arith.constant 0.000000e+00 : f32
    %neg3A_1493 = vector.broadcast %neg3A_1492 : f32 to vector<16xf32>
    %neg3A_1494 = arith.subf %neg3A_1493, %get3A_1491 : vector<16xf32>
    %exp3A_1495 = math.exp %neg3A_1494 : vector<16xf32>
    %add3A_1496 = arith.constant 1.000000e+00 : f32
    %add3A_1497 = vector.broadcast %add3A_1496 : f32 to vector<16xf32>
    %add3A_1498 = arith.addf %add3A_1497, %exp3A_1495 : vector<16xf32>
    %div3A_1499 = arith.constant 1.000000e+00 : f32
    %div3A_1500 = vector.broadcast %div3A_1499 : f32 to vector<16xf32>
    %div3A_1501 = arith.divf %div3A_1500, %add3A_1498 : vector<16xf32>
    %get3A_1502 = arith.constant 2 : i32
    %get3A_1503 = arith.index_cast %get3A_1502 : i32 to index
    %get3A_1504 = arith.constant 48 : index
    %get3A_1505 = tpu.vector_load %arg11[%get3A_1503, %get3A_1504] {strides = array<i32>} : memref<4x128xf32, #tpu.memory_space<vmem>>, vector<1x16xf32>,
    %get3A_1506 = vector.shape_cast %get3A_1505 : vector<1x16xf32> to vector<16xf32>
    %neg3A_1507 = arith.constant 0.000000e+00 : f32
    %neg3A_1508 = vector.broadcast %neg3A_1507 : f32 to vector<16xf32>
    %neg3A_1509 = arith.subf %neg3A_1508, %get3A_1506 : vector<16xf32>
    %exp3A_1510 = math.exp %neg3A_1509 : vector<16xf32>
    %add3A_1511 = arith.constant 1.000000e+00 : f32
    %add3A_1512 = vector.broadcast %add3A_1511 : f32 to vector<16xf32>
    %add3A_1513 = arith.addf %add3A_1512, %exp3A_1510 : vector<16xf32>
    %div3A_1514 = arith.constant 1.000000e+00 : f32
    %div3A_1515 = vector.broadcast %div3A_1514 : f32 to vector<16xf32>
    %div3A_1516 = arith.divf %div3A_1515, %add3A_1513 : vector<16xf32>
    %get3A_1517 = arith.constant 2 : i32
    %get3A_1518 = arith.index_cast %get3A_1517 : i32 to index
    %get3A_1519 = arith.constant 48 : index
    %get3A_1520 = tpu.vector_load %arg12[%get3A_1518, %get3A_1519] {strides = array<i32>} : memref<4x128xf32, #tpu.memory_space<vmem>>, vector<1x16xf32>,
    %get3A_1521 = vector.shape_cast %get3A_1520 : vector<1x16xf32> to vector<16xf32>
    %neg3A_1522 = arith.constant 0.000000e+00 : f32
    %neg3A_1523 = vector.broadcast %neg3A_1522 : f32 to vector<16xf32>
    %neg3A_1524 = arith.subf %neg3A_1523, %get3A_1521 : vector<16xf32>
    %exp3A_1525 = math.exp %neg3A_1524 : vector<16xf32>
    %add3A_1526 = arith.constant 1.000000e+00 : f32
    %add3A_1527 = vector.broadcast %add3A_1526 : f32 to vector<16xf32>
    %add3A_1528 = arith.addf %add3A_1527, %exp3A_1525 : vector<16xf32>
    %div3A_1529 = arith.constant 1.000000e+00 : f32
    %div3A_1530 = vector.broadcast %div3A_1529 : f32 to vector<16xf32>
    %div3A_1531 = arith.divf %div3A_1530, %add3A_1528 : vector<16xf32>
    %mul3A_1532 = arith.constant 1.700000e+00 : f32
    %mul3A_1533 = vector.broadcast %mul3A_1532 : f32 to vector<16xf32>
    %mul3A_1534 = arith.mulf %mul3A_1533, %div3A_1531 : vector<16xf32>
    %sub3A_1535 = arith.subf %div3A_1501, %div3A_1516 : vector<16xf32>
    %mul3A_1536 = arith.mulf %mul3A_1534, %sub3A_1535 : vector<16xf32>
    %neg3A_1537 = arith.constant 0.000000e+00 : f32
    %neg3A_1538 = vector.broadcast %neg3A_1537 : f32 to vector<16xf32>
    %neg3A_1539 = arith.subf %neg3A_1538, %mul3A_1536 : vector<16xf32>
    %exp3A_1540 = math.exp %neg3A_1539 : vector<16xf32>
    %add3A_1541 = arith.constant 1.000000e+00 : f32
    %add3A_1542 = vector.broadcast %add3A_1541 : f32 to vector<16xf32>
    %add3A_1543 = arith.addf %add3A_1542, %exp3A_1540 : vector<16xf32>
    %div3A_1544 = arith.constant 1.000000e+00 : f32
    %div3A_1545 = vector.broadcast %div3A_1544 : f32 to vector<16xf32>
    %div3A_1546 = arith.divf %div3A_1545, %add3A_1543 : vector<16xf32>
    %swap3A_1547 = arith.constant 2 : i32
    %swap3A_1548 = arith.index_cast %swap3A_1547 : i32 to index
    %swap3A_1549 = arith.constant 48 : index
    %swap3A_1550 = tpu.vector_load %arg13[%swap3A_1548, %swap3A_1549] {strides = array<i32>} : memref<4x128xf32, #tpu.memory_space<vmem>>, vector<1x16xf32>,
    %swap3A_1551 = vector.shape_cast %swap3A_1550 : vector<1x16xf32> to vector<16xf32>
    %swap3A_1552 = vector.shape_cast %div3A_1546 : vector<16xf32> to vector<1x16xf32>
    tpu.vector_store %arg13[%swap3A_1548, %swap3A_1549], %swap3A_1552 {strides = array<i32>} : memref<4x128xf32, #tpu.memory_space<vmem>>, vector<1x16xf32>,
    %get3A_1553 = arith.constant 2 : i32
    %get3A_1554 = arith.index_cast %get3A_1553 : i32 to index
    %get3A_1555 = arith.constant 64 : index
    %get3A_1556 = tpu.vector_load %arg10[%get3A_1554, %get3A_1555] {strides = array<i32>} : memref<4x128xf32, #tpu.memory_space<vmem>>, vector<1x16xf32>,
    %get3A_1557 = vector.shape_cast %get3A_1556 : vector<1x16xf32> to vector<16xf32>
    %neg3A_1558 = arith.constant 0.000000e+00 : f32
    %neg3A_1559 = vector.broadcast %neg3A_1558 : f32 to vector<16xf32>
    %neg3A_1560 = arith.subf %neg3A_1559, %get3A_1557 : vector<16xf32>
    %exp3A_1561 = math.exp %neg3A_1560 : vector<16xf32>
    %add3A_1562 = arith.constant 1.000000e+00 : f32
    %add3A_1563 = vector.broadcast %add3A_1562 : f32 to vector<16xf32>
    %add3A_1564 = arith.addf %add3A_1563, %exp3A_1561 : vector<16xf32>
    %div3A_1565 = arith.constant 1.000000e+00 : f32
    %div3A_1566 = vector.broadcast %div3A_1565 : f32 to vector<16xf32>
    %div3A_1567 = arith.divf %div3A_1566, %add3A_1564 : vector<16xf32>
    %get3A_1568 = arith.constant 2 : i32
    %get3A_1569 = arith.index_cast %get3A_1568 : i32 to index
    %get3A_1570 = arith.constant 64 : index
    %get3A_1571 = tpu.vector_load %arg11[%get3A_1569, %get3A_1570] {strides = array<i32>} : memref<4x128xf32, #tpu.memory_space<vmem>>, vector<1x16xf32>,
    %get3A_1572 = vector.shape_cast %get3A_1571 : vector<1x16xf32> to vector<16xf32>
    %neg3A_1573 = arith.constant 0.000000e+00 : f32
    %neg3A_1574 = vector.broadcast %neg3A_1573 : f32 to vector<16xf32>
    %neg3A_1575 = arith.subf %neg3A_1574, %get3A_1572 : vector<16xf32>
    %exp3A_1576 = math.exp %neg3A_1575 : vector<16xf32>
    %add3A_1577 = arith.constant 1.000000e+00 : f32
    %add3A_1578 = vector.broadcast %add3A_1577 : f32 to vector<16xf32>
    %add3A_1579 = arith.addf %add3A_1578, %exp3A_1576 : vector<16xf32>
    %div3A_1580 = arith.constant 1.000000e+00 : f32
    %div3A_1581 = vector.broadcast %div3A_1580 : f32 to vector<16xf32>
    %div3A_1582 = arith.divf %div3A_1581, %add3A_1579 : vector<16xf32>
    %get3A_1583 = arith.constant 2 : i32
    %get3A_1584 = arith.index_cast %get3A_1583 : i32 to index
    %get3A_1585 = arith.constant 64 : index
    %get3A_1586 = tpu.vector_load %arg12[%get3A_1584, %get3A_1585] {strides = array<i32>} : memref<4x128xf32, #tpu.memory_space<vmem>>, vector<1x16xf32>,
    %get3A_1587 = vector.shape_cast %get3A_1586 : vector<1x16xf32> to vector<16xf32>
    %neg3A_1588 = arith.constant 0.000000e+00 : f32
    %neg3A_1589 = vector.broadcast %neg3A_1588 : f32 to vector<16xf32>
    %neg3A_1590 = arith.subf %neg3A_1589, %get3A_1587 : vector<16xf32>
    %exp3A_1591 = math.exp %neg3A_1590 : vector<16xf32>
    %add3A_1592 = arith.constant 1.000000e+00 : f32
    %add3A_1593 = vector.broadcast %add3A_1592 : f32 to vector<16xf32>
    %add3A_1594 = arith.addf %add3A_1593, %exp3A_1591 : vector<16xf32>
    %div3A_1595 = arith.constant 1.000000e+00 : f32
    %div3A_1596 = vector.broadcast %div3A_1595 : f32 to vector<16xf32>
    %div3A_1597 = arith.divf %div3A_1596, %add3A_1594 : vector<16xf32>
    %mul3A_1598 = arith.constant 1.700000e+00 : f32
    %mul3A_1599 = vector.broadcast %mul3A_1598 : f32 to vector<16xf32>
    %mul3A_1600 = arith.mulf %mul3A_1599, %div3A_1597 : vector<16xf32>
    %sub3A_1601 = arith.subf %div3A_1567, %div3A_1582 : vector<16xf32>
    %mul3A_1602 = arith.mulf %mul3A_1600, %sub3A_1601 : vector<16xf32>
    %neg3A_1603 = arith.constant 0.000000e+00 : f32
    %neg3A_1604 = vector.broadcast %neg3A_1603 : f32 to vector<16xf32>
    %neg3A_1605 = arith.subf %neg3A_1604, %mul3A_1602 : vector<16xf32>
    %exp3A_1606 = math.exp %neg3A_1605 : vector<16xf32>
    %add3A_1607 = arith.constant 1.000000e+00 : f32
    %add3A_1608 = vector.broadcast %add3A_1607 : f32 to vector<16xf32>
    %add3A_1609 = arith.addf %add3A_1608, %exp3A_1606 : vector<16xf32>
    %div3A_1610 = arith.constant 1.000000e+00 : f32
    %div3A_1611 = vector.broadcast %div3A_1610 : f32 to vector<16xf32>
    %div3A_1612 = arith.divf %div3A_1611, %add3A_1609 : vector<16xf32>
    %swap3A_1613 = arith.constant 2 : i32
    %swap3A_1614 = arith.index_cast %swap3A_1613 : i32 to index
    %swap3A_1615 = arith.constant 64 : index
    %swap3A_1616 = tpu.vector_load %arg13[%swap3A_1614, %swap3A_1615] {strides = array<i32>} : memref<4x128xf32, #tpu.memory_space<vmem>>, vector<1x16xf32>,
    %swap3A_1617 = vector.shape_cast %swap3A_1616 : vector<1x16xf32> to vector<16xf32>
    %swap3A_1618 = vector.shape_cast %div3A_1612 : vector<16xf32> to vector<1x16xf32>
    tpu.vector_store %arg13[%swap3A_1614, %swap3A_1615], %swap3A_1618 {strides = array<i32>} : memref<4x128xf32, #tpu.memory_space<vmem>>, vector<1x16xf32>,
    %get3A_1619 = arith.constant 2 : i32
    %get3A_1620 = arith.index_cast %get3A_1619 : i32 to index
    %get3A_1621 = arith.constant 80 : index
    %get3A_1622 = tpu.vector_load %arg10[%get3A_1620, %get3A_1621] {strides = array<i32>} : memref<4x128xf32, #tpu.memory_space<vmem>>, vector<1x16xf32>,
    %get3A_1623 = vector.shape_cast %get3A_1622 : vector<1x16xf32> to vector<16xf32>
    %neg3A_1624 = arith.constant 0.000000e+00 : f32
    %neg3A_1625 = vector.broadcast %neg3A_1624 : f32 to vector<16xf32>
    %neg3A_1626 = arith.subf %neg3A_1625, %get3A_1623 : vector<16xf32>
    %exp3A_1627 = math.exp %neg3A_1626 : vector<16xf32>
    %add3A_1628 = arith.constant 1.000000e+00 : f32
    %add3A_1629 = vector.broadcast %add3A_1628 : f32 to vector<16xf32>
    %add3A_1630 = arith.addf %add3A_1629, %exp3A_1627 : vector<16xf32>
    %div3A_1631 = arith.constant 1.000000e+00 : f32
    %div3A_1632 = vector.broadcast %div3A_1631 : f32 to vector<16xf32>
    %div3A_1633 = arith.divf %div3A_1632, %add3A_1630 : vector<16xf32>
    %get3A_1634 = arith.constant 2 : i32
    %get3A_1635 = arith.index_cast %get3A_1634 : i32 to index
    %get3A_1636 = arith.constant 80 : index
    %get3A_1637 = tpu.vector_load %arg11[%get3A_1635, %get3A_1636] {strides = array<i32>} : memref<4x128xf32, #tpu.memory_space<vmem>>, vector<1x16xf32>,
    %get3A_1638 = vector.shape_cast %get3A_1637 : vector<1x16xf32> to vector<16xf32>
    %neg3A_1639 = arith.constant 0.000000e+00 : f32
    %neg3A_1640 = vector.broadcast %neg3A_1639 : f32 to vector<16xf32>
    %neg3A_1641 = arith.subf %neg3A_1640, %get3A_1638 : vector<16xf32>
    %exp3A_1642 = math.exp %neg3A_1641 : vector<16xf32>
    %add3A_1643 = arith.constant 1.000000e+00 : f32
    %add3A_1644 = vector.broadcast %add3A_1643 : f32 to vector<16xf32>
    %add3A_1645 = arith.addf %add3A_1644, %exp3A_1642 : vector<16xf32>
    %div3A_1646 = arith.constant 1.000000e+00 : f32
    %div3A_1647 = vector.broadcast %div3A_1646 : f32 to vector<16xf32>
    %div3A_1648 = arith.divf %div3A_1647, %add3A_1645 : vector<16xf32>
    %get3A_1649 = arith.constant 2 : i32
    %get3A_1650 = arith.index_cast %get3A_1649 : i32 to index
    %get3A_1651 = arith.constant 80 : index
    %get3A_1652 = tpu.vector_load %arg12[%get3A_1650, %get3A_1651] {strides = array<i32>} : memref<4x128xf32, #tpu.memory_space<vmem>>, vector<1x16xf32>,
    %get3A_1653 = vector.shape_cast %get3A_1652 : vector<1x16xf32> to vector<16xf32>
    %neg3A_1654 = arith.constant 0.000000e+00 : f32
    %neg3A_1655 = vector.broadcast %neg3A_1654 : f32 to vector<16xf32>
    %neg3A_1656 = arith.subf %neg3A_1655, %get3A_1653 : vector<16xf32>
    %exp3A_1657 = math.exp %neg3A_1656 : vector<16xf32>
    %add3A_1658 = arith.constant 1.000000e+00 : f32
    %add3A_1659 = vector.broadcast %add3A_1658 : f32 to vector<16xf32>
    %add3A_1660 = arith.addf %add3A_1659, %exp3A_1657 : vector<16xf32>
    %div3A_1661 = arith.constant 1.000000e+00 : f32
    %div3A_1662 = vector.broadcast %div3A_1661 : f32 to vector<16xf32>
    %div3A_1663 = arith.divf %div3A_1662, %add3A_1660 : vector<16xf32>
    %mul3A_1664 = arith.constant 1.700000e+00 : f32
    %mul3A_1665 = vector.broadcast %mul3A_1664 : f32 to vector<16xf32>
    %mul3A_1666 = arith.mulf %mul3A_1665, %div3A_1663 : vector<16xf32>
    %sub3A_1667 = arith.subf %div3A_1633, %div3A_1648 : vector<16xf32>
    %mul3A_1668 = arith.mulf %mul3A_1666, %sub3A_1667 : vector<16xf32>
    %neg3A_1669 = arith.constant 0.000000e+00 : f32
    %neg3A_1670 = vector.broadcast %neg3A_1669 : f32 to vector<16xf32>
    %neg3A_1671 = arith.subf %neg3A_1670, %mul3A_1668 : vector<16xf32>
    %exp3A_1672 = math.exp %neg3A_1671 : vector<16xf32>
    %add3A_1673 = arith.constant 1.000000e+00 : f32
    %add3A_1674 = vector.broadcast %add3A_1673 : f32 to vector<16xf32>
    %add3A_1675 = arith.addf %add3A_1674, %exp3A_1672 : vector<16xf32>
    %div3A_1676 = arith.constant 1.000000e+00 : f32
    %div3A_1677 = vector.broadcast %div3A_1676 : f32 to vector<16xf32>
    %div3A_1678 = arith.divf %div3A_1677, %add3A_1675 : vector<16xf32>
    %swap3A_1679 = arith.constant 2 : i32
    %swap3A_1680 = arith.index_cast %swap3A_1679 : i32 to index
    %swap3A_1681 = arith.constant 80 : index
    %swap3A_1682 = tpu.vector_load %arg13[%swap3A_1680, %swap3A_1681] {strides = array<i32>} : memref<4x128xf32, #tpu.memory_space<vmem>>, vector<1x16xf32>,
    %swap3A_1683 = vector.shape_cast %swap3A_1682 : vector<1x16xf32> to vector<16xf32>
    %swap3A_1684 = vector.shape_cast %div3A_1678 : vector<16xf32> to vector<1x16xf32>
    tpu.vector_store %arg13[%swap3A_1680, %swap3A_1681], %swap3A_1684 {strides = array<i32>} : memref<4x128xf32, #tpu.memory_space<vmem>>, vector<1x16xf32>,
    %get3A_1685 = arith.constant 2 : i32
    %get3A_1686 = arith.index_cast %get3A_1685 : i32 to index
    %get3A_1687 = arith.constant 96 : index
    %get3A_1688 = tpu.vector_load %arg10[%get3A_1686, %get3A_1687] {strides = array<i32>} : memref<4x128xf32, #tpu.memory_space<vmem>>, vector<1x16xf32>,
    %get3A_1689 = vector.shape_cast %get3A_1688 : vector<1x16xf32> to vector<16xf32>
    %neg3A_1690 = arith.constant 0.000000e+00 : f32
    %neg3A_1691 = vector.broadcast %neg3A_1690 : f32 to vector<16xf32>
    %neg3A_1692 = arith.subf %neg3A_1691, %get3A_1689 : vector<16xf32>
    %exp3A_1693 = math.exp %neg3A_1692 : vector<16xf32>
    %add3A_1694 = arith.constant 1.000000e+00 : f32
    %add3A_1695 = vector.broadcast %add3A_1694 : f32 to vector<16xf32>
    %add3A_1696 = arith.addf %add3A_1695, %exp3A_1693 : vector<16xf32>
    %div3A_1697 = arith.constant 1.000000e+00 : f32
    %div3A_1698 = vector.broadcast %div3A_1697 : f32 to vector<16xf32>
    %div3A_1699 = arith.divf %div3A_1698, %add3A_1696 : vector<16xf32>
    %get3A_1700 = arith.constant 2 : i32
    %get3A_1701 = arith.index_cast %get3A_1700 : i32 to index
    %get3A_1702 = arith.constant 96 : index
    %get3A_1703 = tpu.vector_load %arg11[%get3A_1701, %get3A_1702] {strides = array<i32>} : memref<4x128xf32, #tpu.memory_space<vmem>>, vector<1x16xf32>,
    %get3A_1704 = vector.shape_cast %get3A_1703 : vector<1x16xf32> to vector<16xf32>
    %neg3A_1705 = arith.constant 0.000000e+00 : f32
    %neg3A_1706 = vector.broadcast %neg3A_1705 : f32 to vector<16xf32>
    %neg3A_1707 = arith.subf %neg3A_1706, %get3A_1704 : vector<16xf32>
    %exp3A_1708 = math.exp %neg3A_1707 : vector<16xf32>
    %add3A_1709 = arith.constant 1.000000e+00 : f32
    %add3A_1710 = vector.broadcast %add3A_1709 : f32 to vector<16xf32>
    %add3A_1711 = arith.addf %add3A_1710, %exp3A_1708 : vector<16xf32>
    %div3A_1712 = arith.constant 1.000000e+00 : f32
    %div3A_1713 = vector.broadcast %div3A_1712 : f32 to vector<16xf32>
    %div3A_1714 = arith.divf %div3A_1713, %add3A_1711 : vector<16xf32>
    %get3A_1715 = arith.constant 2 : i32
    %get3A_1716 = arith.index_cast %get3A_1715 : i32 to index
    %get3A_1717 = arith.constant 96 : index
    %get3A_1718 = tpu.vector_load %arg12[%get3A_1716, %get3A_1717] {strides = array<i32>} : memref<4x128xf32, #tpu.memory_space<vmem>>, vector<1x16xf32>,
    %get3A_1719 = vector.shape_cast %get3A_1718 : vector<1x16xf32> to vector<16xf32>
    %neg3A_1720 = arith.constant 0.000000e+00 : f32
    %neg3A_1721 = vector.broadcast %neg3A_1720 : f32 to vector<16xf32>
    %neg3A_1722 = arith.subf %neg3A_1721, %get3A_1719 : vector<16xf32>
    %exp3A_1723 = math.exp %neg3A_1722 : vector<16xf32>
    %add3A_1724 = arith.constant 1.000000e+00 : f32
    %add3A_1725 = vector.broadcast %add3A_1724 : f32 to vector<16xf32>
    %add3A_1726 = arith.addf %add3A_1725, %exp3A_1723 : vector<16xf32>
    %div3A_1727 = arith.constant 1.000000e+00 : f32
    %div3A_1728 = vector.broadcast %div3A_1727 : f32 to vector<16xf32>
    %div3A_1729 = arith.divf %div3A_1728, %add3A_1726 : vector<16xf32>
    %mul3A_1730 = arith.constant 1.700000e+00 : f32
    %mul3A_1731 = vector.broadcast %mul3A_1730 : f32 to vector<16xf32>
    %mul3A_1732 = arith.mulf %mul3A_1731, %div3A_1729 : vector<16xf32>
    %sub3A_1733 = arith.subf %div3A_1699, %div3A_1714 : vector<16xf32>
    %mul3A_1734 = arith.mulf %mul3A_1732, %sub3A_1733 : vector<16xf32>
    %neg3A_1735 = arith.constant 0.000000e+00 : f32
    %neg3A_1736 = vector.broadcast %neg3A_1735 : f32 to vector<16xf32>
    %neg3A_1737 = arith.subf %neg3A_1736, %mul3A_1734 : vector<16xf32>
    %exp3A_1738 = math.exp %neg3A_1737 : vector<16xf32>
    %add3A_1739 = arith.constant 1.000000e+00 : f32
    %add3A_1740 = vector.broadcast %add3A_1739 : f32 to vector<16xf32>
    %add3A_1741 = arith.addf %add3A_1740, %exp3A_1738 : vector<16xf32>
    %div3A_1742 = arith.constant 1.000000e+00 : f32
    %div3A_1743 = vector.broadcast %div3A_1742 : f32 to vector<16xf32>
    %div3A_1744 = arith.divf %div3A_1743, %add3A_1741 : vector<16xf32>
    %swap3A_1745 = arith.constant 2 : i32
    %swap3A_1746 = arith.index_cast %swap3A_1745 : i32 to index
    %swap3A_1747 = arith.constant 96 : index
    %swap3A_1748 = tpu.vector_load %arg13[%swap3A_1746, %swap3A_1747] {strides = array<i32>} : memref<4x128xf32, #tpu.memory_space<vmem>>, vector<1x16xf32>,
    %swap3A_1749 = vector.shape_cast %swap3A_1748 : vector<1x16xf32> to vector<16xf32>
    %swap3A_1750 = vector.shape_cast %div3A_1744 : vector<16xf32> to vector<1x16xf32>
    tpu.vector_store %arg13[%swap3A_1746, %swap3A_1747], %swap3A_1750 {strides = array<i32>} : memref<4x128xf32, #tpu.memory_space<vmem>>, vector<1x16xf32>,
    %get3A_1751 = arith.constant 2 : i32
    %get3A_1752 = arith.index_cast %get3A_1751 : i32 to index
    %get3A_1753 = arith.constant 112 : index
    %get3A_1754 = tpu.vector_load %arg10[%get3A_1752, %get3A_1753] {strides = array<i32>} : memref<4x128xf32, #tpu.memory_space<vmem>>, vector<1x16xf32>,
    %get3A_1755 = vector.shape_cast %get3A_1754 : vector<1x16xf32> to vector<16xf32>
    %neg3A_1756 = arith.constant 0.000000e+00 : f32
    %neg3A_1757 = vector.broadcast %neg3A_1756 : f32 to vector<16xf32>
    %neg3A_1758 = arith.subf %neg3A_1757, %get3A_1755 : vector<16xf32>
    %exp3A_1759 = math.exp %neg3A_1758 : vector<16xf32>
    %add3A_1760 = arith.constant 1.000000e+00 : f32
    %add3A_1761 = vector.broadcast %add3A_1760 : f32 to vector<16xf32>
    %add3A_1762 = arith.addf %add3A_1761, %exp3A_1759 : vector<16xf32>
    %div3A_1763 = arith.constant 1.000000e+00 : f32
    %div3A_1764 = vector.broadcast %div3A_1763 : f32 to vector<16xf32>
    %div3A_1765 = arith.divf %div3A_1764, %add3A_1762 : vector<16xf32>
    %get3A_1766 = arith.constant 2 : i32
    %get3A_1767 = arith.index_cast %get3A_1766 : i32 to index
    %get3A_1768 = arith.constant 112 : index
    %get3A_1769 = tpu.vector_load %arg11[%get3A_1767, %get3A_1768] {strides = array<i32>} : memref<4x128xf32, #tpu.memory_space<vmem>>, vector<1x16xf32>,
    %get3A_1770 = vector.shape_cast %get3A_1769 : vector<1x16xf32> to vector<16xf32>
    %neg3A_1771 = arith.constant 0.000000e+00 : f32
    %neg3A_1772 = vector.broadcast %neg3A_1771 : f32 to vector<16xf32>
    %neg3A_1773 = arith.subf %neg3A_1772, %get3A_1770 : vector<16xf32>
    %exp3A_1774 = math.exp %neg3A_1773 : vector<16xf32>
    %add3A_1775 = arith.constant 1.000000e+00 : f32
    %add3A_1776 = vector.broadcast %add3A_1775 : f32 to vector<16xf32>
    %add3A_1777 = arith.addf %add3A_1776, %exp3A_1774 : vector<16xf32>
    %div3A_1778 = arith.constant 1.000000e+00 : f32
    %div3A_1779 = vector.broadcast %div3A_1778 : f32 to vector<16xf32>
    %div3A_1780 = arith.divf %div3A_1779, %add3A_1777 : vector<16xf32>
    %get3A_1781 = arith.constant 2 : i32
    %get3A_1782 = arith.index_cast %get3A_1781 : i32 to index
    %get3A_1783 = arith.constant 112 : index
    %get3A_1784 = tpu.vector_load %arg12[%get3A_1782, %get3A_1783] {strides = array<i32>} : memref<4x128xf32, #tpu.memory_space<vmem>>, vector<1x16xf32>,
    %get3A_1785 = vector.shape_cast %get3A_1784 : vector<1x16xf32> to vector<16xf32>
    %neg3A_1786 = arith.constant 0.000000e+00 : f32
    %neg3A_1787 = vector.broadcast %neg3A_1786 : f32 to vector<16xf32>
    %neg3A_1788 = arith.subf %neg3A_1787, %get3A_1785 : vector<16xf32>
    %exp3A_1789 = math.exp %neg3A_1788 : vector<16xf32>
    %add3A_1790 = arith.constant 1.000000e+00 : f32
    %add3A_1791 = vector.broadcast %add3A_1790 : f32 to vector<16xf32>
    %add3A_1792 = arith.addf %add3A_1791, %exp3A_1789 : vector<16xf32>
    %div3A_1793 = arith.constant 1.000000e+00 : f32
    %div3A_1794 = vector.broadcast %div3A_1793 : f32 to vector<16xf32>
    %div3A_1795 = arith.divf %div3A_1794, %add3A_1792 : vector<16xf32>
    %mul3A_1796 = arith.constant 1.700000e+00 : f32
    %mul3A_1797 = vector.broadcast %mul3A_1796 : f32 to vector<16xf32>
    %mul3A_1798 = arith.mulf %mul3A_1797, %div3A_1795 : vector<16xf32>
    %sub3A_1799 = arith.subf %div3A_1765, %div3A_1780 : vector<16xf32>
    %mul3A_1800 = arith.mulf %mul3A_1798, %sub3A_1799 : vector<16xf32>
    %neg3A_1801 = arith.constant 0.000000e+00 : f32
    %neg3A_1802 = vector.broadcast %neg3A_1801 : f32 to vector<16xf32>
    %neg3A_1803 = arith.subf %neg3A_1802, %mul3A_1800 : vector<16xf32>
    %exp3A_1804 = math.exp %neg3A_1803 : vector<16xf32>
    %add3A_1805 = arith.constant 1.000000e+00 : f32
    %add3A_1806 = vector.broadcast %add3A_1805 : f32 to vector<16xf32>
    %add3A_1807 = arith.addf %add3A_1806, %exp3A_1804 : vector<16xf32>
    %div3A_1808 = arith.constant 1.000000e+00 : f32
    %div3A_1809 = vector.broadcast %div3A_1808 : f32 to vector<16xf32>
    %div3A_1810 = arith.divf %div3A_1809, %add3A_1807 : vector<16xf32>
    %swap3A_1811 = arith.constant 2 : i32
    %swap3A_1812 = arith.index_cast %swap3A_1811 : i32 to index
    %swap3A_1813 = arith.constant 112 : index
    %swap3A_1814 = tpu.vector_load %arg13[%swap3A_1812, %swap3A_1813] {strides = array<i32>} : memref<4x128xf32, #tpu.memory_space<vmem>>, vector<1x16xf32>,
    %swap3A_1815 = vector.shape_cast %swap3A_1814 : vector<1x16xf32> to vector<16xf32>
    %swap3A_1816 = vector.shape_cast %div3A_1810 : vector<16xf32> to vector<1x16xf32>
    tpu.vector_store %arg13[%swap3A_1812, %swap3A_1813], %swap3A_1816 {strides = array<i32>} : memref<4x128xf32, #tpu.memory_space<vmem>>, vector<1x16xf32>,
    %get3A_1817 = arith.constant 3 : i32
    %get3A_1818 = arith.index_cast %get3A_1817 : i32 to index
    %get3A_1819 = arith.constant 0 : index
    %get3A_1820 = tpu.vector_load %arg10[%get3A_1818, %get3A_1819] {strides = array<i32>} : memref<4x128xf32, #tpu.memory_space<vmem>>, vector<1x16xf32>,
    %get3A_1821 = vector.shape_cast %get3A_1820 : vector<1x16xf32> to vector<16xf32>
    %neg3A_1822 = arith.constant 0.000000e+00 : f32
    %neg3A_1823 = vector.broadcast %neg3A_1822 : f32 to vector<16xf32>
    %neg3A_1824 = arith.subf %neg3A_1823, %get3A_1821 : vector<16xf32>
    %exp3A_1825 = math.exp %neg3A_1824 : vector<16xf32>
    %add3A_1826 = arith.constant 1.000000e+00 : f32
    %add3A_1827 = vector.broadcast %add3A_1826 : f32 to vector<16xf32>
    %add3A_1828 = arith.addf %add3A_1827, %exp3A_1825 : vector<16xf32>
    %div3A_1829 = arith.constant 1.000000e+00 : f32
    %div3A_1830 = vector.broadcast %div3A_1829 : f32 to vector<16xf32>
    %div3A_1831 = arith.divf %div3A_1830, %add3A_1828 : vector<16xf32>
    %get3A_1832 = arith.constant 3 : i32
    %get3A_1833 = arith.index_cast %get3A_1832 : i32 to index
    %get3A_1834 = arith.constant 0 : index
    %get3A_1835 = tpu.vector_load %arg11[%get3A_1833, %get3A_1834] {strides = array<i32>} : memref<4x128xf32, #tpu.memory_space<vmem>>, vector<1x16xf32>,
    %get3A_1836 = vector.shape_cast %get3A_1835 : vector<1x16xf32> to vector<16xf32>
    %neg3A_1837 = arith.constant 0.000000e+00 : f32
    %neg3A_1838 = vector.broadcast %neg3A_1837 : f32 to vector<16xf32>
    %neg3A_1839 = arith.subf %neg3A_1838, %get3A_1836 : vector<16xf32>
    %exp3A_1840 = math.exp %neg3A_1839 : vector<16xf32>
    %add3A_1841 = arith.constant 1.000000e+00 : f32
    %add3A_1842 = vector.broadcast %add3A_1841 : f32 to vector<16xf32>
    %add3A_1843 = arith.addf %add3A_1842, %exp3A_1840 : vector<16xf32>
    %div3A_1844 = arith.constant 1.000000e+00 : f32
    %div3A_1845 = vector.broadcast %div3A_1844 : f32 to vector<16xf32>
    %div3A_1846 = arith.divf %div3A_1845, %add3A_1843 : vector<16xf32>
    %get3A_1847 = arith.constant 3 : i32
    %get3A_1848 = arith.index_cast %get3A_1847 : i32 to index
    %get3A_1849 = arith.constant 0 : index
    %get3A_1850 = tpu.vector_load %arg12[%get3A_1848, %get3A_1849] {strides = array<i32>} : memref<4x128xf32, #tpu.memory_space<vmem>>, vector<1x16xf32>,
    %get3A_1851 = vector.shape_cast %get3A_1850 : vector<1x16xf32> to vector<16xf32>
    %neg3A_1852 = arith.constant 0.000000e+00 : f32
    %neg3A_1853 = vector.broadcast %neg3A_1852 : f32 to vector<16xf32>
    %neg3A_1854 = arith.subf %neg3A_1853, %get3A_1851 : vector<16xf32>
    %exp3A_1855 = math.exp %neg3A_1854 : vector<16xf32>
    %add3A_1856 = arith.constant 1.000000e+00 : f32
    %add3A_1857 = vector.broadcast %add3A_1856 : f32 to vector<16xf32>
    %add3A_1858 = arith.addf %add3A_1857, %exp3A_1855 : vector<16xf32>
    %div3A_1859 = arith.constant 1.000000e+00 : f32
    %div3A_1860 = vector.broadcast %div3A_1859 : f32 to vector<16xf32>
    %div3A_1861 = arith.divf %div3A_1860, %add3A_1858 : vector<16xf32>
    %mul3A_1862 = arith.constant 1.700000e+00 : f32
    %mul3A_1863 = vector.broadcast %mul3A_1862 : f32 to vector<16xf32>
    %mul3A_1864 = arith.mulf %mul3A_1863, %div3A_1861 : vector<16xf32>
    %sub3A_1865 = arith.subf %div3A_1831, %div3A_1846 : vector<16xf32>
    %mul3A_1866 = arith.mulf %mul3A_1864, %sub3A_1865 : vector<16xf32>
    %neg3A_1867 = arith.constant 0.000000e+00 : f32
    %neg3A_1868 = vector.broadcast %neg3A_1867 : f32 to vector<16xf32>
    %neg3A_1869 = arith.subf %neg3A_1868, %mul3A_1866 : vector<16xf32>
    %exp3A_1870 = math.exp %neg3A_1869 : vector<16xf32>
    %add3A_1871 = arith.constant 1.000000e+00 : f32
    %add3A_1872 = vector.broadcast %add3A_1871 : f32 to vector<16xf32>
    %add3A_1873 = arith.addf %add3A_1872, %exp3A_1870 : vector<16xf32>
    %div3A_1874 = arith.constant 1.000000e+00 : f32
    %div3A_1875 = vector.broadcast %div3A_1874 : f32 to vector<16xf32>
    %div3A_1876 = arith.divf %div3A_1875, %add3A_1873 : vector<16xf32>
    %swap3A_1877 = arith.constant 3 : i32
    %swap3A_1878 = arith.index_cast %swap3A_1877 : i32 to index
    %swap3A_1879 = arith.constant 0 : index
    %swap3A_1880 = tpu.vector_load %arg13[%swap3A_1878, %swap3A_1879] {strides = array<i32>} : memref<4x128xf32, #tpu.memory_space<vmem>>, vector<1x16xf32>,
    %swap3A_1881 = vector.shape_cast %swap3A_1880 : vector<1x16xf32> to vector<16xf32>
    %swap3A_1882 = vector.shape_cast %div3A_1876 : vector<16xf32> to vector<1x16xf32>
    tpu.vector_store %arg13[%swap3A_1878, %swap3A_1879], %swap3A_1882 {strides = array<i32>} : memref<4x128xf32, #tpu.memory_space<vmem>>, vector<1x16xf32>,
    %get3A_1883 = arith.constant 3 : i32
    %get3A_1884 = arith.index_cast %get3A_1883 : i32 to index
    %get3A_1885 = arith.constant 16 : index
    %get3A_1886 = tpu.vector_load %arg10[%get3A_1884, %get3A_1885] {strides = array<i32>} : memref<4x128xf32, #tpu.memory_space<vmem>>, vector<1x16xf32>,
    %get3A_1887 = vector.shape_cast %get3A_1886 : vector<1x16xf32> to vector<16xf32>
    %neg3A_1888 = arith.constant 0.000000e+00 : f32
    %neg3A_1889 = vector.broadcast %neg3A_1888 : f32 to vector<16xf32>
    %neg3A_1890 = arith.subf %neg3A_1889, %get3A_1887 : vector<16xf32>
    %exp3A_1891 = math.exp %neg3A_1890 : vector<16xf32>
    %add3A_1892 = arith.constant 1.000000e+00 : f32
    %add3A_1893 = vector.broadcast %add3A_1892 : f32 to vector<16xf32>
    %add3A_1894 = arith.addf %add3A_1893, %exp3A_1891 : vector<16xf32>
    %div3A_1895 = arith.constant 1.000000e+00 : f32
    %div3A_1896 = vector.broadcast %div3A_1895 : f32 to vector<16xf32>
    %div3A_1897 = arith.divf %div3A_1896, %add3A_1894 : vector<16xf32>
    %get3A_1898 = arith.constant 3 : i32
    %get3A_1899 = arith.index_cast %get3A_1898 : i32 to index
    %get3A_1900 = arith.constant 16 : index
    %get3A_1901 = tpu.vector_load %arg11[%get3A_1899, %get3A_1900] {strides = array<i32>} : memref<4x128xf32, #tpu.memory_space<vmem>>, vector<1x16xf32>,
    %get3A_1902 = vector.shape_cast %get3A_1901 : vector<1x16xf32> to vector<16xf32>
    %neg3A_1903 = arith.constant 0.000000e+00 : f32
    %neg3A_1904 = vector.broadcast %neg3A_1903 : f32 to vector<16xf32>
    %neg3A_1905 = arith.subf %neg3A_1904, %get3A_1902 : vector<16xf32>
    %exp3A_1906 = math.exp %neg3A_1905 : vector<16xf32>
    %add3A_1907 = arith.constant 1.000000e+00 : f32
    %add3A_1908 = vector.broadcast %add3A_1907 : f32 to vector<16xf32>
    %add3A_1909 = arith.addf %add3A_1908, %exp3A_1906 : vector<16xf32>
    %div3A_1910 = arith.constant 1.000000e+00 : f32
    %div3A_1911 = vector.broadcast %div3A_1910 : f32 to vector<16xf32>
    %div3A_1912 = arith.divf %div3A_1911, %add3A_1909 : vector<16xf32>
    %get3A_1913 = arith.constant 3 : i32
    %get3A_1914 = arith.index_cast %get3A_1913 : i32 to index
    %get3A_1915 = arith.constant 16 : index
    %get3A_1916 = tpu.vector_load %arg12[%get3A_1914, %get3A_1915] {strides = array<i32>} : memref<4x128xf32, #tpu.memory_space<vmem>>, vector<1x16xf32>,
    %get3A_1917 = vector.shape_cast %get3A_1916 : vector<1x16xf32> to vector<16xf32>
    %neg3A_1918 = arith.constant 0.000000e+00 : f32
    %neg3A_1919 = vector.broadcast %neg3A_1918 : f32 to vector<16xf32>
    %neg3A_1920 = arith.subf %neg3A_1919, %get3A_1917 : vector<16xf32>
    %exp3A_1921 = math.exp %neg3A_1920 : vector<16xf32>
    %add3A_1922 = arith.constant 1.000000e+00 : f32
    %add3A_1923 = vector.broadcast %add3A_1922 : f32 to vector<16xf32>
    %add3A_1924 = arith.addf %add3A_1923, %exp3A_1921 : vector<16xf32>
    %div3A_1925 = arith.constant 1.000000e+00 : f32
    %div3A_1926 = vector.broadcast %div3A_1925 : f32 to vector<16xf32>
    %div3A_1927 = arith.divf %div3A_1926, %add3A_1924 : vector<16xf32>
    %mul3A_1928 = arith.constant 1.700000e+00 : f32
    %mul3A_1929 = vector.broadcast %mul3A_1928 : f32 to vector<16xf32>
    %mul3A_1930 = arith.mulf %mul3A_1929, %div3A_1927 : vector<16xf32>
    %sub3A_1931 = arith.subf %div3A_1897, %div3A_1912 : vector<16xf32>
    %mul3A_1932 = arith.mulf %mul3A_1930, %sub3A_1931 : vector<16xf32>
    %neg3A_1933 = arith.constant 0.000000e+00 : f32
    %neg3A_1934 = vector.broadcast %neg3A_1933 : f32 to vector<16xf32>
    %neg3A_1935 = arith.subf %neg3A_1934, %mul3A_1932 : vector<16xf32>
    %exp3A_1936 = math.exp %neg3A_1935 : vector<16xf32>
    %add3A_1937 = arith.constant 1.000000e+00 : f32
    %add3A_1938 = vector.broadcast %add3A_1937 : f32 to vector<16xf32>
    %add3A_1939 = arith.addf %add3A_1938, %exp3A_1936 : vector<16xf32>
    %div3A_1940 = arith.constant 1.000000e+00 : f32
    %div3A_1941 = vector.broadcast %div3A_1940 : f32 to vector<16xf32>
    %div3A_1942 = arith.divf %div3A_1941, %add3A_1939 : vector<16xf32>
    %swap3A_1943 = arith.constant 3 : i32
    %swap3A_1944 = arith.index_cast %swap3A_1943 : i32 to index
    %swap3A_1945 = arith.constant 16 : index
    %swap3A_1946 = tpu.vector_load %arg13[%swap3A_1944, %swap3A_1945] {strides = array<i32>} : memref<4x128xf32, #tpu.memory_space<vmem>>, vector<1x16xf32>,
    %swap3A_1947 = vector.shape_cast %swap3A_1946 : vector<1x16xf32> to vector<16xf32>
    %swap3A_1948 = vector.shape_cast %div3A_1942 : vector<16xf32> to vector<1x16xf32>
    tpu.vector_store %arg13[%swap3A_1944, %swap3A_1945], %swap3A_1948 {strides = array<i32>} : memref<4x128xf32, #tpu.memory_space<vmem>>, vector<1x16xf32>,
    %get3A_1949 = arith.constant 3 : i32
    %get3A_1950 = arith.index_cast %get3A_1949 : i32 to index
    %get3A_1951 = arith.constant 32 : index
    %get3A_1952 = tpu.vector_load %arg10[%get3A_1950, %get3A_1951] {strides = array<i32>} : memref<4x128xf32, #tpu.memory_space<vmem>>, vector<1x16xf32>,
    %get3A_1953 = vector.shape_cast %get3A_1952 : vector<1x16xf32> to vector<16xf32>
    %neg3A_1954 = arith.constant 0.000000e+00 : f32
    %neg3A_1955 = vector.broadcast %neg3A_1954 : f32 to vector<16xf32>
    %neg3A_1956 = arith.subf %neg3A_1955, %get3A_1953 : vector<16xf32>
    %exp3A_1957 = math.exp %neg3A_1956 : vector<16xf32>
    %add3A_1958 = arith.constant 1.000000e+00 : f32
    %add3A_1959 = vector.broadcast %add3A_1958 : f32 to vector<16xf32>
    %add3A_1960 = arith.addf %add3A_1959, %exp3A_1957 : vector<16xf32>
    %div3A_1961 = arith.constant 1.000000e+00 : f32
    %div3A_1962 = vector.broadcast %div3A_1961 : f32 to vector<16xf32>
    %div3A_1963 = arith.divf %div3A_1962, %add3A_1960 : vector<16xf32>
    %get3A_1964 = arith.constant 3 : i32
    %get3A_1965 = arith.index_cast %get3A_1964 : i32 to index
    %get3A_1966 = arith.constant 32 : index
    %get3A_1967 = tpu.vector_load %arg11[%get3A_1965, %get3A_1966] {strides = array<i32>} : memref<4x128xf32, #tpu.memory_space<vmem>>, vector<1x16xf32>,
    %get3A_1968 = vector.shape_cast %get3A_1967 : vector<1x16xf32> to vector<16xf32>
    %neg3A_1969 = arith.constant 0.000000e+00 : f32
    %neg3A_1970 = vector.broadcast %neg3A_1969 : f32 to vector<16xf32>
    %neg3A_1971 = arith.subf %neg3A_1970, %get3A_1968 : vector<16xf32>
    %exp3A_1972 = math.exp %neg3A_1971 : vector<16xf32>
    %add3A_1973 = arith.constant 1.000000e+00 : f32
    %add3A_1974 = vector.broadcast %add3A_1973 : f32 to vector<16xf32>
    %add3A_1975 = arith.addf %add3A_1974, %exp3A_1972 : vector<16xf32>
    %div3A_1976 = arith.constant 1.000000e+00 : f32
    %div3A_1977 = vector.broadcast %div3A_1976 : f32 to vector<16xf32>
    %div3A_1978 = arith.divf %div3A_1977, %add3A_1975 : vector<16xf32>
    %get3A_1979 = arith.constant 3 : i32
    %get3A_1980 = arith.index_cast %get3A_1979 : i32 to index
    %get3A_1981 = arith.constant 32 : index
    %get3A_1982 = tpu.vector_load %arg12[%get3A_1980, %get3A_1981] {strides = array<i32>} : memref<4x128xf32, #tpu.memory_space<vmem>>, vector<1x16xf32>,
    %get3A_1983 = vector.shape_cast %get3A_1982 : vector<1x16xf32> to vector<16xf32>
    %neg3A_1984 = arith.constant 0.000000e+00 : f32
    %neg3A_1985 = vector.broadcast %neg3A_1984 : f32 to vector<16xf32>
    %neg3A_1986 = arith.subf %neg3A_1985, %get3A_1983 : vector<16xf32>
    %exp3A_1987 = math.exp %neg3A_1986 : vector<16xf32>
    %add3A_1988 = arith.constant 1.000000e+00 : f32
    %add3A_1989 = vector.broadcast %add3A_1988 : f32 to vector<16xf32>
    %add3A_1990 = arith.addf %add3A_1989, %exp3A_1987 : vector<16xf32>
    %div3A_1991 = arith.constant 1.000000e+00 : f32
    %div3A_1992 = vector.broadcast %div3A_1991 : f32 to vector<16xf32>
    %div3A_1993 = arith.divf %div3A_1992, %add3A_1990 : vector<16xf32>
    %mul3A_1994 = arith.constant 1.700000e+00 : f32
    %mul3A_1995 = vector.broadcast %mul3A_1994 : f32 to vector<16xf32>
    %mul3A_1996 = arith.mulf %mul3A_1995, %div3A_1993 : vector<16xf32>
    %sub3A_1997 = arith.subf %div3A_1963, %div3A_1978 : vector<16xf32>
    %mul3A_1998 = arith.mulf %mul3A_1996, %sub3A_1997 : vector<16xf32>
    %neg3A_1999 = arith.constant 0.000000e+00 : f32
    %neg3A_2000 = vector.broadcast %neg3A_1999 : f32 to vector<16xf32>
    %neg3A_2001 = arith.subf %neg3A_2000, %mul3A_1998 : vector<16xf32>
    %exp3A_2002 = math.exp %neg3A_2001 : vector<16xf32>
    %add3A_2003 = arith.constant 1.000000e+00 : f32
    %add3A_2004 = vector.broadcast %add3A_2003 : f32 to vector<16xf32>
    %add3A_2005 = arith.addf %add3A_2004, %exp3A_2002 : vector<16xf32>
    %div3A_2006 = arith.constant 1.000000e+00 : f32
    %div3A_2007 = vector.broadcast %div3A_2006 : f32 to vector<16xf32>
    %div3A_2008 = arith.divf %div3A_2007, %add3A_2005 : vector<16xf32>
    %swap3A_2009 = arith.constant 3 : i32
    %swap3A_2010 = arith.index_cast %swap3A_2009 : i32 to index
    %swap3A_2011 = arith.constant 32 : index
    %swap3A_2012 = tpu.vector_load %arg13[%swap3A_2010, %swap3A_2011] {strides = array<i32>} : memref<4x128xf32, #tpu.memory_space<vmem>>, vector<1x16xf32>,
    %swap3A_2013 = vector.shape_cast %swap3A_2012 : vector<1x16xf32> to vector<16xf32>
    %swap3A_2014 = vector.shape_cast %div3A_2008 : vector<16xf32> to vector<1x16xf32>
    tpu.vector_store %arg13[%swap3A_2010, %swap3A_2011], %swap3A_2014 {strides = array<i32>} : memref<4x128xf32, #tpu.memory_space<vmem>>, vector<1x16xf32>,
    %get3A_2015 = arith.constant 3 : i32
    %get3A_2016 = arith.index_cast %get3A_2015 : i32 to index
    %get3A_2017 = arith.constant 48 : index
    %get3A_2018 = tpu.vector_load %arg10[%get3A_2016, %get3A_2017] {strides = array<i32>} : memref<4x128xf32, #tpu.memory_space<vmem>>, vector<1x16xf32>,
    %get3A_2019 = vector.shape_cast %get3A_2018 : vector<1x16xf32> to vector<16xf32>
    %neg3A_2020 = arith.constant 0.000000e+00 : f32
    %neg3A_2021 = vector.broadcast %neg3A_2020 : f32 to vector<16xf32>
    %neg3A_2022 = arith.subf %neg3A_2021, %get3A_2019 : vector<16xf32>
    %exp3A_2023 = math.exp %neg3A_2022 : vector<16xf32>
    %add3A_2024 = arith.constant 1.000000e+00 : f32
    %add3A_2025 = vector.broadcast %add3A_2024 : f32 to vector<16xf32>
    %add3A_2026 = arith.addf %add3A_2025, %exp3A_2023 : vector<16xf32>
    %div3A_2027 = arith.constant 1.000000e+00 : f32
    %div3A_2028 = vector.broadcast %div3A_2027 : f32 to vector<16xf32>
    %div3A_2029 = arith.divf %div3A_2028, %add3A_2026 : vector<16xf32>
    %get3A_2030 = arith.constant 3 : i32
    %get3A_2031 = arith.index_cast %get3A_2030 : i32 to index
    %get3A_2032 = arith.constant 48 : index
    %get3A_2033 = tpu.vector_load %arg11[%get3A_2031, %get3A_2032] {strides = array<i32>} : memref<4x128xf32, #tpu.memory_space<vmem>>, vector<1x16xf32>,
    %get3A_2034 = vector.shape_cast %get3A_2033 : vector<1x16xf32> to vector<16xf32>
    %neg3A_2035 = arith.constant 0.000000e+00 : f32
    %neg3A_2036 = vector.broadcast %neg3A_2035 : f32 to vector<16xf32>
    %neg3A_2037 = arith.subf %neg3A_2036, %get3A_2034 : vector<16xf32>
    %exp3A_2038 = math.exp %neg3A_2037 : vector<16xf32>
    %add3A_2039 = arith.constant 1.000000e+00 : f32
    %add3A_2040 = vector.broadcast %add3A_2039 : f32 to vector<16xf32>
    %add3A_2041 = arith.addf %add3A_2040, %exp3A_2038 : vector<16xf32>
    %div3A_2042 = arith.constant 1.000000e+00 : f32
    %div3A_2043 = vector.broadcast %div3A_2042 : f32 to vector<16xf32>
    %div3A_2044 = arith.divf %div3A_2043, %add3A_2041 : vector<16xf32>
    %get3A_2045 = arith.constant 3 : i32
    %get3A_2046 = arith.index_cast %get3A_2045 : i32 to index
    %get3A_2047 = arith.constant 48 : index
    %get3A_2048 = tpu.vector_load %arg12[%get3A_2046, %get3A_2047] {strides = array<i32>} : memref<4x128xf32, #tpu.memory_space<vmem>>, vector<1x16xf32>,
    %get3A_2049 = vector.shape_cast %get3A_2048 : vector<1x16xf32> to vector<16xf32>
    %neg3A_2050 = arith.constant 0.000000e+00 : f32
    %neg3A_2051 = vector.broadcast %neg3A_2050 : f32 to vector<16xf32>
    %neg3A_2052 = arith.subf %neg3A_2051, %get3A_2049 : vector<16xf32>
    %exp3A_2053 = math.exp %neg3A_2052 : vector<16xf32>
    %add3A_2054 = arith.constant 1.000000e+00 : f32
    %add3A_2055 = vector.broadcast %add3A_2054 : f32 to vector<16xf32>
    %add3A_2056 = arith.addf %add3A_2055, %exp3A_2053 : vector<16xf32>
    %div3A_2057 = arith.constant 1.000000e+00 : f32
    %div3A_2058 = vector.broadcast %div3A_2057 : f32 to vector<16xf32>
    %div3A_2059 = arith.divf %div3A_2058, %add3A_2056 : vector<16xf32>
    %mul3A_2060 = arith.constant 1.700000e+00 : f32
    %mul3A_2061 = vector.broadcast %mul3A_2060 : f32 to vector<16xf32>
    %mul3A_2062 = arith.mulf %mul3A_2061, %div3A_2059 : vector<16xf32>
    %sub3A_2063 = arith.subf %div3A_2029, %div3A_2044 : vector<16xf32>
    %mul3A_2064 = arith.mulf %mul3A_2062, %sub3A_2063 : vector<16xf32>
    %neg3A_2065 = arith.constant 0.000000e+00 : f32
    %neg3A_2066 = vector.broadcast %neg3A_2065 : f32 to vector<16xf32>
    %neg3A_2067 = arith.subf %neg3A_2066, %mul3A_2064 : vector<16xf32>
    %exp3A_2068 = math.exp %neg3A_2067 : vector<16xf32>
    %add3A_2069 = arith.constant 1.000000e+00 : f32
    %add3A_2070 = vector.broadcast %add3A_2069 : f32 to vector<16xf32>
    %add3A_2071 = arith.addf %add3A_2070, %exp3A_2068 : vector<16xf32>
    %div3A_2072 = arith.constant 1.000000e+00 : f32
    %div3A_2073 = vector.broadcast %div3A_2072 : f32 to vector<16xf32>
    %div3A_2074 = arith.divf %div3A_2073, %add3A_2071 : vector<16xf32>
    %swap3A_2075 = arith.constant 3 : i32
    %swap3A_2076 = arith.index_cast %swap3A_2075 : i32 to index
    %swap3A_2077 = arith.constant 48 : index
    %swap3A_2078 = tpu.vector_load %arg13[%swap3A_2076, %swap3A_2077] {strides = array<i32>} : memref<4x128xf32, #tpu.memory_space<vmem>>, vector<1x16xf32>,
    %swap3A_2079 = vector.shape_cast %swap3A_2078 : vector<1x16xf32> to vector<16xf32>
    %swap3A_2080 = vector.shape_cast %div3A_2074 : vector<16xf32> to vector<1x16xf32>
    tpu.vector_store %arg13[%swap3A_2076, %swap3A_2077], %swap3A_2080 {strides = array<i32>} : memref<4x128xf32, #tpu.memory_space<vmem>>, vector<1x16xf32>,
    %get3A_2081 = arith.constant 3 : i32
    %get3A_2082 = arith.index_cast %get3A_2081 : i32 to index
    %get3A_2083 = arith.constant 64 : index
    %get3A_2084 = tpu.vector_load %arg10[%get3A_2082, %get3A_2083] {strides = array<i32>} : memref<4x128xf32, #tpu.memory_space<vmem>>, vector<1x16xf32>,
    %get3A_2085 = vector.shape_cast %get3A_2084 : vector<1x16xf32> to vector<16xf32>
    %neg3A_2086 = arith.constant 0.000000e+00 : f32
    %neg3A_2087 = vector.broadcast %neg3A_2086 : f32 to vector<16xf32>
    %neg3A_2088 = arith.subf %neg3A_2087, %get3A_2085 : vector<16xf32>
    %exp3A_2089 = math.exp %neg3A_2088 : vector<16xf32>
    %add3A_2090 = arith.constant 1.000000e+00 : f32
    %add3A_2091 = vector.broadcast %add3A_2090 : f32 to vector<16xf32>
    %add3A_2092 = arith.addf %add3A_2091, %exp3A_2089 : vector<16xf32>
    %div3A_2093 = arith.constant 1.000000e+00 : f32
    %div3A_2094 = vector.broadcast %div3A_2093 : f32 to vector<16xf32>
    %div3A_2095 = arith.divf %div3A_2094, %add3A_2092 : vector<16xf32>
    %get3A_2096 = arith.constant 3 : i32
    %get3A_2097 = arith.index_cast %get3A_2096 : i32 to index
    %get3A_2098 = arith.constant 64 : index
    %get3A_2099 = tpu.vector_load %arg11[%get3A_2097, %get3A_2098] {strides = array<i32>} : memref<4x128xf32, #tpu.memory_space<vmem>>, vector<1x16xf32>,
    %get3A_2100 = vector.shape_cast %get3A_2099 : vector<1x16xf32> to vector<16xf32>
    %neg3A_2101 = arith.constant 0.000000e+00 : f32
    %neg3A_2102 = vector.broadcast %neg3A_2101 : f32 to vector<16xf32>
    %neg3A_2103 = arith.subf %neg3A_2102, %get3A_2100 : vector<16xf32>
    %exp3A_2104 = math.exp %neg3A_2103 : vector<16xf32>
    %add3A_2105 = arith.constant 1.000000e+00 : f32
    %add3A_2106 = vector.broadcast %add3A_2105 : f32 to vector<16xf32>
    %add3A_2107 = arith.addf %add3A_2106, %exp3A_2104 : vector<16xf32>
    %div3A_2108 = arith.constant 1.000000e+00 : f32
    %div3A_2109 = vector.broadcast %div3A_2108 : f32 to vector<16xf32>
    %div3A_2110 = arith.divf %div3A_2109, %add3A_2107 : vector<16xf32>
    %get3A_2111 = arith.constant 3 : i32
    %get3A_2112 = arith.index_cast %get3A_2111 : i32 to index
    %get3A_2113 = arith.constant 64 : index
    %get3A_2114 = tpu.vector_load %arg12[%get3A_2112, %get3A_2113] {strides = array<i32>} : memref<4x128xf32, #tpu.memory_space<vmem>>, vector<1x16xf32>,
    %get3A_2115 = vector.shape_cast %get3A_2114 : vector<1x16xf32> to vector<16xf32>
    %neg3A_2116 = arith.constant 0.000000e+00 : f32
    %neg3A_2117 = vector.broadcast %neg3A_2116 : f32 to vector<16xf32>
    %neg3A_2118 = arith.subf %neg3A_2117, %get3A_2115 : vector<16xf32>
    %exp3A_2119 = math.exp %neg3A_2118 : vector<16xf32>
    %add3A_2120 = arith.constant 1.000000e+00 : f32
    %add3A_2121 = vector.broadcast %add3A_2120 : f32 to vector<16xf32>
    %add3A_2122 = arith.addf %add3A_2121, %exp3A_2119 : vector<16xf32>
    %div3A_2123 = arith.constant 1.000000e+00 : f32
    %div3A_2124 = vector.broadcast %div3A_2123 : f32 to vector<16xf32>
    %div3A_2125 = arith.divf %div3A_2124, %add3A_2122 : vector<16xf32>
    %mul3A_2126 = arith.constant 1.700000e+00 : f32
    %mul3A_2127 = vector.broadcast %mul3A_2126 : f32 to vector<16xf32>
    %mul3A_2128 = arith.mulf %mul3A_2127, %div3A_2125 : vector<16xf32>
    %sub3A_2129 = arith.subf %div3A_2095, %div3A_2110 : vector<16xf32>
    %mul3A_2130 = arith.mulf %mul3A_2128, %sub3A_2129 : vector<16xf32>
    %neg3A_2131 = arith.constant 0.000000e+00 : f32
    %neg3A_2132 = vector.broadcast %neg3A_2131 : f32 to vector<16xf32>
    %neg3A_2133 = arith.subf %neg3A_2132, %mul3A_2130 : vector<16xf32>
    %exp3A_2134 = math.exp %neg3A_2133 : vector<16xf32>
    %add3A_2135 = arith.constant 1.000000e+00 : f32
    %add3A_2136 = vector.broadcast %add3A_2135 : f32 to vector<16xf32>
    %add3A_2137 = arith.addf %add3A_2136, %exp3A_2134 : vector<16xf32>
    %div3A_2138 = arith.constant 1.000000e+00 : f32
    %div3A_2139 = vector.broadcast %div3A_2138 : f32 to vector<16xf32>
    %div3A_2140 = arith.divf %div3A_2139, %add3A_2137 : vector<16xf32>
    %swap3A_2141 = arith.constant 3 : i32
    %swap3A_2142 = arith.index_cast %swap3A_2141 : i32 to index
    %swap3A_2143 = arith.constant 64 : index
    %swap3A_2144 = tpu.vector_load %arg13[%swap3A_2142, %swap3A_2143] {strides = array<i32>} : memref<4x128xf32, #tpu.memory_space<vmem>>, vector<1x16xf32>,
    %swap3A_2145 = vector.shape_cast %swap3A_2144 : vector<1x16xf32> to vector<16xf32>
    %swap3A_2146 = vector.shape_cast %div3A_2140 : vector<16xf32> to vector<1x16xf32>
    tpu.vector_store %arg13[%swap3A_2142, %swap3A_2143], %swap3A_2146 {strides = array<i32>} : memref<4x128xf32, #tpu.memory_space<vmem>>, vector<1x16xf32>,
    %get3A_2147 = arith.constant 3 : i32
    %get3A_2148 = arith.index_cast %get3A_2147 : i32 to index
    %get3A_2149 = arith.constant 80 : index
    %get3A_2150 = tpu.vector_load %arg10[%get3A_2148, %get3A_2149] {strides = array<i32>} : memref<4x128xf32, #tpu.memory_space<vmem>>, vector<1x16xf32>,
    %get3A_2151 = vector.shape_cast %get3A_2150 : vector<1x16xf32> to vector<16xf32>
    %neg3A_2152 = arith.constant 0.000000e+00 : f32
    %neg3A_2153 = vector.broadcast %neg3A_2152 : f32 to vector<16xf32>
    %neg3A_2154 = arith.subf %neg3A_2153, %get3A_2151 : vector<16xf32>
    %exp3A_2155 = math.exp %neg3A_2154 : vector<16xf32>
    %add3A_2156 = arith.constant 1.000000e+00 : f32
    %add3A_2157 = vector.broadcast %add3A_2156 : f32 to vector<16xf32>
    %add3A_2158 = arith.addf %add3A_2157, %exp3A_2155 : vector<16xf32>
    %div3A_2159 = arith.constant 1.000000e+00 : f32
    %div3A_2160 = vector.broadcast %div3A_2159 : f32 to vector<16xf32>
    %div3A_2161 = arith.divf %div3A_2160, %add3A_2158 : vector<16xf32>
    %get3A_2162 = arith.constant 3 : i32
    %get3A_2163 = arith.index_cast %get3A_2162 : i32 to index
    %get3A_2164 = arith.constant 80 : index
    %get3A_2165 = tpu.vector_load %arg11[%get3A_2163, %get3A_2164] {strides = array<i32>} : memref<4x128xf32, #tpu.memory_space<vmem>>, vector<1x16xf32>,
    %get3A_2166 = vector.shape_cast %get3A_2165 : vector<1x16xf32> to vector<16xf32>
    %neg3A_2167 = arith.constant 0.000000e+00 : f32
    %neg3A_2168 = vector.broadcast %neg3A_2167 : f32 to vector<16xf32>
    %neg3A_2169 = arith.subf %neg3A_2168, %get3A_2166 : vector<16xf32>
    %exp3A_2170 = math.exp %neg3A_2169 : vector<16xf32>
    %add3A_2171 = arith.constant 1.000000e+00 : f32
    %add3A_2172 = vector.broadcast %add3A_2171 : f32 to vector<16xf32>
    %add3A_2173 = arith.addf %add3A_2172, %exp3A_2170 : vector<16xf32>
    %div3A_2174 = arith.constant 1.000000e+00 : f32
    %div3A_2175 = vector.broadcast %div3A_2174 : f32 to vector<16xf32>
    %div3A_2176 = arith.divf %div3A_2175, %add3A_2173 : vector<16xf32>
    %get3A_2177 = arith.constant 3 : i32
    %get3A_2178 = arith.index_cast %get3A_2177 : i32 to index
    %get3A_2179 = arith.constant 80 : index
    %get3A_2180 = tpu.vector_load %arg12[%get3A_2178, %get3A_2179] {strides = array<i32>} : memref<4x128xf32, #tpu.memory_space<vmem>>, vector<1x16xf32>,
    %get3A_2181 = vector.shape_cast %get3A_2180 : vector<1x16xf32> to vector<16xf32>
    %neg3A_2182 = arith.constant 0.000000e+00 : f32
    %neg3A_2183 = vector.broadcast %neg3A_2182 : f32 to vector<16xf32>
    %neg3A_2184 = arith.subf %neg3A_2183, %get3A_2181 : vector<16xf32>
    %exp3A_2185 = math.exp %neg3A_2184 : vector<16xf32>
    %add3A_2186 = arith.constant 1.000000e+00 : f32
    %add3A_2187 = vector.broadcast %add3A_2186 : f32 to vector<16xf32>
    %add3A_2188 = arith.addf %add3A_2187, %exp3A_2185 : vector<16xf32>
    %div3A_2189 = arith.constant 1.000000e+00 : f32
    %div3A_2190 = vector.broadcast %div3A_2189 : f32 to vector<16xf32>
    %div3A_2191 = arith.divf %div3A_2190, %add3A_2188 : vector<16xf32>
    %mul3A_2192 = arith.constant 1.700000e+00 : f32
    %mul3A_2193 = vector.broadcast %mul3A_2192 : f32 to vector<16xf32>
    %mul3A_2194 = arith.mulf %mul3A_2193, %div3A_2191 : vector<16xf32>
    %sub3A_2195 = arith.subf %div3A_2161, %div3A_2176 : vector<16xf32>
    %mul3A_2196 = arith.mulf %mul3A_2194, %sub3A_2195 : vector<16xf32>
    %neg3A_2197 = arith.constant 0.000000e+00 : f32
    %neg3A_2198 = vector.broadcast %neg3A_2197 : f32 to vector<16xf32>
    %neg3A_2199 = arith.subf %neg3A_2198, %mul3A_2196 : vector<16xf32>
    %exp3A_2200 = math.exp %neg3A_2199 : vector<16xf32>
    %add3A_2201 = arith.constant 1.000000e+00 : f32
    %add3A_2202 = vector.broadcast %add3A_2201 : f32 to vector<16xf32>
    %add3A_2203 = arith.addf %add3A_2202, %exp3A_2200 : vector<16xf32>
    %div3A_2204 = arith.constant 1.000000e+00 : f32
    %div3A_2205 = vector.broadcast %div3A_2204 : f32 to vector<16xf32>
    %div3A_2206 = arith.divf %div3A_2205, %add3A_2203 : vector<16xf32>
    %swap3A_2207 = arith.constant 3 : i32
    %swap3A_2208 = arith.index_cast %swap3A_2207 : i32 to index
    %swap3A_2209 = arith.constant 80 : index
    %swap3A_2210 = tpu.vector_load %arg13[%swap3A_2208, %swap3A_2209] {strides = array<i32>} : memref<4x128xf32, #tpu.memory_space<vmem>>, vector<1x16xf32>,
    %swap3A_2211 = vector.shape_cast %swap3A_2210 : vector<1x16xf32> to vector<16xf32>
    %swap3A_2212 = vector.shape_cast %div3A_2206 : vector<16xf32> to vector<1x16xf32>
    tpu.vector_store %arg13[%swap3A_2208, %swap3A_2209], %swap3A_2212 {strides = array<i32>} : memref<4x128xf32, #tpu.memory_space<vmem>>, vector<1x16xf32>,
    %get3A_2213 = arith.constant 3 : i32
    %get3A_2214 = arith.index_cast %get3A_2213 : i32 to index
    %get3A_2215 = arith.constant 96 : index
    %get3A_2216 = tpu.vector_load %arg10[%get3A_2214, %get3A_2215] {strides = array<i32>} : memref<4x128xf32, #tpu.memory_space<vmem>>, vector<1x16xf32>,
    %get3A_2217 = vector.shape_cast %get3A_2216 : vector<1x16xf32> to vector<16xf32>
    %neg3A_2218 = arith.constant 0.000000e+00 : f32
    %neg3A_2219 = vector.broadcast %neg3A_2218 : f32 to vector<16xf32>
    %neg3A_2220 = arith.subf %neg3A_2219, %get3A_2217 : vector<16xf32>
    %exp3A_2221 = math.exp %neg3A_2220 : vector<16xf32>
    %add3A_2222 = arith.constant 1.000000e+00 : f32
    %add3A_2223 = vector.broadcast %add3A_2222 : f32 to vector<16xf32>
    %add3A_2224 = arith.addf %add3A_2223, %exp3A_2221 : vector<16xf32>
    %div3A_2225 = arith.constant 1.000000e+00 : f32
    %div3A_2226 = vector.broadcast %div3A_2225 : f32 to vector<16xf32>
    %div3A_2227 = arith.divf %div3A_2226, %add3A_2224 : vector<16xf32>
    %get3A_2228 = arith.constant 3 : i32
    %get3A_2229 = arith.index_cast %get3A_2228 : i32 to index
    %get3A_2230 = arith.constant 96 : index
    %get3A_2231 = tpu.vector_load %arg11[%get3A_2229, %get3A_2230] {strides = array<i32>} : memref<4x128xf32, #tpu.memory_space<vmem>>, vector<1x16xf32>,
    %get3A_2232 = vector.shape_cast %get3A_2231 : vector<1x16xf32> to vector<16xf32>
    %neg3A_2233 = arith.constant 0.000000e+00 : f32
    %neg3A_2234 = vector.broadcast %neg3A_2233 : f32 to vector<16xf32>
    %neg3A_2235 = arith.subf %neg3A_2234, %get3A_2232 : vector<16xf32>
    %exp3A_2236 = math.exp %neg3A_2235 : vector<16xf32>
    %add3A_2237 = arith.constant 1.000000e+00 : f32
    %add3A_2238 = vector.broadcast %add3A_2237 : f32 to vector<16xf32>
    %add3A_2239 = arith.addf %add3A_2238, %exp3A_2236 : vector<16xf32>
    %div3A_2240 = arith.constant 1.000000e+00 : f32
    %div3A_2241 = vector.broadcast %div3A_2240 : f32 to vector<16xf32>
    %div3A_2242 = arith.divf %div3A_2241, %add3A_2239 : vector<16xf32>
    %get3A_2243 = arith.constant 3 : i32
    %get3A_2244 = arith.index_cast %get3A_2243 : i32 to index
    %get3A_2245 = arith.constant 96 : index
    %get3A_2246 = tpu.vector_load %arg12[%get3A_2244, %get3A_2245] {strides = array<i32>} : memref<4x128xf32, #tpu.memory_space<vmem>>, vector<1x16xf32>,
    %get3A_2247 = vector.shape_cast %get3A_2246 : vector<1x16xf32> to vector<16xf32>
    %neg3A_2248 = arith.constant 0.000000e+00 : f32
    %neg3A_2249 = vector.broadcast %neg3A_2248 : f32 to vector<16xf32>
    %neg3A_2250 = arith.subf %neg3A_2249, %get3A_2247 : vector<16xf32>
    %exp3A_2251 = math.exp %neg3A_2250 : vector<16xf32>
    %add3A_2252 = arith.constant 1.000000e+00 : f32
    %add3A_2253 = vector.broadcast %add3A_2252 : f32 to vector<16xf32>
    %add3A_2254 = arith.addf %add3A_2253, %exp3A_2251 : vector<16xf32>
    %div3A_2255 = arith.constant 1.000000e+00 : f32
    %div3A_2256 = vector.broadcast %div3A_2255 : f32 to vector<16xf32>
    %div3A_2257 = arith.divf %div3A_2256, %add3A_2254 : vector<16xf32>
    %mul3A_2258 = arith.constant 1.700000e+00 : f32
    %mul3A_2259 = vector.broadcast %mul3A_2258 : f32 to vector<16xf32>
    %mul3A_2260 = arith.mulf %mul3A_2259, %div3A_2257 : vector<16xf32>
    %sub3A_2261 = arith.subf %div3A_2227, %div3A_2242 : vector<16xf32>
    %mul3A_2262 = arith.mulf %mul3A_2260, %sub3A_2261 : vector<16xf32>
    %neg3A_2263 = arith.constant 0.000000e+00 : f32
    %neg3A_2264 = vector.broadcast %neg3A_2263 : f32 to vector<16xf32>
    %neg3A_2265 = arith.subf %neg3A_2264, %mul3A_2262 : vector<16xf32>
    %exp3A_2266 = math.exp %neg3A_2265 : vector<16xf32>
    %add3A_2267 = arith.constant 1.000000e+00 : f32
    %add3A_2268 = vector.broadcast %add3A_2267 : f32 to vector<16xf32>
    %add3A_2269 = arith.addf %add3A_2268, %exp3A_2266 : vector<16xf32>
    %div3A_2270 = arith.constant 1.000000e+00 : f32
    %div3A_2271 = vector.broadcast %div3A_2270 : f32 to vector<16xf32>
    %div3A_2272 = arith.divf %div3A_2271, %add3A_2269 : vector<16xf32>
    %swap3A_2273 = arith.constant 3 : i32
    %swap3A_2274 = arith.index_cast %swap3A_2273 : i32 to index
    %swap3A_2275 = arith.constant 96 : index
    %swap3A_2276 = tpu.vector_load %arg13[%swap3A_2274, %swap3A_2275] {strides = array<i32>} : memref<4x128xf32, #tpu.memory_space<vmem>>, vector<1x16xf32>,
    %swap3A_2277 = vector.shape_cast %swap3A_2276 : vector<1x16xf32> to vector<16xf32>
    %swap3A_2278 = vector.shape_cast %div3A_2272 : vector<16xf32> to vector<1x16xf32>
    tpu.vector_store %arg13[%swap3A_2274, %swap3A_2275], %swap3A_2278 {strides = array<i32>} : memref<4x128xf32, #tpu.memory_space<vmem>>, vector<1x16xf32>,
    %get3A_2279 = arith.constant 3 : i32
    %get3A_2280 = arith.index_cast %get3A_2279 : i32 to index
    %get3A_2281 = arith.constant 112 : index
    %get3A_2282 = tpu.vector_load %arg10[%get3A_2280, %get3A_2281] {strides = array<i32>} : memref<4x128xf32, #tpu.memory_space<vmem>>, vector<1x16xf32>,
    %get3A_2283 = vector.shape_cast %get3A_2282 : vector<1x16xf32> to vector<16xf32>
    %neg3A_2284 = arith.constant 0.000000e+00 : f32
    %neg3A_2285 = vector.broadcast %neg3A_2284 : f32 to vector<16xf32>
    %neg3A_2286 = arith.subf %neg3A_2285, %get3A_2283 : vector<16xf32>
    %exp3A_2287 = math.exp %neg3A_2286 : vector<16xf32>
    %add3A_2288 = arith.constant 1.000000e+00 : f32
    %add3A_2289 = vector.broadcast %add3A_2288 : f32 to vector<16xf32>
    %add3A_2290 = arith.addf %add3A_2289, %exp3A_2287 : vector<16xf32>
    %div3A_2291 = arith.constant 1.000000e+00 : f32
    %div3A_2292 = vector.broadcast %div3A_2291 : f32 to vector<16xf32>
    %div3A_2293 = arith.divf %div3A_2292, %add3A_2290 : vector<16xf32>
    %get3A_2294 = arith.constant 3 : i32
    %get3A_2295 = arith.index_cast %get3A_2294 : i32 to index
    %get3A_2296 = arith.constant 112 : index
    %get3A_2297 = tpu.vector_load %arg11[%get3A_2295, %get3A_2296] {strides = array<i32>} : memref<4x128xf32, #tpu.memory_space<vmem>>, vector<1x16xf32>,
    %get3A_2298 = vector.shape_cast %get3A_2297 : vector<1x16xf32> to vector<16xf32>
    %neg3A_2299 = arith.constant 0.000000e+00 : f32
    %neg3A_2300 = vector.broadcast %neg3A_2299 : f32 to vector<16xf32>
    %neg3A_2301 = arith.subf %neg3A_2300, %get3A_2298 : vector<16xf32>
    %exp3A_2302 = math.exp %neg3A_2301 : vector<16xf32>
    %add3A_2303 = arith.constant 1.000000e+00 : f32
    %add3A_2304 = vector.broadcast %add3A_2303 : f32 to vector<16xf32>
    %add3A_2305 = arith.addf %add3A_2304, %exp3A_2302 : vector<16xf32>
    %div3A_2306 = arith.constant 1.000000e+00 : f32
    %div3A_2307 = vector.broadcast %div3A_2306 : f32 to vector<16xf32>
    %div3A_2308 = arith.divf %div3A_2307, %add3A_2305 : vector<16xf32>
    %get3A_2309 = arith.constant 3 : i32
    %get3A_2310 = arith.index_cast %get3A_2309 : i32 to index
    %get3A_2311 = arith.constant 112 : index
    %get3A_2312 = tpu.vector_load %arg12[%get3A_2310, %get3A_2311] {strides = array<i32>} : memref<4x128xf32, #tpu.memory_space<vmem>>, vector<1x16xf32>,
    %get3A_2313 = vector.shape_cast %get3A_2312 : vector<1x16xf32> to vector<16xf32>
    %neg3A_2314 = arith.constant 0.000000e+00 : f32
    %neg3A_2315 = vector.broadcast %neg3A_2314 : f32 to vector<16xf32>
    %neg3A_2316 = arith.subf %neg3A_2315, %get3A_2313 : vector<16xf32>
    %exp3A_2317 = math.exp %neg3A_2316 : vector<16xf32>
    %add3A_2318 = arith.constant 1.000000e+00 : f32
    %add3A_2319 = vector.broadcast %add3A_2318 : f32 to vector<16xf32>
    %add3A_2320 = arith.addf %add3A_2319, %exp3A_2317 : vector<16xf32>
    %div3A_2321 = arith.constant 1.000000e+00 : f32
    %div3A_2322 = vector.broadcast %div3A_2321 : f32 to vector<16xf32>
    %div3A_2323 = arith.divf %div3A_2322, %add3A_2320 : vector<16xf32>
    %mul3A_2324 = arith.constant 1.700000e+00 : f32
    %mul3A_2325 = vector.broadcast %mul3A_2324 : f32 to vector<16xf32>
    %mul3A_2326 = arith.mulf %mul3A_2325, %div3A_2323 : vector<16xf32>
    %sub3A_2327 = arith.subf %div3A_2293, %div3A_2308 : vector<16xf32>
    %mul3A_2328 = arith.mulf %mul3A_2326, %sub3A_2327 : vector<16xf32>
    %neg3A_2329 = arith.constant 0.000000e+00 : f32
    %neg3A_2330 = vector.broadcast %neg3A_2329 : f32 to vector<16xf32>
    %neg3A_2331 = arith.subf %neg3A_2330, %mul3A_2328 : vector<16xf32>
    %exp3A_2332 = math.exp %neg3A_2331 : vector<16xf32>
    %add3A_2333 = arith.constant 1.000000e+00 : f32
    %add3A_2334 = vector.broadcast %add3A_2333 : f32 to vector<16xf32>
    %add3A_2335 = arith.addf %add3A_2334, %exp3A_2332 : vector<16xf32>
    %div3A_2336 = arith.constant 1.000000e+00 : f32
    %div3A_2337 = vector.broadcast %div3A_2336 : f32 to vector<16xf32>
    %div3A_2338 = arith.divf %div3A_2337, %add3A_2335 : vector<16xf32>
    %swap3A_2339 = arith.constant 3 : i32
    %swap3A_2340 = arith.index_cast %swap3A_2339 : i32 to index
    %swap3A_2341 = arith.constant 112 : index
    %swap3A_2342 = tpu.vector_load %arg13[%swap3A_2340, %swap3A_2341] {strides = array<i32>} : memref<4x128xf32, #tpu.memory_space<vmem>>, vector<1x16xf32>,
    %swap3A_2343 = vector.shape_cast %swap3A_2342 : vector<1x16xf32> to vector<16xf32>
    %swap3A_2344 = vector.shape_cast %div3A_2338 : vector<16xf32> to vector<1x16xf32>
    tpu.vector_store %arg13[%swap3A_2340, %swap3A_2341], %swap3A_2344 {strides = array<i32>} : memref<4x128xf32, #tpu.memory_space<vmem>>, vector<1x16xf32>,
    "tpu.region"() ({
      %run_scoped3A = tpu.sem_alloc : memref<!tpu.dma_semaphore, #tpu.memory_space<semaphore_mem>>
      %dma_start3A_2345 = arith.constant 0 : i32
      %dma_start3A_2346 = arith.constant 0 : i32
      %dma_start3A_2347 = tpu.memref_slice %arg7[%add3A, %dma_start3A_2345, %dma_start3A_2346] : memref<32x4x128xf32, #tpu.memory_space<hbm>> -> memref<1x4x128xf32, #tpu.memory_space<hbm>>
      %dma_start3A_2348 = tpu.memref_squeeze %dma_start3A_2347 : memref<1x4x128xf32, #tpu.memory_space<hbm>> -> memref<4x128xf32, #tpu.memory_space<hbm>>
      %dma_start3A_2349 = arith.constant 0 : i32
      %dma_start3A_2350 = arith.constant 0 : i32
      %dma_start3A_2351 = tpu.memref_slice %arg7[%add3A, %dma_start3A_2349, %dma_start3A_2350] : memref<32x4x128xf32, #tpu.memory_space<hbm>> -> memref<1x4x128xf32, #tpu.memory_space<hbm>>
      %dma_start3A_2352 = tpu.memref_squeeze %dma_start3A_2351 : memref<1x4x128xf32, #tpu.memory_space<hbm>> -> memref<4x128xf32, #tpu.memory_space<hbm>>
      tpu.enqueue_dma source(%arg13 : memref<4x128xf32, #tpu.memory_space<vmem>>) target(%dma_start3A_2352 : memref<4x128xf32, #tpu.memory_space<hbm>>) target_semaphore(%run_scoped3A : memref<!tpu.dma_semaphore, #tpu.memory_space<semaphore_mem>>)
      %dma_wait3A_2353 = arith.constant 0 : i32
      %dma_wait3A_2354 = arith.constant 0 : i32
      %dma_wait3A_2355 = tpu.memref_slice %arg7[%add3A, %dma_wait3A_2353, %dma_wait3A_2354] : memref<32x4x128xf32, #tpu.memory_space<hbm>> -> memref<1x4x128xf32, #tpu.memory_space<hbm>>
      %dma_wait3A_2356 = tpu.memref_squeeze %dma_wait3A_2355 : memref<1x4x128xf32, #tpu.memory_space<hbm>> -> memref<4x128xf32, #tpu.memory_space<hbm>>
      %dma_wait3A_2357 = arith.constant 0 : i32
      %dma_wait3A_2358 = arith.constant 0 : i32
      %dma_wait3A_2359 = tpu.memref_slice %arg7[%add3A, %dma_wait3A_2357, %dma_wait3A_2358] : memref<32x4x128xf32, #tpu.memory_space<hbm>> -> memref<1x4x128xf32, #tpu.memory_space<hbm>>
      %dma_wait3A_2360 = tpu.memref_squeeze %dma_wait3A_2359 : memref<1x4x128xf32, #tpu.memory_space<hbm>> -> memref<4x128xf32, #tpu.memory_space<hbm>>
      tpu.wait_dma2 semaphore(%run_scoped3A : memref<!tpu.dma_semaphore, #tpu.memory_space<semaphore_mem>>) src(%arg13 : memref<4x128xf32, #tpu.memory_space<vmem>>) dst(%dma_wait3A_2360 : memref<4x128xf32, #tpu.memory_space<hbm>>)
      tpu.yield
    }) : () -> ()
    return
  }
}

</mosaic_0001>

<sc_bundles>
// kernel: _irt_sc.3.cloned.1.call-start
scs
__scs_entry_jumppad:
0x0: {  	(pc) =	sbr.rel $0x88, $3  }
0x1: {  	(tag) =	ssettag $0x0;
	lr =	simm.s32 $0x1  }
0x2: {  	[smem:$0x3F9C] =	sst lr;
	_ =	strace $0xD0000000  }
0x3: {  	_ = 	snop  }
0x4: {  	_ = 	snop  }
0x5: {  	_ = 	snop  }
0x6: {  	_ = 	snop  }
0x7: {  	_ = 	snop  }
__scs_overlays_trampoline_lowered:
0x8: {  	[smem:$0x3FAB] =	sst s0  }
0x9: {  	[smem:$0x3FAC] =	sst s1  }
0xa: {  	[smem:$0x3FAD] =	sst s2  }
0xb: {  	[smem:$0x3FAE] =	sst s3  }
0xc: {  	[smem:$0x3FAF] =	sst s4  }
0xd: {  	[smem:$0x3FB0] =	sst s5  }
0xe: {  	[smem:$0x3FB1] =	sst s6  }
0xf: {  	[smem:$0x3FB2] =	sst s7  }
0x10: {  	[smem:$0x3FB3] =	sst s8  }
0x11: {  	[smem:$0x3FB4] =	sst s9;
	s0 =	simm.s32 @!p0 $0x0  }
0x12: {  	s1 =	sld [smem:$0x3F9A];
	s0 =	simm.s32 @p0 $0x1  }
0x13: {  	[smem:$0x3FB5] =	sst s0;
	s0 =	simm.s32 @!p1 $0x0  }
0x14: {  	s2 =	sld [smem:$0x3F99];
	s0 =	simm.s32 @p1 $0x1  }
0x15: {  	[smem:$0x3FB6] =	sst s0;
	s0 =	simm.s32 @!p2 $0x0  }
0x16: {  	s3 =	sld [smem:$0x3FDB];
	s0 =	simm.s32 @p2 $0x1  }
0x17: {  	s4 =	simm.s32 $0x1BF5;
	[smem:$0x3FB8] =	sst s0  }
0x18: {  	s0 =	sld [smem:$0x3F9B];
	_ =	swait.ge [sflag:s4], $0x0  }
0x19: {  	s7 =	sld [smem:$0x3F9C]  }
0x1a: {  	s8 =	sadd.s32 $0xFFFFE003, lr  }
0x1b: {  	s9 =	sadd.s32 $0xFFFFFEF7, lr;
	s5 =	simm.s32 $0xFFFFFFFF;
	p2 =	slt.u32 s8, $0xFFFFF086  }
0x1c: {  	p1 =	slt.u32 s9, $0xF7A;
	s5 =	simm.s32 @!p2 $0x0  }
0x1d: {  	s5 =	simm.s32 @p1 $0x1;
	p0 =	seq.s32 s7, s2  }
0x1e: {  	s7 =	smul.u32 @!p0 $0xF7A, s2;
	p2 =	seq.s32 @!p0 s5, $0x0  }
0x1f: {  	s9 =	smul.u32 $0xF7A, s1;
	s8 =	simm.s32 @!p0 $0x1BF5;
	p2 =	por !p2, p0  }
0x20: {  	[sflag:s8] =	ssyncset.s32 @!p0 $0xFFFFF086;
	s6 =	sadd.s32 @!p0 s3, s7;
	s7 =	simm.s32 @!p0 $0x108  }
0x21: {  	s3 =	sadd.s32 s3, s9;
	s6 =	sadd.s32 @!p0 $0x88, s6;
	s7 =	simm.s32 @p2 $0x1082  }
0x22: {  	[simem:s7], [sflag:s8] =	dma.local @!p0 [hbm:s6], $0xF7A  }
0x23: {  	s9 =	sor.u32 $0xD0000000, s2;
	s6 =	simm.s32 $0x108;
	_ =	swait.ge @!p0 [sflag:s8], $0x0  }
0x24: {  	s3 =	sadd.s32 $0x88, s3;
	s6 =	simm.s32 @!p1 $0x1082;
	[sflag:s4] =	ssyncset.s32 $0xFFFFF086  }
0x25: {  	[simem:s6], [sflag:s4] =	dma.local [hbm:s3], $0xF7A  }
0x26: {  	[smem:$0x3F9C] =	sst s1;
	(tag) =	ssettag s2;
	_ =	strace s9  }
0x27: {  	s1 =	sld [smem:$0x3FAC]  }
0x28: {  	s2 =	sld [smem:$0x3FAD]  }
0x29: {  	s4 =	sld [smem:$0x3FAF]  }
0x2a: {  	p0 =	seq.s32 s5, $0x0;
	s5 =	sld [smem:$0x3FB0]  }
0x2b: {  	s6 =	sld [smem:$0x3FB1]  }
0x2c: {  	s7 =	sld [smem:$0x3FB2]  }
0x2d: {  	s3 =	simm.s32 $0x108;
	s8 =	sld [smem:$0x3FB3]  }
0x2e: {  	s3 =	simm.s32 @!p0 $0x1082;
	s9 =	sld [smem:$0x3FB4]  }
0x2f: {  	lr =	sadd.s32 s0, s3;
	s0 =	sld [smem:$0x3FAB]  }
0x30: {  	s3 =	sld [smem:$0x3FAE]  }
0x31: {  	[smem:$0x3FB7] =	sst s10  }
0x32: {  	s10 =	sld [smem:$0x3FB5];
	_ =	sdelay $0x3  }
0x33: {  	p0 =	seq.s32 s10, $0x1;
	s10 =	sld [smem:$0x3FB7];
	_ =	sdelay $0x3  }
0x34: {  	[smem:$0x3FB7] =	sst s10  }
0x35: {  	s10 =	sld [smem:$0x3FB6];
	_ =	sdelay $0x3  }
0x36: {  	p1 =	seq.s32 s10, $0x1;
	s10 =	sld [smem:$0x3FB7];
	_ =	sdelay $0x3  }
0x37: {  	[smem:$0x3FB7] =	sst s10  }
0x38: {  	s10 =	sld [smem:$0x3FB8]  }
0x39: {  	_ = 	snop;
	(pc) =	sbr.ind lr, $3  }
0x3a: {  	_ = 	snop  }
0x3b: {  	_ = 	snop  }
0x3c: {  	p2 =	seq.s32 s10, $0x1;
	s10 =	sld [smem:$0x3FB7]  }
0x3d: {  	_ =	shalt  }
0x3e: {  	_ =	shalt  }
0x3f: {  	_ =	shalt  }
0x40: {  	_ =	shalt  }
0x41: {  	_ =	shalt  }
0x42: {  	_ =	shalt  }
0x43: {  	_ =	shalt  }
0x44: {  	_ =	shalt  }
0x45: {  	_ =	shalt  }
0x46: {  	_ =	shalt  }
0x47: {  	_ =	shalt  }
0x48: {  	_ =	shalt  }
0x49: {  	_ =	shalt  }
0x4a: {  	_ =	shalt  }
0x4b: {  	_ =	shalt  }
0x4c: {  	_ =	shalt  }
0x4d: {  	_ =	shalt  }
0x4e: {  	_ =	shalt  }
0x4f: {  	_ =	shalt  }
0x50: {  	_ =	shalt  }
0x51: {  	_ =	shalt  }
0x52: {  	_ =	shalt  }
0x53: {  	_ =	shalt  }
0x54: {  	_ =	shalt  }
0x55: {  	_ =	shalt  }
0x56: {  	_ =	shalt  }
0x57: {  	_ =	shalt  }
0x58: {  	_ =	shalt  }
0x59: {  	_ =	shalt  }
0x5a: {  	_ =	shalt  }
0x5b: {  	_ =	shalt  }
0x5c: {  	_ =	shalt  }
0x5d: {  	_ =	shalt  }
0x5e: {  	_ =	shalt  }
0x5f: {  	_ =	shalt  }
0x60: {  	_ =	shalt  }
0x61: {  	_ =	shalt  }
0x62: {  	_ =	shalt  }
0x63: {  	_ =	shalt  }
0x64: {  	_ =	shalt  }
0x65: {  	_ =	shalt  }
0x66: {  	_ =	shalt  }
0x67: {  	_ =	shalt  }
0x68: {  	_ =	shalt  }
0x69: {  	_ =	shalt  }
0x6a: {  	_ =	shalt  }
0x6b: {  	_ =	shalt  }
0x6c: {  	_ =	shalt  }
0x6d: {  	_ =	shalt  }
0x6e: {  	_ =	shalt  }
0x6f: {  	_ =	shalt  }
0x70: {  	_ =	shalt  }
0x71: {  	_ =	shalt  }
0x72: {  	_ =	shalt  }
0x73: {  	_ =	shalt  }
0x74: {  	_ =	shalt  }
0x75: {  	_ =	shalt  }
0x76: {  	_ =	shalt  }
0x77: {  	_ =	shalt  }
0x78: {  	_ =	shalt  }
0x79: {  	_ =	shalt  }
0x7a: {  	_ =	shalt  }
0x7b: {  	_ =	shalt  }
0x7c: {  	_ =	shalt  }
0x7d: {  	_ =	shalt  }
0x7e: {  	_ =	shalt  }
0x7f: {  	_ =	shalt  }
0x80: {  	_ =	shalt  }
0x81: {  	_ =	shalt  }
0x82: {  	_ =	shalt  }
0x83: {  	_ =	shalt  }
0x84: {  	_ =	shalt  }
0x85: {  	_ =	shalt  }
0x86: {  	_ =	shalt  }
0x87: {  	_ =	shalt  }
.Lfunc_end0:
.L_simem_size_0:
called_computation_lowered:
.L_overlay_start_0:
0x88: {  	s2 =	sld [smem:$0x3FD9]  }
0x89: {  	s3 =	sld [smem:$0x3FFE];
	_ =	sdelay $0x1  }
0x8a: {  	s1 =	srdreg.scid  }
0x8b: {  	s0 =	sand.u32 $0x1, s1  }
0x8c: {  	s18 =	sshll.u32 s0, $0xA;
	s2 =	sadd.s32 s3, s2  }
0x8d: {  	s2 =	sadd.s32 s2, s18  }
0x8e: {  	[smem:$0x3FC3] =	sst s2  }
0x8f: {  	_ = 	snop  }
0x90: {  	s2 =	sld [smem:$0x3FC9]  }
0x91: {  	s19 =	sld [smem:$0x3FC8]  }
0x92: {  	s4 =	sld [smem:$0x3FC7]  }
0x93: {  	s5 =	sld [smem:$0x3FC6]  }
0x94: {  	s6 =	sld [smem:$0x3FC5]  }
0x95: {  	s7 =	sld [smem:$0x3FD0];
	(tm) =	ssettm $0x1  }
0x96: {  	s8 =	sld [smem:$0x3FFB];
	_ =	sdelay $0x3  }
0x97: {  	_ =	strace s8  }
0x98: {  	s8 =	sld [smem:$0x3FFC];
	_ =	sdelay $0x3  }
0x99: {  	_ =	strace s8  }
0x9a: {  	s8 =	sld [smem:$0x3FFD];
	_ =	sdelay $0x3  }
0x9b: {  	_ =	strace s8  }
0x9c: {  	_ =	strace $0x8FFFFFFF  }
0x9d: {  	s20 =	sld [smem:$0x3FDB];
	_ =	sdelay $0x1  }
0x9e: {  	s9 =	simm.s32 $_scs_section_size  }
0x9f: {  	s10 =	simm.s32 $_size__tile_overlayer_lowered;
	s11 =	simm.s32 $_tile_overlayer_lowered  }
0xa0: {  	s23 =	simm.s32 $0x1BFF;
	s22 =	sshll.u32 s11, $0x1;
	s8 =	sadd.s32 s9, s20  }
0xa1: {  	s12 =	simm.s32 $0x0;
	s21 =	sshll.u32 s10, $0x1;
	s10 =	sadd.s32 s22, s8  }
0xa2: {  	[timem:s12], [sflag:s23] =	dma.local [hbm:s10], s21  }
0xa3: {  	_ =	swait.ge [sflag:s23], s21  }
0xa4: {  	s9 =	ssub.s32 $0x0, s21;
	[sflag:s23] =	ssyncset.done $0x0  }
0xa5: {  	[sflag:s23] =	ssyncadd.s32 s9;
	_ =	sdelay $0x1  }
0xa6: {  	s24 =	simm.s32 $0x1B8B  }
0xa7: {  	_ =	swait.ge [sflag:s24], $0x1  }
0xa8: {  	[sflag:s24] =	ssyncset.done $0x0  }
0xa9: {  	s25 =	simm.s32 $0x1B8E;
	[sflag:s24] =	ssyncadd.s32 $0xFFFFFFFF  }
0xaa: {  	s26 =	simm.s32 $execute0_lowered;
	[smem:$0x3FD2] =	sst s25  }
0xab: {  	s9 =	sshll.u32 s26, $0x1;
	_ =	strace $0x80000046;
	[dreg:$0x1] =	wrdreg $0xFFFFFFFF  }
0xac: {  	s28 =	simm.s32 $_size_execute0_lowered;
	s8 =	sadd.s32 s8, s9;
	[dreg:$0x0] =	wrdreg $0x0  }
0xad: {  	s9 =	sshll.u32 s28, $0x1;
	[dreg:$0x2] =	wrdreg s8  }
0xae: {  	[dreg:$0x3] =	wrdreg s9  }
0xaf: {  	[dreg:$0x4] =	wrdreg $0xC0  }
0xb0: {  	_ =	task [dreg:s12], $0x5FFFF  }
0xb1: {  	[dreg:$0x1] =	wrdreg $0xFFFFFFFF  }
0xb2: {  	[dreg:$0x0] =	wrdreg $0x60  }
0xb3: {  	[dreg:$0x2] =	wrdreg s2  }
0xb4: {  	[dreg:$0x3] =	wrdreg s19  }
0xb5: {  	[dreg:$0x4] =	wrdreg s4  }
0xb6: {  	[dreg:$0x5] =	wrdreg s5  }
0xb7: {  	[dreg:$0x6] =	wrdreg s6  }
0xb8: {  	[dreg:$0x7] =	wrdreg s7  }
0xb9: {  	[dreg:$0x8] =	wrdreg $0x9  }
0xba: {  	_ =	task.clear_ibuf [dreg:s12], $0x9FFFF;
	_ =	strace $0x90000046  }
0xbb: {  	s29 =	simm.s32 $0x9;
	_ =	strace $0x80000048  }
0xbc: {  	_ =	swait.ge [sflag:s29], $0x1  }
0xbd: {  	[sflag:s29] =	ssyncadd.s32 $0xFFFFFFFF  }
0xbe: {  	_ =	strace $0x90000048  }
0xbf: {  	_ =	sfence  }
0xc0: {  	s30 =	sld [smem:$0x0];
	_ =	sdelay $0x2  }
0xc1: {  	s31 =	sshll.u32 s1, $0xD;
	s1 =	sshrl.u32 s1, $0x2  }
0xc2: {  	s3 =	sand.u32 $0x4000, s31;
	s1 =	sadd.s32 s1, s30  }
0xc3: {  	s0 =	sor.u32 s3, s0;
	s1 =	sshll.u32 s1, $0x11  }
0xc4: {  	s0 =	sor.u32 s1, s0  }
0xc5: {  	s0 =	sadd.s32 $0x8F2B, s0  }
0xc6: {  	[sflag:s0] =	ssyncadd.remote.s32 $0x1  }
0xc7: {  	_ =	sfence.sel $0xFFFF  }
0xc8: {  	[dreg:$0x0] =	wrdreg $0xFFFFFFFF;
	(pc) =	sbr.abs _section_cstart, $3  }
0xc9: {  	[dreg:$0x1] =	wrdreg $0xFFFFFFFF  }
0xca: {  	_ =	task.clear_ibuf [dreg:s12], $0x2FFFF;
	_ =	strace $0x9FFFFFFF  }
0xcb: {  	(tm) =	ssettm $0x7FFFFFFF  }
tec
execute0_lowered:
.L_overlay_start_1:
0x0: {  	(tag) =	ssettag $0x1  }
0x1: {  	s6 =	rddreg [dreg:$0x0]  }
0x2: {  	s7 =	rddreg [dreg:$0x1]  }
0x3: {  	s1 =	rddreg [dreg:$0x2]  }
0x4: {  	s2 =	rddreg [dreg:$0x3]  }
0x5: {  	s4 =	rddreg [dreg:$0x4]  }
0x6: {  	s8 =	rddreg [dreg:$0x5]  }
0x7: {  	s5 =	srdreg.scid;
	s3 =	stileid.u32;
	s12 =	simm.s32 $0x400  }
0x8: {  	s13 =	simm.s32 $0x600;
	s14 =	simm.s32 $0x800;
	s15 =	simm.s32 $0x480  }
0x9: {  	s16 =	simm.s32 $0x280;
	s17 =	simm.s32 $0x680;
	s18 =	simm.s32 $0x880  }
0xa: {  	s19 =	simm.s32 $0x100;
	s20 =	simm.s32 $0x500;
	s21 =	simm.s32 $0x300  }
0xb: {  	s22 =	simm.s32 $0x700;
	s23 =	simm.s32 $0x900;
	s24 =	simm.s32 $0x180  }
0xc: {  	s25 =	simm.s32 $0x580;
	s28 =	simm.s32 $0x780;
	s29 =	simm.s32 $0x980  }
0xd: {  	s30 =	simm.s32 $0x1;
	s31 =	simm.s32 $0xA00;
	s9 =	sand.u32 $0x1, s5  }
0xe: {  	s5 =	simm.s32 $0x0;
	s10 =	sshll.u32 s3, $0x7;
	s11 =	sshll.u32 s9, $0x6  }
0xf: {  	[smem:$0x7FF] =	sst s5;
	s9 =	ssub.s32 $0x2, s9;
	s10 =	sor.u32 s11, s10  }
0x10: {  	_ =	strace $0x80000047;
	s26 =	sshrl.u32 s9, $0x1;
	s11 =	simm.s32 $0x80  }
0x11: {  	s6 =	sadd.s32 s6, s10;
	s9 =	ssub.s32 s9, s26;
	s26 =	simm.s32 $0x380  }
0x12: {  	[dreg:$0x7] =	wrdreg s6;
	s6 =	sadd.s32 s7, s10;
	s7 =	sadd.s32 s8, s10  }
0x13: {  	s8 =	smax.u32 s9, $0x1;
	s9 =	simm.s32 $0x2;
	s10 =	simm.s32 $0x200  }
.LBB2_1:
0x14: {  	s0 =	rddreg [dreg:$0x7]  }
0x15: {  	[tilespmem:s5], [sflag:$0x2] =	stream.linear.gather [hbm4b:s0+s5], $0x200, $0x38;
	[tilespmem:$0xC00] =	vst v63  }
0x16: {  	_ =	swait.ge [sflag:s9], $0x200  }
0x17: {  	[sflag:s9] =	ssyncset.done $0x0  }
0x18: {  	[sflag:s9] =	ssyncadd.s32 $0xFFFFFE00  }
0x19: {  	[tilespmem:s10], [sflag:$0x2] =	stream.linear.gather [hbm4b:s6+s5], $0x200, $0x38;
	[tilespmem:$0xC00] =	vst v63  }
0x1a: {  	_ =	swait.ge [sflag:s9], $0x200  }
0x1b: {  	[sflag:s9] =	ssyncset.done $0x0  }
0x1c: {  	[sflag:s9] =	ssyncadd.s32 $0xFFFFFE00  }
0x1d: {  	[tilespmem:s12], [sflag:$0x1] =	stream.indirect.gather [hbm4b:s1+s11], $0x1, s5, s11, $0xb8;
	[tilespmem:$0xC00] =	vst v63  }
0x1e: {  	_ = 	snop  }
0x1f: {  	[tilespmem:s13], [sflag:$0x1] =	stream.indirect.gather [hbm4b:s2+s11], $0x1, s10, s11, $0xb8;
	[tilespmem:$0xC00] =	vst v63  }
0x20: {  	_ = 	snop  }
0x21: {  	[tilespmem:s14], [sflag:$0x1] =	stream.indirect.gather [hbm4b:s4+s11], $0x1, s10, s11, $0xb8;
	[tilespmem:$0xC00] =	vst v63  }
0x22: {  	_ = 	snop  }
0x23: {  	[tilespmem:s15], [sflag:$0x1] =	stream.indirect.gather [hbm4b:s1+s11], $0x1, s11, s11, $0xb8;
	[tilespmem:$0xC00] =	vst v63  }
0x24: {  	_ = 	snop  }
0x25: {  	[tilespmem:s17], [sflag:$0x1] =	stream.indirect.gather [hbm4b:s2+s11], $0x1, s16, s11, $0xb8;
	[tilespmem:$0xC00] =	vst v63  }
0x26: {  	_ = 	snop  }
0x27: {  	[tilespmem:s18], [sflag:$0x1] =	stream.indirect.gather [hbm4b:s4+s11], $0x1, s16, s11, $0xb8;
	[tilespmem:$0xC00] =	vst v63  }
0x28: {  	_ = 	snop  }
0x29: {  	[tilespmem:s20], [sflag:$0x1] =	stream.indirect.gather [hbm4b:s1+s11], $0x1, s19, s11, $0xb8;
	[tilespmem:$0xC00] =	vst v63  }
0x2a: {  	_ = 	snop  }
0x2b: {  	[tilespmem:s22], [sflag:$0x1] =	stream.indirect.gather [hbm4b:s2+s11], $0x1, s21, s11, $0xb8;
	[tilespmem:$0xC00] =	vst v63  }
0x2c: {  	_ = 	snop  }
0x2d: {  	[tilespmem:s23], [sflag:$0x1] =	stream.indirect.gather [hbm4b:s4+s11], $0x1, s21, s11, $0xb8;
	[tilespmem:$0xC00] =	vst v63  }
0x2e: {  	_ = 	snop  }
0x2f: {  	[tilespmem:s25], [sflag:$0x1] =	stream.indirect.gather [hbm4b:s1+s11], $0x1, s24, s11, $0xb8;
	[tilespmem:$0xC00] =	vst v63  }
0x30: {  	_ = 	snop  }
0x31: {  	[tilespmem:s28], [sflag:$0x1] =	stream.indirect.gather [hbm4b:s2+s11], $0x1, s26, s11, $0xb8;
	[tilespmem:$0xC00] =	vst v63  }
0x32: {  	_ = 	snop  }
0x33: {  	[tilespmem:s29], [sflag:$0x1] =	stream.indirect.gather [hbm4b:s4+s11], $0x1, s26, s11, $0xb8;
	[tilespmem:$0xC00] =	vst v63  }
0x34: {  	_ =	swait.ge [sflag:s30], $0x80  }
0x35: {  	[sflag:s30] =	ssyncset.done $0x0  }
0x36: {  	[sflag:s30] =	ssyncadd.s32 $0xFFFFFF80  }
0x37: {  	_ =	swait.ge [sflag:s30], $0x80  }
0x38: {  	[sflag:s30] =	ssyncset.done $0x0  }
0x39: {  	[sflag:s30] =	ssyncadd.s32 $0xFFFFFF80  }
0x3a: {  	_ =	swait.ge [sflag:s30], $0x80  }
0x3b: {  	[sflag:s30] =	ssyncset.done $0x0  }
0x3c: {  	[sflag:s30] =	ssyncadd.s32 $0xFFFFFF80  }
0x3d: {  	_ =	swait.ge [sflag:s30], $0x80  }
0x3e: {  	[sflag:s30] =	ssyncset.done $0x0  }
0x3f: {  	[sflag:s30] =	ssyncadd.s32 $0xFFFFFF80  }
0x40: {  	_ =	swait.ge [sflag:s30], $0x80  }
0x41: {  	[sflag:s30] =	ssyncset.done $0x0  }
0x42: {  	[sflag:s30] =	ssyncadd.s32 $0xFFFFFF80  }
0x43: {  	_ =	swait.ge [sflag:s30], $0x80  }
0x44: {  	[sflag:s30] =	ssyncset.done $0x0  }
0x45: {  	[sflag:s30] =	ssyncadd.s32 $0xFFFFFF80  }
0x46: {  	_ =	swait.ge [sflag:s30], $0x80  }
0x47: {  	[sflag:s30] =	ssyncset.done $0x0  }
0x48: {  	[sflag:s30] =	ssyncadd.s32 $0xFFFFFF80  }
0x49: {  	_ =	swait.ge [sflag:s30], $0x80  }
0x4a: {  	[sflag:s30] =	ssyncset.done $0x0  }
0x4b: {  	[sflag:s30] =	ssyncadd.s32 $0xFFFFFF80  }
0x4c: {  	_ =	swait.ge [sflag:s30], $0x80  }
0x4d: {  	[sflag:s30] =	ssyncset.done $0x0  }
0x4e: {  	[sflag:s30] =	ssyncadd.s32 $0xFFFFFF80  }
0x4f: {  	_ =	swait.ge [sflag:s30], $0x80  }
0x50: {  	[sflag:s30] =	ssyncset.done $0x0  }
0x51: {  	[sflag:s30] =	ssyncadd.s32 $0xFFFFFF80  }
0x52: {  	_ =	swait.ge [sflag:s30], $0x80  }
0x53: {  	[sflag:s30] =	ssyncset.done $0x0  }
0x54: {  	[sflag:s30] =	ssyncadd.s32 $0xFFFFFF80  }
0x55: {  	_ =	swait.ge [sflag:s30], $0x80  }
0x56: {  	[sflag:s30] =	ssyncset.done $0x0  }
0x57: {  	[sflag:s30] =	ssyncadd.s32 $0xFFFFFF80  }
0x58: {  	v0 =	vld [tilespmem:$0x400];
	_ =	sdelay $0x4  }
0x59: {  	v0 =	vsub.f32 $0.0e+00, v0;
	_ =	sdelay $0x1  }
0x5a: {  	v0 =	vmul.f32 $1.442695020e+00, v0;
	_ =	sdelay $0x1  }
0x5b: {  	(erf) = vpow2.f32 v0;
	_ =	sdelay $0x3  }
0x5c: {  	v26 =	vld [tilespmem:$0x600];
	_ =	sdelay $0x4  }
0x5d: {  	v0 =	vsub.f32 $0.0e+00, v26;
	v1 =	vpop (erf)  }
0x5e: {  	v1 =	vadd.f32 $1.000000000e+00, v1  }
0x5f: {  	v0 =	vmul.f32 $1.442695020e+00, v0  }
0x60: {  	(erf) = vrcp.f32 v1  }
0x61: {  	(erf) = vpow2.f32 v0;
	_ =	sdelay $0x3  }
0x62: {  	v27 =	vld [tilespmem:$0x800];
	_ =	sdelay $0x3  }
0x63: {  	v1 =	vpop (erf)  }
0x64: {  	v0 =	vsub.f32 $0.0e+00, v27;
	v2 =	vpop (erf)  }
0x65: {  	v2 =	vadd.f32 $1.000000000e+00, v2  }
0x66: {  	v0 =	vmul.f32 $1.442695020e+00, v0  }
0x67: {  	(erf) = vrcp.f32 v2  }
0x68: {  	(erf) = vpow2.f32 v0;
	_ =	sdelay $0x7  }
0x69: {  	v28 =	vpop (erf)  }
0x6a: {  	v29 =	vpop (erf)  }
0x6b: {  	v2 =	vadd.f32 $1.000000000e+00, v29;
	_ =	sdelay $0x1  }
0x6c: {  	(erf) = vrcp.f32 v2;
	_ =	sdelay $0x8  }
0x6d: {  	v2 =	vpop (erf)  }
0x6e: {  	v0 =	vsub.f32 v1, v28;
	v2 =	vmul.f32 $1.700000050e+00, v2;
	_ =	sdelay $0x1  }
0x6f: {  	v0 =	vmul.f32 v2, v0;
	_ =	sdelay $0x1  }
0x70: {  	v0 =	vsub.f32 $0.0e+00, v0;
	_ =	sdelay $0x1  }
0x71: {  	v0 =	vmul.f32 $1.442695020e+00, v0;
	_ =	sdelay $0x1  }
0x72: {  	(erf) = vpow2.f32 v0;
	_ =	sdelay $0x3  }
0x73: {  	v30 =	vld [tilespmem:$0x410];
	_ =	sdelay $0x4  }
0x74: {  	v0 =	vsub.f32 $0.0e+00, v30;
	v31 =	vpop (erf)  }
0x75: {  	v1 =	vadd.f32 $1.000000000e+00, v31  }
0x76: {  	v0 =	vmul.f32 $1.442695020e+00, v0  }
0x77: {  	(erf) = vrcp.f32 v1  }
0x78: {  	(erf) = vpow2.f32 v0;
	_ =	sdelay $0x3  }
0x79: {  	v32 =	vld [tilespmem:$0x610];
	_ =	sdelay $0x3  }
0x7a: {  	v33 =	vpop (erf)  }
0x7b: {  	v1 =	vsub.f32 $0.0e+00, v32;
	v34 =	vpop (erf)  }
0x7c: {  	v2 =	vadd.f32 $1.000000000e+00, v34  }
0x7d: {  	v1 =	vmul.f32 $1.442695020e+00, v1  }
0x7e: {  	(erf) = vrcp.f32 v2  }
0x7f: {  	(erf) = vpow2.f32 v1;
	_ =	sdelay $0x3  }
0x80: {  	v35 =	vld [tilespmem:$0x810];
	_ =	sdelay $0x3  }
0x81: {  	v2 =	vpop (erf)  }
0x82: {  	v1 =	vsub.f32 $0.0e+00, v35;
	v3 =	vpop (erf)  }
0x83: {  	v3 =	vadd.f32 $1.000000000e+00, v3  }
0x84: {  	v1 =	vmul.f32 $1.442695020e+00, v1  }
0x85: {  	(erf) = vrcp.f32 v3  }
0x86: {  	(erf) = vpow2.f32 v1;
	_ =	sdelay $0x7  }
0x87: {  	v36 =	vpop (erf)  }
0x88: {  	v37 =	vpop (erf)  }
0x89: {  	v3 =	vadd.f32 $1.000000000e+00, v37;
	_ =	sdelay $0x1  }
0x8a: {  	(erf) = vrcp.f32 v3;
	_ =	sdelay $0x8  }
0x8b: {  	v3 =	vpop (erf)  }
0x8c: {  	v1 =	vsub.f32 v2, v36;
	v3 =	vmul.f32 $1.700000050e+00, v3;
	_ =	sdelay $0x1  }
0x8d: {  	v1 =	vmul.f32 v3, v1;
	_ =	sdelay $0x1  }
0x8e: {  	v1 =	vsub.f32 $0.0e+00, v1;
	_ =	sdelay $0x1  }
0x8f: {  	v1 =	vmul.f32 $1.442695020e+00, v1;
	_ =	sdelay $0x1  }
0x90: {  	(erf) = vpow2.f32 v1;
	_ =	sdelay $0x3  }
0x91: {  	v38 =	vld [tilespmem:$0x420];
	_ =	sdelay $0x4  }
0x92: {  	v1 =	vsub.f32 $0.0e+00, v38;
	v39 =	vpop (erf)  }
0x93: {  	v2 =	vadd.f32 $1.000000000e+00, v39  }
0x94: {  	v1 =	vmul.f32 $1.442695020e+00, v1  }
0x95: {  	(erf) = vrcp.f32 v2  }
0x96: {  	(erf) = vpow2.f32 v1;
	_ =	sdelay $0x3  }
0x97: {  	v40 =	vld [tilespmem:$0x620];
	_ =	sdelay $0x3  }
0x98: {  	v41 =	vpop (erf)  }
0x99: {  	v2 =	vsub.f32 $0.0e+00, v40;
	v42 =	vpop (erf)  }
0x9a: {  	v3 =	vadd.f32 $1.000000000e+00, v42  }
0x9b: {  	v2 =	vmul.f32 $1.442695020e+00, v2  }
0x9c: {  	(erf) = vrcp.f32 v3  }
0x9d: {  	(erf) = vpow2.f32 v2;
	_ =	sdelay $0x3  }
0x9e: {  	v43 =	vld [tilespmem:$0x820];
	_ =	sdelay $0x3  }
0x9f: {  	v3 =	vpop (erf)  }
0xa0: {  	v2 =	vsub.f32 $0.0e+00, v43;
	v4 =	vpop (erf)  }
0xa1: {  	v4 =	vadd.f32 $1.000000000e+00, v4  }
0xa2: {  	v2 =	vmul.f32 $1.442695020e+00, v2  }
0xa3: {  	(erf) = vrcp.f32 v4  }
0xa4: {  	(erf) = vpow2.f32 v2;
	_ =	sdelay $0x7  }
0xa5: {  	v44 =	vpop (erf)  }
0xa6: {  	v45 =	vpop (erf)  }
0xa7: {  	v4 =	vadd.f32 $1.000000000e+00, v45;
	_ =	sdelay $0x1  }
0xa8: {  	(erf) = vrcp.f32 v4;
	_ =	sdelay $0x8  }
0xa9: {  	v4 =	vpop (erf)  }
0xaa: {  	v2 =	vsub.f32 v3, v44;
	v4 =	vmul.f32 $1.700000050e+00, v4;
	_ =	sdelay $0x1  }
0xab: {  	v2 =	vmul.f32 v4, v2;
	_ =	sdelay $0x1  }
0xac: {  	v2 =	vsub.f32 $0.0e+00, v2;
	_ =	sdelay $0x1  }
0xad: {  	v2 =	vmul.f32 $1.442695020e+00, v2;
	_ =	sdelay $0x1  }
0xae: {  	(erf) = vpow2.f32 v2;
	_ =	sdelay $0x3  }
0xaf: {  	v46 =	vld [tilespmem:$0x430];
	_ =	sdelay $0x4  }
0xb0: {  	v2 =	vsub.f32 $0.0e+00, v46;
	v47 =	vpop (erf)  }
0xb1: {  	v3 =	vadd.f32 $1.000000000e+00, v47  }
0xb2: {  	v2 =	vmul.f32 $1.442695020e+00, v2  }
0xb3: {  	(erf) = vrcp.f32 v3  }
0xb4: {  	(erf) = vpow2.f32 v2;
	_ =	sdelay $0x3  }
0xb5: {  	v48 =	vld [tilespmem:$0x630];
	_ =	sdelay $0x3  }
0xb6: {  	v49 =	vpop (erf)  }
0xb7: {  	v3 =	vsub.f32 $0.0e+00, v48;
	v50 =	vpop (erf)  }
0xb8: {  	v4 =	vadd.f32 $1.000000000e+00, v50  }
0xb9: {  	v3 =	vmul.f32 $1.442695020e+00, v3  }
0xba: {  	(erf) = vrcp.f32 v4  }
0xbb: {  	(erf) = vpow2.f32 v3;
	_ =	sdelay $0x3  }
0xbc: {  	v51 =	vld [tilespmem:$0x830];
	_ =	sdelay $0x3  }
0xbd: {  	v4 =	vpop (erf)  }
0xbe: {  	v3 =	vsub.f32 $0.0e+00, v51;
	v5 =	vpop (erf)  }
0xbf: {  	v5 =	vadd.f32 $1.000000000e+00, v5  }
0xc0: {  	v3 =	vmul.f32 $1.442695020e+00, v3  }
0xc1: {  	(erf) = vrcp.f32 v5  }
0xc2: {  	(erf) = vpow2.f32 v3;
	_ =	sdelay $0x7  }
0xc3: {  	v52 =	vpop (erf)  }
0xc4: {  	v53 =	vpop (erf)  }
0xc5: {  	v5 =	vadd.f32 $1.000000000e+00, v53;
	_ =	sdelay $0x1  }
0xc6: {  	(erf) = vrcp.f32 v5;
	_ =	sdelay $0x8  }
0xc7: {  	v5 =	vpop (erf)  }
0xc8: {  	v3 =	vsub.f32 v4, v52;
	v5 =	vmul.f32 $1.700000050e+00, v5;
	_ =	sdelay $0x1  }
0xc9: {  	v3 =	vmul.f32 v5, v3;
	_ =	sdelay $0x1  }
0xca: {  	v3 =	vsub.f32 $0.0e+00, v3;
	_ =	sdelay $0x1  }
0xcb: {  	v3 =	vmul.f32 $1.442695020e+00, v3;
	_ =	sdelay $0x1  }
0xcc: {  	(erf) = vpow2.f32 v3;
	_ =	sdelay $0x3  }
0xcd: {  	v54 =	vld [tilespmem:$0x440];
	_ =	sdelay $0x4  }
0xce: {  	v3 =	vsub.f32 $0.0e+00, v54;
	v55 =	vpop (erf)  }
0xcf: {  	v4 =	vadd.f32 $1.000000000e+00, v55  }
0xd0: {  	v3 =	vmul.f32 $1.442695020e+00, v3  }
0xd1: {  	(erf) = vrcp.f32 v4  }
0xd2: {  	(erf) = vpow2.f32 v3;
	_ =	sdelay $0x3  }
0xd3: {  	v56 =	vld [tilespmem:$0x640];
	_ =	sdelay $0x3  }
0xd4: {  	v4 =	vpop (erf)  }
0xd5: {  	v3 =	vsub.f32 $0.0e+00, v56;
	v57 =	vpop (erf)  }
0xd6: {  	v5 =	vadd.f32 $1.000000000e+00, v57  }
0xd7: {  	v3 =	vmul.f32 $1.442695020e+00, v3  }
0xd8: {  	(erf) = vrcp.f32 v5  }
0xd9: {  	(erf) = vpow2.f32 v3;
	_ =	sdelay $0x3  }
0xda: {  	v58 =	vld [tilespmem:$0x840];
	_ =	sdelay $0x3  }
0xdb: {  	v5 =	vpop (erf)  }
0xdc: {  	v3 =	vsub.f32 $0.0e+00, v58;
	v6 =	vpop (erf)  }
0xdd: {  	v6 =	vadd.f32 $1.000000000e+00, v6  }
0xde: {  	v3 =	vmul.f32 $1.442695020e+00, v3  }
0xdf: {  	(erf) = vrcp.f32 v6  }
0xe0: {  	(erf) = vpow2.f32 v3;
	_ =	sdelay $0x7  }
0xe1: {  	v59 =	vpop (erf)  }
0xe2: {  	v60 =	vpop (erf)  }
0xe3: {  	v6 =	vadd.f32 $1.000000000e+00, v60;
	_ =	sdelay $0x1  }
0xe4: {  	(erf) = vrcp.f32 v6;
	_ =	sdelay $0x8  }
0xe5: {  	v6 =	vpop (erf)  }
0xe6: {  	v3 =	vsub.f32 v5, v59;
	v6 =	vmul.f32 $1.700000050e+00, v6;
	_ =	sdelay $0x1  }
0xe7: {  	v3 =	vmul.f32 v6, v3;
	_ =	sdelay $0x1  }
0xe8: {  	v3 =	vsub.f32 $0.0e+00, v3;
	_ =	sdelay $0x1  }
0xe9: {  	v3 =	vmul.f32 $1.442695020e+00, v3;
	_ =	sdelay $0x1  }
0xea: {  	(erf) = vpow2.f32 v3;
	_ =	sdelay $0x3  }
0xeb: {  	v61 =	vld [tilespmem:$0x450];
	_ =	sdelay $0x4  }
0xec: {  	v3 =	vsub.f32 $0.0e+00, v61;
	v62 =	vpop (erf)  }
0xed: {  	v5 =	vadd.f32 $1.000000000e+00, v62  }
0xee: {  	v3 =	vmul.f32 $1.442695020e+00, v3  }
0xef: {  	(erf) = vrcp.f32 v5  }
0xf0: {  	(erf) = vpow2.f32 v3;
	_ =	sdelay $0x3  }
0xf1: {  	v63 =	vld [tilespmem:$0x650];
	_ =	sdelay $0x3  }
0xf2: {  	v5 =	vpop (erf)  }
0xf3: {  	v3 =	vsub.f32 $0.0e+00, v63;
	v9 =	vpop (erf)  }
0xf4: {  	v6 =	vadd.f32 $1.000000000e+00, v9  }
0xf5: {  	v3 =	vmul.f32 $1.442695020e+00, v3  }
0xf6: {  	(erf) = vrcp.f32 v6  }
0xf7: {  	(erf) = vpow2.f32 v3;
	_ =	sdelay $0x3  }
0xf8: {  	v10 =	vld [tilespmem:$0x850];
	_ =	sdelay $0x3  }
0xf9: {  	v6 =	vpop (erf)  }
0xfa: {  	v3 =	vsub.f32 $0.0e+00, v10;
	v7 =	vpop (erf)  }
0xfb: {  	v7 =	vadd.f32 $1.000000000e+00, v7  }
0xfc: {  	v3 =	vmul.f32 $1.442695020e+00, v3  }
0xfd: {  	(erf) = vrcp.f32 v7  }
0xfe: {  	(erf) = vpow2.f32 v3;
	_ =	sdelay $0x7  }
0xff: {  	v11 =	vpop (erf)  }
0x100: {  	v12 =	vpop (erf)  }
0x101: {  	v7 =	vadd.f32 $1.000000000e+00, v12;
	_ =	sdelay $0x1  }
0x102: {  	(erf) = vrcp.f32 v7;
	_ =	sdelay $0x8  }
0x103: {  	v7 =	vpop (erf)  }
0x104: {  	v3 =	vsub.f32 v6, v11;
	v7 =	vmul.f32 $1.700000050e+00, v7;
	_ =	sdelay $0x1  }
0x105: {  	v3 =	vmul.f32 v7, v3;
	_ =	sdelay $0x1  }
0x106: {  	v3 =	vsub.f32 $0.0e+00, v3;
	_ =	sdelay $0x1  }
0x107: {  	v3 =	vmul.f32 $1.442695020e+00, v3;
	_ =	sdelay $0x1  }
0x108: {  	(erf) = vpow2.f32 v3;
	_ =	sdelay $0x3  }
0x109: {  	v13 =	vld [tilespmem:$0x460];
	_ =	sdelay $0x4  }
0x10a: {  	v3 =	vsub.f32 $0.0e+00, v13;
	v14 =	vpop (erf)  }
0x10b: {  	v6 =	vadd.f32 $1.000000000e+00, v14  }
0x10c: {  	v3 =	vmul.f32 $1.442695020e+00, v3  }
0x10d: {  	(erf) = vrcp.f32 v6  }
0x10e: {  	(erf) = vpow2.f32 v3;
	_ =	sdelay $0x3  }
0x10f: {  	v15 =	vld [tilespmem:$0x660];
	_ =	sdelay $0x3  }
0x110: {  	v6 =	vpop (erf)  }
0x111: {  	v3 =	vsub.f32 $0.0e+00, v15;
	v16 =	vpop (erf)  }
0x112: {  	v7 =	vadd.f32 $1.000000000e+00, v16  }
0x113: {  	v3 =	vmul.f32 $1.442695020e+00, v3  }
0x114: {  	(erf) = vrcp.f32 v7  }
0x115: {  	(erf) = vpow2.f32 v3;
	_ =	sdelay $0x3  }
0x116: {  	v17 =	vld [tilespmem:$0x860];
	_ =	sdelay $0x3  }
0x117: {  	v7 =	vpop (erf)  }
0x118: {  	v3 =	vsub.f32 $0.0e+00, v17;
	v8 =	vpop (erf)  }
0x119: {  	v8 =	vadd.f32 $1.000000000e+00, v8  }
0x11a: {  	v3 =	vmul.f32 $1.442695020e+00, v3  }
0x11b: {  	(erf) = vrcp.f32 v8  }
0x11c: {  	(erf) = vpow2.f32 v3;
	_ =	sdelay $0x7  }
0x11d: {  	v18 =	vpop (erf)  }
0x11e: {  	v19 =	vpop (erf)  }
0x11f: {  	v8 =	vadd.f32 $1.000000000e+00, v19;
	_ =	sdelay $0x1  }
0x120: {  	(erf) = vrcp.f32 v8;
	_ =	sdelay $0x8  }
0x121: {  	v8 =	vpop (erf)  }
0x122: {  	v3 =	vsub.f32 v7, v18;
	v8 =	vmul.f32 $1.700000050e+00, v8;
	_ =	sdelay $0x1  }
0x123: {  	v3 =	vmul.f32 v8, v3;
	_ =	sdelay $0x1  }
0x124: {  	v3 =	vsub.f32 $0.0e+00, v3;
	_ =	sdelay $0x1  }
0x125: {  	v3 =	vmul.f32 $1.442695020e+00, v3;
	_ =	sdelay $0x1  }
0x126: {  	(erf) = vpow2.f32 v3;
	_ =	sdelay $0x3  }
0x127: {  	v20 =	vld [tilespmem:$0x470];
	_ =	sdelay $0x4  }
0x128: {  	v3 =	vsub.f32 $0.0e+00, v20;
	v21 =	vpop (erf)  }
0x129: {  	v7 =	vadd.f32 $1.000000000e+00, v21  }
0x12a: {  	v3 =	vmul.f32 $1.442695020e+00, v3  }
0x12b: {  	(erf) = vrcp.f32 v7  }
0x12c: {  	(erf) = vpow2.f32 v3;
	_ =	sdelay $0x4  }
0x12d: {  	[tilespmem:$0xA00] =	vst v33  }
0x12e: {  	[tilespmem:$0xA10] =	vst v41  }
0x12f: {  	[tilespmem:$0xA20] =	vst v49  }
0x130: {  	[tilespmem:$0xA30] =	vst v4;
	v22 =	vpop (erf)  }
0x131: {  	[tilespmem:$0xA40] =	vst v5;
	v23 =	vpop (erf)  }
0x132: {  	[tilespmem:$0xA50] =	vst v6;
	v1 =	vadd.f32 $1.000000000e+00, v23  }
0x133: {  	[tilespmem:$0xA60] =	vst v22  }
0x134: {  	(erf) = vrcp.f32 v1  }
0x135: {  	v24 =	vld [tilespmem:$0x670];
	_ =	sdelay $0x4  }
0x136: {  	v0 =	vsub.f32 $0.0e+00, v24;
	_ =	sdelay $0x1  }
0x137: {  	v0 =	vmul.f32 $1.442695020e+00, v0;
	_ =	sdelay $0x1  }
0x138: {  	(erf) = vpow2.f32 v0;
	_ =	sdelay $0x3  }
0x139: {  	v25 =	vld [tilespmem:$0x870];
	_ =	sdelay $0x3  }
0x13a: {  	v1 =	vpop (erf)  }
0x13b: {  	v0 =	vsub.f32 $0.0e+00, v25;
	v26 =	vpop (erf)  }
0x13c: {  	v2 =	vadd.f32 $1.000000000e+00, v26  }
0x13d: {  	v0 =	vmul.f32 $1.442695020e+00, v0  }
0x13e: {  	(erf) = vrcp.f32 v2  }
0x13f: {  	(erf) = vpow2.f32 v0;
	_ =	sdelay $0x7  }
0x140: {  	v27 =	vpop (erf)  }
0x141: {  	v28 =	vpop (erf)  }
0x142: {  	v2 =	vadd.f32 $1.000000000e+00, v28;
	_ =	sdelay $0x1  }
0x143: {  	(erf) = vrcp.f32 v2;
	_ =	sdelay $0x8  }
0x144: {  	v2 =	vpop (erf)  }
0x145: {  	v0 =	vsub.f32 v1, v27;
	v2 =	vmul.f32 $1.700000050e+00, v2;
	_ =	sdelay $0x1  }
0x146: {  	v0 =	vmul.f32 v2, v0;
	_ =	sdelay $0x1  }
0x147: {  	v0 =	vsub.f32 $0.0e+00, v0;
	_ =	sdelay $0x1  }
0x148: {  	v0 =	vmul.f32 $1.442695020e+00, v0;
	_ =	sdelay $0x1  }
0x149: {  	(erf) = vpow2.f32 v0;
	_ =	sdelay $0x3  }
0x14a: {  	v29 =	vld [tilespmem:$0x480];
	_ =	sdelay $0x4  }
0x14b: {  	v0 =	vsub.f32 $0.0e+00, v29;
	v30 =	vpop (erf)  }
0x14c: {  	v1 =	vadd.f32 $1.000000000e+00, v30  }
0x14d: {  	v0 =	vmul.f32 $1.442695020e+00, v0  }
0x14e: {  	(erf) = vrcp.f32 v1  }
0x14f: {  	(erf) = vpow2.f32 v0;
	_ =	sdelay $0x3  }
0x150: {  	v31 =	vld [tilespmem:$0x680];
	_ =	sdelay $0x3  }
0x151: {  	v0 =	vpop (erf)  }
0x152: {  	v1 =	vsub.f32 $0.0e+00, v31;
	v32 =	vpop (erf)  }
0x153: {  	v2 =	vadd.f32 $1.000000000e+00, v32  }
0x154: {  	v1 =	vmul.f32 $1.442695020e+00, v1  }
0x155: {  	(erf) = vrcp.f32 v2  }
0x156: {  	(erf) = vpow2.f32 v1;
	_ =	sdelay $0x3  }
0x157: {  	v33 =	vld [tilespmem:$0x880];
	_ =	sdelay $0x3  }
0x158: {  	v2 =	vpop (erf)  }
0x159: {  	v1 =	vsub.f32 $0.0e+00, v33;
	v34 =	vpop (erf)  }
0x15a: {  	v3 =	vadd.f32 $1.000000000e+00, v34  }
0x15b: {  	v1 =	vmul.f32 $1.442695020e+00, v1  }
0x15c: {  	(erf) = vrcp.f32 v3  }
0x15d: {  	(erf) = vpow2.f32 v1;
	_ =	sdelay $0x7  }
0x15e: {  	v35 =	vpop (erf)  }
0x15f: {  	v36 =	vpop (erf)  }
0x160: {  	v3 =	vadd.f32 $1.000000000e+00, v36;
	_ =	sdelay $0x1  }
0x161: {  	(erf) = vrcp.f32 v3;
	_ =	sdelay $0x8  }
0x162: {  	v3 =	vpop (erf)  }
0x163: {  	v1 =	vsub.f32 v2, v35;
	v3 =	vmul.f32 $1.700000050e+00, v3;
	_ =	sdelay $0x1  }
0x164: {  	v1 =	vmul.f32 v3, v1;
	_ =	sdelay $0x1  }
0x165: {  	v1 =	vsub.f32 $0.0e+00, v1;
	_ =	sdelay $0x1  }
0x166: {  	v1 =	vmul.f32 $1.442695020e+00, v1;
	_ =	sdelay $0x1  }
0x167: {  	(erf) = vpow2.f32 v1;
	_ =	sdelay $0x3  }
0x168: {  	v37 =	vld [tilespmem:$0x490];
	_ =	sdelay $0x4  }
0x169: {  	v1 =	vsub.f32 $0.0e+00, v37;
	v38 =	vpop (erf)  }
0x16a: {  	v2 =	vadd.f32 $1.000000000e+00, v38  }
0x16b: {  	v1 =	vmul.f32 $1.442695020e+00, v1  }
0x16c: {  	(erf) = vrcp.f32 v2  }
0x16d: {  	(erf) = vpow2.f32 v1;
	_ =	sdelay $0x3  }
0x16e: {  	v39 =	vld [tilespmem:$0x690];
	_ =	sdelay $0x3  }
0x16f: {  	v1 =	vpop (erf)  }
0x170: {  	v2 =	vsub.f32 $0.0e+00, v39;
	v40 =	vpop (erf)  }
0x171: {  	v3 =	vadd.f32 $1.000000000e+00, v40  }
0x172: {  	v2 =	vmul.f32 $1.442695020e+00, v2  }
0x173: {  	(erf) = vrcp.f32 v3  }
0x174: {  	(erf) = vpow2.f32 v2;
	_ =	sdelay $0x3  }
0x175: {  	v41 =	vld [tilespmem:$0x890];
	_ =	sdelay $0x3  }
0x176: {  	v3 =	vpop (erf)  }
0x177: {  	v2 =	vsub.f32 $0.0e+00, v41;
	v42 =	vpop (erf)  }
0x178: {  	v4 =	vadd.f32 $1.000000000e+00, v42  }
0x179: {  	v2 =	vmul.f32 $1.442695020e+00, v2  }
0x17a: {  	(erf) = vrcp.f32 v4  }
0x17b: {  	(erf) = vpow2.f32 v2;
	_ =	sdelay $0x7  }
0x17c: {  	v43 =	vpop (erf)  }
0x17d: {  	v44 =	vpop (erf)  }
0x17e: {  	v4 =	vadd.f32 $1.000000000e+00, v44;
	_ =	sdelay $0x1  }
0x17f: {  	(erf) = vrcp.f32 v4;
	_ =	sdelay $0x8  }
0x180: {  	v4 =	vpop (erf)  }
0x181: {  	v2 =	vsub.f32 v3, v43;
	v4 =	vmul.f32 $1.700000050e+00, v4;
	_ =	sdelay $0x1  }
0x182: {  	v2 =	vmul.f32 v4, v2;
	_ =	sdelay $0x1  }
0x183: {  	v2 =	vsub.f32 $0.0e+00, v2;
	_ =	sdelay $0x1  }
0x184: {  	v2 =	vmul.f32 $1.442695020e+00, v2;
	_ =	sdelay $0x1  }
0x185: {  	(erf) = vpow2.f32 v2;
	_ =	sdelay $0x3  }
0x186: {  	v45 =	vld [tilespmem:$0x4A0];
	_ =	sdelay $0x4  }
0x187: {  	v2 =	vsub.f32 $0.0e+00, v45;
	v46 =	vpop (erf)  }
0x188: {  	v3 =	vadd.f32 $1.000000000e+00, v46  }
0x189: {  	v2 =	vmul.f32 $1.442695020e+00, v2  }
0x18a: {  	(erf) = vrcp.f32 v3  }
0x18b: {  	(erf) = vpow2.f32 v2;
	_ =	sdelay $0x3  }
0x18c: {  	v47 =	vld [tilespmem:$0x6A0];
	_ =	sdelay $0x3  }
0x18d: {  	v2 =	vpop (erf)  }
0x18e: {  	v3 =	vsub.f32 $0.0e+00, v47;
	v48 =	vpop (erf)  }
0x18f: {  	v4 =	vadd.f32 $1.000000000e+00, v48  }
0x190: {  	v3 =	vmul.f32 $1.442695020e+00, v3  }
0x191: {  	(erf) = vrcp.f32 v4  }
0x192: {  	(erf) = vpow2.f32 v3;
	_ =	sdelay $0x3  }
0x193: {  	v49 =	vld [tilespmem:$0x8A0];
	_ =	sdelay $0x3  }
0x194: {  	v4 =	vpop (erf)  }
0x195: {  	v3 =	vsub.f32 $0.0e+00, v49;
	v50 =	vpop (erf)  }
0x196: {  	v5 =	vadd.f32 $1.000000000e+00, v50  }
0x197: {  	v3 =	vmul.f32 $1.442695020e+00, v3  }
0x198: {  	(erf) = vrcp.f32 v5  }
0x199: {  	(erf) = vpow2.f32 v3;
	_ =	sdelay $0x7  }
0x19a: {  	v51 =	vpop (erf)  }
0x19b: {  	v52 =	vpop (erf)  }
0x19c: {  	v5 =	vadd.f32 $1.000000000e+00, v52;
	_ =	sdelay $0x1  }
0x19d: {  	(erf) = vrcp.f32 v5;
	_ =	sdelay $0x8  }
0x19e: {  	v5 =	vpop (erf)  }
0x19f: {  	v3 =	vsub.f32 v4, v51;
	v5 =	vmul.f32 $1.700000050e+00, v5;
	_ =	sdelay $0x1  }
0x1a0: {  	v3 =	vmul.f32 v5, v3;
	_ =	sdelay $0x1  }
0x1a1: {  	v3 =	vsub.f32 $0.0e+00, v3;
	_ =	sdelay $0x1  }
0x1a2: {  	v3 =	vmul.f32 $1.442695020e+00, v3;
	_ =	sdelay $0x1  }
0x1a3: {  	(erf) = vpow2.f32 v3;
	_ =	sdelay $0x3  }
0x1a4: {  	v53 =	vld [tilespmem:$0x4B0];
	_ =	sdelay $0x4  }
0x1a5: {  	v3 =	vsub.f32 $0.0e+00, v53;
	v54 =	vpop (erf)  }
0x1a6: {  	v4 =	vadd.f32 $1.000000000e+00, v54  }
0x1a7: {  	v3 =	vmul.f32 $1.442695020e+00, v3  }
0x1a8: {  	(erf) = vrcp.f32 v4  }
0x1a9: {  	(erf) = vpow2.f32 v3;
	_ =	sdelay $0x3  }
0x1aa: {  	v55 =	vld [tilespmem:$0x6B0];
	_ =	sdelay $0x3  }
0x1ab: {  	v3 =	vpop (erf)  }
0x1ac: {  	v4 =	vsub.f32 $0.0e+00, v55;
	v56 =	vpop (erf)  }
0x1ad: {  	v5 =	vadd.f32 $1.000000000e+00, v56  }
0x1ae: {  	v4 =	vmul.f32 $1.442695020e+00, v4  }
0x1af: {  	(erf) = vrcp.f32 v5  }
0x1b0: {  	(erf) = vpow2.f32 v4;
	_ =	sdelay $0x3  }
0x1b1: {  	v57 =	vld [tilespmem:$0x8B0];
	_ =	sdelay $0x3  }
0x1b2: {  	v5 =	vpop (erf)  }
0x1b3: {  	v4 =	vsub.f32 $0.0e+00, v57;
	v58 =	vpop (erf)  }
0x1b4: {  	v6 =	vadd.f32 $1.000000000e+00, v58  }
0x1b5: {  	v4 =	vmul.f32 $1.442695020e+00, v4  }
0x1b6: {  	(erf) = vrcp.f32 v6  }
0x1b7: {  	(erf) = vpow2.f32 v4;
	_ =	sdelay $0x7  }
0x1b8: {  	v59 =	vpop (erf)  }
0x1b9: {  	v60 =	vpop (erf)  }
0x1ba: {  	v6 =	vadd.f32 $1.000000000e+00, v60;
	_ =	sdelay $0x1  }
0x1bb: {  	(erf) = vrcp.f32 v6;
	_ =	sdelay $0x8  }
0x1bc: {  	v6 =	vpop (erf)  }
0x1bd: {  	v4 =	vsub.f32 v5, v59;
	v6 =	vmul.f32 $1.700000050e+00, v6;
	_ =	sdelay $0x1  }
0x1be: {  	v4 =	vmul.f32 v6, v4;
	_ =	sdelay $0x1  }
0x1bf: {  	v4 =	vsub.f32 $0.0e+00, v4;
	_ =	sdelay $0x1  }
0x1c0: {  	v4 =	vmul.f32 $1.442695020e+00, v4;
	_ =	sdelay $0x1  }
0x1c1: {  	(erf) = vpow2.f32 v4;
	_ =	sdelay $0x3  }
0x1c2: {  	v61 =	vld [tilespmem:$0x4C0];
	_ =	sdelay $0x4  }
0x1c3: {  	v4 =	vsub.f32 $0.0e+00, v61;
	v62 =	vpop (erf)  }
0x1c4: {  	v5 =	vadd.f32 $1.000000000e+00, v62  }
0x1c5: {  	v4 =	vmul.f32 $1.442695020e+00, v4  }
0x1c6: {  	(erf) = vrcp.f32 v5  }
0x1c7: {  	(erf) = vpow2.f32 v4;
	_ =	sdelay $0x3  }
0x1c8: {  	v63 =	vld [tilespmem:$0x6C0];
	_ =	sdelay $0x3  }
0x1c9: {  	v4 =	vpop (erf)  }
0x1ca: {  	v5 =	vsub.f32 $0.0e+00, v63;
	v9 =	vpop (erf)  }
0x1cb: {  	v6 =	vadd.f32 $1.000000000e+00, v9  }
0x1cc: {  	v5 =	vmul.f32 $1.442695020e+00, v5  }
0x1cd: {  	(erf) = vrcp.f32 v6  }
0x1ce: {  	(erf) = vpow2.f32 v5;
	_ =	sdelay $0x3  }
0x1cf: {  	v10 =	vld [tilespmem:$0x8C0];
	_ =	sdelay $0x3  }
0x1d0: {  	v6 =	vpop (erf)  }
0x1d1: {  	v5 =	vsub.f32 $0.0e+00, v10;
	v11 =	vpop (erf)  }
0x1d2: {  	v7 =	vadd.f32 $1.000000000e+00, v11  }
0x1d3: {  	v5 =	vmul.f32 $1.442695020e+00, v5  }
0x1d4: {  	(erf) = vrcp.f32 v7  }
0x1d5: {  	(erf) = vpow2.f32 v5;
	_ =	sdelay $0x7  }
0x1d6: {  	v12 =	vpop (erf)  }
0x1d7: {  	v13 =	vpop (erf)  }
0x1d8: {  	v7 =	vadd.f32 $1.000000000e+00, v13;
	_ =	sdelay $0x1  }
0x1d9: {  	(erf) = vrcp.f32 v7;
	_ =	sdelay $0x8  }
0x1da: {  	v7 =	vpop (erf)  }
0x1db: {  	v5 =	vsub.f32 v6, v12;
	v7 =	vmul.f32 $1.700000050e+00, v7;
	_ =	sdelay $0x1  }
0x1dc: {  	v5 =	vmul.f32 v7, v5;
	_ =	sdelay $0x1  }
0x1dd: {  	v5 =	vsub.f32 $0.0e+00, v5;
	_ =	sdelay $0x1  }
0x1de: {  	v5 =	vmul.f32 $1.442695020e+00, v5;
	_ =	sdelay $0x1  }
0x1df: {  	(erf) = vpow2.f32 v5;
	_ =	sdelay $0x3  }
0x1e0: {  	v14 =	vld [tilespmem:$0x4D0];
	_ =	sdelay $0x4  }
0x1e1: {  	v5 =	vsub.f32 $0.0e+00, v14;
	v15 =	vpop (erf)  }
0x1e2: {  	v6 =	vadd.f32 $1.000000000e+00, v15  }
0x1e3: {  	v5 =	vmul.f32 $1.442695020e+00, v5  }
0x1e4: {  	(erf) = vrcp.f32 v6  }
0x1e5: {  	(erf) = vpow2.f32 v5;
	_ =	sdelay $0x3  }
0x1e6: {  	v16 =	vld [tilespmem:$0x6D0];
	_ =	sdelay $0x3  }
0x1e7: {  	v5 =	vpop (erf)  }
0x1e8: {  	v6 =	vsub.f32 $0.0e+00, v16;
	v17 =	vpop (erf)  }
0x1e9: {  	v7 =	vadd.f32 $1.000000000e+00, v17  }
0x1ea: {  	v6 =	vmul.f32 $1.442695020e+00, v6  }
0x1eb: {  	(erf) = vrcp.f32 v7  }
0x1ec: {  	(erf) = vpow2.f32 v6;
	_ =	sdelay $0x3  }
0x1ed: {  	v18 =	vld [tilespmem:$0x8D0];
	_ =	sdelay $0x3  }
0x1ee: {  	v7 =	vpop (erf)  }
0x1ef: {  	v6 =	vsub.f32 $0.0e+00, v18;
	v19 =	vpop (erf)  }
0x1f0: {  	v8 =	vadd.f32 $1.000000000e+00, v19  }
0x1f1: {  	v6 =	vmul.f32 $1.442695020e+00, v6  }
0x1f2: {  	(erf) = vrcp.f32 v8  }
0x1f3: {  	(erf) = vpow2.f32 v6;
	_ =	sdelay $0x7  }
0x1f4: {  	v20 =	vpop (erf)  }
0x1f5: {  	v21 =	vpop (erf)  }
0x1f6: {  	v8 =	vadd.f32 $1.000000000e+00, v21;
	_ =	sdelay $0x1  }
0x1f7: {  	(erf) = vrcp.f32 v8;
	_ =	sdelay $0x8  }
0x1f8: {  	v8 =	vpop (erf)  }
0x1f9: {  	v6 =	vsub.f32 v7, v20;
	v8 =	vmul.f32 $1.700000050e+00, v8;
	_ =	sdelay $0x1  }
0x1fa: {  	v6 =	vmul.f32 v8, v6;
	_ =	sdelay $0x1  }
0x1fb: {  	v6 =	vsub.f32 $0.0e+00, v6;
	_ =	sdelay $0x1  }
0x1fc: {  	v6 =	vmul.f32 $1.442695020e+00, v6;
	_ =	sdelay $0x1  }
0x1fd: {  	(erf) = vpow2.f32 v6;
	_ =	sdelay $0x3  }
0x1fe: {  	v22 =	vld [tilespmem:$0x4E0];
	_ =	sdelay $0x4  }
0x1ff: {  	v6 =	vsub.f32 $0.0e+00, v22;
	v23 =	vpop (erf)  }
0x200: {  	v7 =	vadd.f32 $1.000000000e+00, v23  }
0x201: {  	v6 =	vmul.f32 $1.442695020e+00, v6  }
0x202: {  	(erf) = vrcp.f32 v7  }
0x203: {  	(erf) = vpow2.f32 v6;
	_ =	sdelay $0x3  }
0x204: {  	v24 =	vld [tilespmem:$0x6E0];
	_ =	sdelay $0x3  }
0x205: {  	v6 =	vpop (erf)  }
0x206: {  	v7 =	vsub.f32 $0.0e+00, v24;
	v25 =	vpop (erf)  }
0x207: {  	v8 =	vadd.f32 $1.000000000e+00, v25  }
0x208: {  	v7 =	vmul.f32 $1.442695020e+00, v7  }
0x209: {  	(erf) = vrcp.f32 v8  }
0x20a: {  	(erf) = vpow2.f32 v7;
	_ =	sdelay $0x3  }
0x20b: {  	v26 =	vld [tilespmem:$0x8E0];
	_ =	sdelay $0x3  }
0x20c: {  	v8 =	vpop (erf)  }
0x20d: {  	v7 =	vsub.f32 $0.0e+00, v26;
	v9 =	vpop (erf)  }
0x20e: {  	v9 =	vadd.f32 $1.000000000e+00, v9  }
0x20f: {  	v7 =	vmul.f32 $1.442695020e+00, v7  }
0x210: {  	(erf) = vrcp.f32 v9  }
0x211: {  	(erf) = vpow2.f32 v7;
	_ =	sdelay $0x7  }
0x212: {  	v27 =	vpop (erf)  }
0x213: {  	v28 =	vpop (erf)  }
0x214: {  	v9 =	vadd.f32 $1.000000000e+00, v28;
	_ =	sdelay $0x1  }
0x215: {  	(erf) = vrcp.f32 v9;
	_ =	sdelay $0x8  }
0x216: {  	v9 =	vpop (erf)  }
0x217: {  	v7 =	vsub.f32 v8, v27;
	v9 =	vmul.f32 $1.700000050e+00, v9;
	_ =	sdelay $0x1  }
0x218: {  	v7 =	vmul.f32 v9, v7;
	_ =	sdelay $0x1  }
0x219: {  	v7 =	vsub.f32 $0.0e+00, v7;
	_ =	sdelay $0x1  }
0x21a: {  	v7 =	vmul.f32 $1.442695020e+00, v7;
	_ =	sdelay $0x1  }
0x21b: {  	(erf) = vpow2.f32 v7;
	_ =	sdelay $0x3  }
0x21c: {  	v29 =	vld [tilespmem:$0x4F0];
	_ =	sdelay $0x4  }
0x21d: {  	v7 =	vsub.f32 $0.0e+00, v29;
	v30 =	vpop (erf)  }
0x21e: {  	v8 =	vadd.f32 $1.000000000e+00, v30  }
0x21f: {  	v7 =	vmul.f32 $1.442695020e+00, v7  }
0x220: {  	(erf) = vrcp.f32 v8  }
0x221: {  	(erf) = vpow2.f32 v7;
	_ =	sdelay $0x3  }
0x222: {  	v31 =	vld [tilespmem:$0x6F0];
	_ =	sdelay $0x3  }
0x223: {  	v7 =	vpop (erf)  }
0x224: {  	v8 =	vsub.f32 $0.0e+00, v31;
	v32 =	vpop (erf)  }
0x225: {  	v9 =	vadd.f32 $1.000000000e+00, v32  }
0x226: {  	v8 =	vmul.f32 $1.442695020e+00, v8  }
0x227: {  	(erf) = vrcp.f32 v9  }
0x228: {  	(erf) = vpow2.f32 v8;
	_ =	sdelay $0x3  }
0x229: {  	v33 =	vld [tilespmem:$0x8F0];
	_ =	sdelay $0x3  }
0x22a: {  	v9 =	vpop (erf)  }
0x22b: {  	v8 =	vsub.f32 $0.0e+00, v33;
	v10 =	vpop (erf)  }
0x22c: {  	v10 =	vadd.f32 $1.000000000e+00, v10  }
0x22d: {  	v8 =	vmul.f32 $1.442695020e+00, v8  }
0x22e: {  	(erf) = vrcp.f32 v10  }
0x22f: {  	(erf) = vpow2.f32 v8;
	_ =	sdelay $0x7  }
0x230: {  	v34 =	vpop (erf)  }
0x231: {  	v35 =	vpop (erf)  }
0x232: {  	v10 =	vadd.f32 $1.000000000e+00, v35;
	_ =	sdelay $0x1  }
0x233: {  	(erf) = vrcp.f32 v10;
	_ =	sdelay $0x8  }
0x234: {  	v10 =	vpop (erf)  }
0x235: {  	v8 =	vsub.f32 v9, v34;
	v10 =	vmul.f32 $1.700000050e+00, v10;
	_ =	sdelay $0x1  }
0x236: {  	v8 =	vmul.f32 v10, v8;
	_ =	sdelay $0x1  }
0x237: {  	v8 =	vsub.f32 $0.0e+00, v8;
	_ =	sdelay $0x1  }
0x238: {  	v8 =	vmul.f32 $1.442695020e+00, v8;
	_ =	sdelay $0x1  }
0x239: {  	(erf) = vpow2.f32 v8;
	_ =	sdelay $0x3  }
0x23a: {  	v36 =	vld [tilespmem:$0x500];
	_ =	sdelay $0x4  }
0x23b: {  	v8 =	vsub.f32 $0.0e+00, v36;
	v37 =	vpop (erf)  }
0x23c: {  	v9 =	vadd.f32 $1.000000000e+00, v37  }
0x23d: {  	v8 =	vmul.f32 $1.442695020e+00, v8  }
0x23e: {  	(erf) = vrcp.f32 v9  }
0x23f: {  	(erf) = vpow2.f32 v8;
	_ =	sdelay $0x3  }
0x240: {  	v38 =	vld [tilespmem:$0x700];
	_ =	sdelay $0x3  }
0x241: {  	v8 =	vpop (erf)  }
0x242: {  	v9 =	vsub.f32 $0.0e+00, v38;
	v39 =	vpop (erf)  }
0x243: {  	v10 =	vadd.f32 $1.000000000e+00, v39  }
0x244: {  	v9 =	vmul.f32 $1.442695020e+00, v9  }
0x245: {  	(erf) = vrcp.f32 v10  }
0x246: {  	(erf) = vpow2.f32 v9;
	_ =	sdelay $0x3  }
0x247: {  	v40 =	vld [tilespmem:$0x900];
	_ =	sdelay $0x3  }
0x248: {  	v10 =	vpop (erf)  }
0x249: {  	v9 =	vsub.f32 $0.0e+00, v40;
	v11 =	vpop (erf)  }
0x24a: {  	v11 =	vadd.f32 $1.000000000e+00, v11  }
0x24b: {  	v9 =	vmul.f32 $1.442695020e+00, v9  }
0x24c: {  	(erf) = vrcp.f32 v11  }
0x24d: {  	(erf) = vpow2.f32 v9;
	_ =	sdelay $0x7  }
0x24e: {  	v41 =	vpop (erf)  }
0x24f: {  	v42 =	vpop (erf)  }
0x250: {  	v11 =	vadd.f32 $1.000000000e+00, v42;
	_ =	sdelay $0x1  }
0x251: {  	(erf) = vrcp.f32 v11;
	_ =	sdelay $0x8  }
0x252: {  	v11 =	vpop (erf)  }
0x253: {  	v9 =	vsub.f32 v10, v41;
	v11 =	vmul.f32 $1.700000050e+00, v11;
	_ =	sdelay $0x1  }
0x254: {  	v9 =	vmul.f32 v11, v9;
	_ =	sdelay $0x1  }
0x255: {  	v9 =	vsub.f32 $0.0e+00, v9;
	_ =	sdelay $0x1  }
0x256: {  	v9 =	vmul.f32 $1.442695020e+00, v9;
	_ =	sdelay $0x1  }
0x257: {  	(erf) = vpow2.f32 v9;
	_ =	sdelay $0x3  }
0x258: {  	v43 =	vld [tilespmem:$0x510];
	_ =	sdelay $0x4  }
0x259: {  	v9 =	vsub.f32 $0.0e+00, v43;
	v44 =	vpop (erf)  }
0x25a: {  	v10 =	vadd.f32 $1.000000000e+00, v44  }
0x25b: {  	v9 =	vmul.f32 $1.442695020e+00, v9  }
0x25c: {  	(erf) = vrcp.f32 v10  }
0x25d: {  	(erf) = vpow2.f32 v9;
	_ =	sdelay $0x3  }
0x25e: {  	v45 =	vld [tilespmem:$0x710];
	_ =	sdelay $0x3  }
0x25f: {  	v9 =	vpop (erf)  }
0x260: {  	v10 =	vsub.f32 $0.0e+00, v45;
	v46 =	vpop (erf)  }
0x261: {  	v11 =	vadd.f32 $1.000000000e+00, v46  }
0x262: {  	v10 =	vmul.f32 $1.442695020e+00, v10  }
0x263: {  	(erf) = vrcp.f32 v11  }
0x264: {  	(erf) = vpow2.f32 v10;
	_ =	sdelay $0x3  }
0x265: {  	v47 =	vld [tilespmem:$0x910];
	_ =	sdelay $0x3  }
0x266: {  	v11 =	vpop (erf)  }
0x267: {  	v10 =	vsub.f32 $0.0e+00, v47;
	v12 =	vpop (erf)  }
0x268: {  	v12 =	vadd.f32 $1.000000000e+00, v12  }
0x269: {  	v10 =	vmul.f32 $1.442695020e+00, v10  }
0x26a: {  	(erf) = vrcp.f32 v12  }
0x26b: {  	(erf) = vpow2.f32 v10;
	_ =	sdelay $0x7  }
0x26c: {  	v48 =	vpop (erf)  }
0x26d: {  	v49 =	vpop (erf)  }
0x26e: {  	v12 =	vadd.f32 $1.000000000e+00, v49;
	_ =	sdelay $0x1  }
0x26f: {  	(erf) = vrcp.f32 v12;
	_ =	sdelay $0x8  }
0x270: {  	v12 =	vpop (erf)  }
0x271: {  	v10 =	vsub.f32 v11, v48;
	v12 =	vmul.f32 $1.700000050e+00, v12;
	_ =	sdelay $0x1  }
0x272: {  	v10 =	vmul.f32 v12, v10;
	_ =	sdelay $0x1  }
0x273: {  	v10 =	vsub.f32 $0.0e+00, v10;
	_ =	sdelay $0x1  }
0x274: {  	v10 =	vmul.f32 $1.442695020e+00, v10;
	_ =	sdelay $0x1  }
0x275: {  	(erf) = vpow2.f32 v10;
	_ =	sdelay $0x3  }
0x276: {  	v50 =	vld [tilespmem:$0x520];
	_ =	sdelay $0x4  }
0x277: {  	v10 =	vsub.f32 $0.0e+00, v50;
	v51 =	vpop (erf)  }
0x278: {  	v11 =	vadd.f32 $1.000000000e+00, v51  }
0x279: {  	v10 =	vmul.f32 $1.442695020e+00, v10  }
0x27a: {  	(erf) = vrcp.f32 v11  }
0x27b: {  	(erf) = vpow2.f32 v10;
	_ =	sdelay $0x3  }
0x27c: {  	v52 =	vld [tilespmem:$0x720];
	_ =	sdelay $0x3  }
0x27d: {  	v10 =	vpop (erf)  }
0x27e: {  	v11 =	vsub.f32 $0.0e+00, v52;
	v53 =	vpop (erf)  }
0x27f: {  	v12 =	vadd.f32 $1.000000000e+00, v53  }
0x280: {  	v11 =	vmul.f32 $1.442695020e+00, v11  }
0x281: {  	(erf) = vrcp.f32 v12  }
0x282: {  	(erf) = vpow2.f32 v11;
	_ =	sdelay $0x3  }
0x283: {  	v54 =	vld [tilespmem:$0x920];
	_ =	sdelay $0x3  }
0x284: {  	v12 =	vpop (erf)  }
0x285: {  	v11 =	vsub.f32 $0.0e+00, v54;
	v13 =	vpop (erf)  }
0x286: {  	v13 =	vadd.f32 $1.000000000e+00, v13  }
0x287: {  	v11 =	vmul.f32 $1.442695020e+00, v11  }
0x288: {  	(erf) = vrcp.f32 v13  }
0x289: {  	(erf) = vpow2.f32 v11;
	_ =	sdelay $0x7  }
0x28a: {  	v55 =	vpop (erf)  }
0x28b: {  	v56 =	vpop (erf)  }
0x28c: {  	v13 =	vadd.f32 $1.000000000e+00, v56;
	_ =	sdelay $0x1  }
0x28d: {  	(erf) = vrcp.f32 v13;
	_ =	sdelay $0x8  }
0x28e: {  	v13 =	vpop (erf)  }
0x28f: {  	v11 =	vsub.f32 v12, v55;
	v13 =	vmul.f32 $1.700000050e+00, v13;
	_ =	sdelay $0x1  }
0x290: {  	v11 =	vmul.f32 v13, v11;
	_ =	sdelay $0x1  }
0x291: {  	v11 =	vsub.f32 $0.0e+00, v11;
	_ =	sdelay $0x1  }
0x292: {  	v11 =	vmul.f32 $1.442695020e+00, v11;
	_ =	sdelay $0x1  }
0x293: {  	(erf) = vpow2.f32 v11;
	_ =	sdelay $0x3  }
0x294: {  	v57 =	vld [tilespmem:$0x530];
	_ =	sdelay $0x4  }
0x295: {  	v11 =	vsub.f32 $0.0e+00, v57;
	v58 =	vpop (erf)  }
0x296: {  	v12 =	vadd.f32 $1.000000000e+00, v58  }
0x297: {  	v11 =	vmul.f32 $1.442695020e+00, v11  }
0x298: {  	(erf) = vrcp.f32 v12  }
0x299: {  	(erf) = vpow2.f32 v11;
	_ =	sdelay $0x3  }
0x29a: {  	v59 =	vld [tilespmem:$0x730];
	_ =	sdelay $0x3  }
0x29b: {  	v11 =	vpop (erf)  }
0x29c: {  	v12 =	vsub.f32 $0.0e+00, v59;
	v60 =	vpop (erf)  }
0x29d: {  	v13 =	vadd.f32 $1.000000000e+00, v60  }
0x29e: {  	v12 =	vmul.f32 $1.442695020e+00, v12  }
0x29f: {  	(erf) = vrcp.f32 v13  }
0x2a0: {  	(erf) = vpow2.f32 v12;
	_ =	sdelay $0x3  }
0x2a1: {  	v61 =	vld [tilespmem:$0x930];
	_ =	sdelay $0x3  }
0x2a2: {  	v13 =	vpop (erf)  }
0x2a3: {  	v12 =	vsub.f32 $0.0e+00, v61;
	v14 =	vpop (erf)  }
0x2a4: {  	v14 =	vadd.f32 $1.000000000e+00, v14  }
0x2a5: {  	v12 =	vmul.f32 $1.442695020e+00, v12  }
0x2a6: {  	(erf) = vrcp.f32 v14  }
0x2a7: {  	(erf) = vpow2.f32 v12;
	_ =	sdelay $0x7  }
0x2a8: {  	v62 =	vpop (erf)  }
0x2a9: {  	v63 =	vpop (erf)  }
0x2aa: {  	v14 =	vadd.f32 $1.000000000e+00, v63;
	_ =	sdelay $0x1  }
0x2ab: {  	(erf) = vrcp.f32 v14;
	_ =	sdelay $0x8  }
0x2ac: {  	v14 =	vpop (erf)  }
0x2ad: {  	v12 =	vsub.f32 v13, v62;
	v14 =	vmul.f32 $1.700000050e+00, v14;
	_ =	sdelay $0x1  }
0x2ae: {  	v12 =	vmul.f32 v14, v12;
	_ =	sdelay $0x1  }
0x2af: {  	v12 =	vsub.f32 $0.0e+00, v12;
	_ =	sdelay $0x1  }
0x2b0: {  	v12 =	vmul.f32 $1.442695020e+00, v12;
	_ =	sdelay $0x1  }
0x2b1: {  	(erf) = vpow2.f32 v12;
	_ =	sdelay $0x3  }
0x2b2: {  	v16 =	vld [tilespmem:$0x540];
	_ =	sdelay $0x4  }
0x2b3: {  	v12 =	vsub.f32 $0.0e+00, v16;
	v17 =	vpop (erf)  }
0x2b4: {  	v13 =	vadd.f32 $1.000000000e+00, v17  }
0x2b5: {  	v12 =	vmul.f32 $1.442695020e+00, v12  }
0x2b6: {  	(erf) = vrcp.f32 v13  }
0x2b7: {  	(erf) = vpow2.f32 v12;
	_ =	sdelay $0x3  }
0x2b8: {  	v18 =	vld [tilespmem:$0x740];
	_ =	sdelay $0x3  }
0x2b9: {  	v12 =	vpop (erf)  }
0x2ba: {  	v13 =	vsub.f32 $0.0e+00, v18;
	v19 =	vpop (erf)  }
0x2bb: {  	v14 =	vadd.f32 $1.000000000e+00, v19  }
0x2bc: {  	v13 =	vmul.f32 $1.442695020e+00, v13  }
0x2bd: {  	(erf) = vrcp.f32 v14  }
0x2be: {  	(erf) = vpow2.f32 v13;
	_ =	sdelay $0x3  }
0x2bf: {  	v20 =	vld [tilespmem:$0x940];
	_ =	sdelay $0x3  }
0x2c0: {  	v14 =	vpop (erf)  }
0x2c1: {  	v13 =	vsub.f32 $0.0e+00, v20;
	v15 =	vpop (erf)  }
0x2c2: {  	v15 =	vadd.f32 $1.000000000e+00, v15  }
0x2c3: {  	v13 =	vmul.f32 $1.442695020e+00, v13  }
0x2c4: {  	(erf) = vrcp.f32 v15  }
0x2c5: {  	(erf) = vpow2.f32 v13;
	_ =	sdelay $0x7  }
0x2c6: {  	v21 =	vpop (erf)  }
0x2c7: {  	v22 =	vpop (erf)  }
0x2c8: {  	v15 =	vadd.f32 $1.000000000e+00, v22;
	_ =	sdelay $0x1  }
0x2c9: {  	(erf) = vrcp.f32 v15;
	_ =	sdelay $0x8  }
0x2ca: {  	v15 =	vpop (erf)  }
0x2cb: {  	v13 =	vsub.f32 v14, v21;
	v15 =	vmul.f32 $1.700000050e+00, v15;
	_ =	sdelay $0x1  }
0x2cc: {  	v13 =	vmul.f32 v15, v13;
	_ =	sdelay $0x1  }
0x2cd: {  	v13 =	vsub.f32 $0.0e+00, v13;
	_ =	sdelay $0x1  }
0x2ce: {  	v13 =	vmul.f32 $1.442695020e+00, v13;
	_ =	sdelay $0x1  }
0x2cf: {  	(erf) = vpow2.f32 v13;
	_ =	sdelay $0x3  }
0x2d0: {  	v23 =	vld [tilespmem:$0x550];
	_ =	sdelay $0x4  }
0x2d1: {  	v13 =	vsub.f32 $0.0e+00, v23;
	v24 =	vpop (erf)  }
0x2d2: {  	v14 =	vadd.f32 $1.000000000e+00, v24  }
0x2d3: {  	v13 =	vmul.f32 $1.442695020e+00, v13  }
0x2d4: {  	(erf) = vrcp.f32 v14  }
0x2d5: {  	(erf) = vpow2.f32 v13;
	_ =	sdelay $0x3  }
0x2d6: {  	v25 =	vld [tilespmem:$0x750];
	_ =	sdelay $0x3  }
0x2d7: {  	v13 =	vpop (erf)  }
0x2d8: {  	v14 =	vsub.f32 $0.0e+00, v25;
	v26 =	vpop (erf)  }
0x2d9: {  	v15 =	vadd.f32 $1.000000000e+00, v26  }
0x2da: {  	v14 =	vmul.f32 $1.442695020e+00, v14  }
0x2db: {  	(erf) = vrcp.f32 v15  }
0x2dc: {  	(erf) = vpow2.f32 v14;
	_ =	sdelay $0x3  }
0x2dd: {  	v27 =	vld [tilespmem:$0x950];
	_ =	sdelay $0x3  }
0x2de: {  	v15 =	vpop (erf)  }
0x2df: {  	v14 =	vsub.f32 $0.0e+00, v27;
	v16 =	vpop (erf)  }
0x2e0: {  	v16 =	vadd.f32 $1.000000000e+00, v16  }
0x2e1: {  	v14 =	vmul.f32 $1.442695020e+00, v14  }
0x2e2: {  	(erf) = vrcp.f32 v16  }
0x2e3: {  	(erf) = vpow2.f32 v14;
	_ =	sdelay $0x7  }
0x2e4: {  	v28 =	vpop (erf)  }
0x2e5: {  	v29 =	vpop (erf)  }
0x2e6: {  	v16 =	vadd.f32 $1.000000000e+00, v29;
	_ =	sdelay $0x1  }
0x2e7: {  	(erf) = vrcp.f32 v16;
	_ =	sdelay $0x8  }
0x2e8: {  	v16 =	vpop (erf)  }
0x2e9: {  	v14 =	vsub.f32 v15, v28;
	v16 =	vmul.f32 $1.700000050e+00, v16;
	_ =	sdelay $0x1  }
0x2ea: {  	v14 =	vmul.f32 v16, v14;
	_ =	sdelay $0x1  }
0x2eb: {  	v14 =	vsub.f32 $0.0e+00, v14;
	_ =	sdelay $0x1  }
0x2ec: {  	v14 =	vmul.f32 $1.442695020e+00, v14;
	_ =	sdelay $0x1  }
0x2ed: {  	(erf) = vpow2.f32 v14;
	_ =	sdelay $0x3  }
0x2ee: {  	v30 =	vld [tilespmem:$0x560];
	_ =	sdelay $0x4  }
0x2ef: {  	v14 =	vsub.f32 $0.0e+00, v30;
	v31 =	vpop (erf)  }
0x2f0: {  	v15 =	vadd.f32 $1.000000000e+00, v31  }
0x2f1: {  	v14 =	vmul.f32 $1.442695020e+00, v14  }
0x2f2: {  	(erf) = vrcp.f32 v15  }
0x2f3: {  	(erf) = vpow2.f32 v14;
	_ =	sdelay $0x3  }
0x2f4: {  	v32 =	vld [tilespmem:$0x760];
	_ =	sdelay $0x3  }
0x2f5: {  	v14 =	vpop (erf)  }
0x2f6: {  	v15 =	vsub.f32 $0.0e+00, v32;
	v33 =	vpop (erf)  }
0x2f7: {  	v16 =	vadd.f32 $1.000000000e+00, v33  }
0x2f8: {  	v15 =	vmul.f32 $1.442695020e+00, v15  }
0x2f9: {  	(erf) = vrcp.f32 v16  }
0x2fa: {  	(erf) = vpow2.f32 v15;
	_ =	sdelay $0x3  }
0x2fb: {  	v34 =	vld [tilespmem:$0x960];
	_ =	sdelay $0x3  }
0x2fc: {  	v16 =	vpop (erf)  }
0x2fd: {  	v15 =	vsub.f32 $0.0e+00, v34;
	v17 =	vpop (erf)  }
0x2fe: {  	v17 =	vadd.f32 $1.000000000e+00, v17  }
0x2ff: {  	v15 =	vmul.f32 $1.442695020e+00, v15  }
0x300: {  	(erf) = vrcp.f32 v17  }
0x301: {  	(erf) = vpow2.f32 v15;
	_ =	sdelay $0x7  }
0x302: {  	v35 =	vpop (erf)  }
0x303: {  	v36 =	vpop (erf)  }
0x304: {  	v17 =	vadd.f32 $1.000000000e+00, v36;
	_ =	sdelay $0x1  }
0x305: {  	(erf) = vrcp.f32 v17;
	_ =	sdelay $0x8  }
0x306: {  	v17 =	vpop (erf)  }
0x307: {  	v15 =	vsub.f32 v16, v35;
	v17 =	vmul.f32 $1.700000050e+00, v17;
	_ =	sdelay $0x1  }
0x308: {  	v15 =	vmul.f32 v17, v15;
	_ =	sdelay $0x1  }
0x309: {  	v15 =	vsub.f32 $0.0e+00, v15;
	_ =	sdelay $0x1  }
0x30a: {  	v15 =	vmul.f32 $1.442695020e+00, v15;
	_ =	sdelay $0x1  }
0x30b: {  	(erf) = vpow2.f32 v15;
	_ =	sdelay $0x3  }
0x30c: {  	v37 =	vld [tilespmem:$0x570];
	_ =	sdelay $0x4  }
0x30d: {  	v15 =	vsub.f32 $0.0e+00, v37;
	v38 =	vpop (erf)  }
0x30e: {  	v16 =	vadd.f32 $1.000000000e+00, v38  }
0x30f: {  	v15 =	vmul.f32 $1.442695020e+00, v15  }
0x310: {  	(erf) = vrcp.f32 v16  }
0x311: {  	(erf) = vpow2.f32 v15;
	_ =	sdelay $0x3  }
0x312: {  	v39 =	vld [tilespmem:$0x770];
	_ =	sdelay $0x3  }
0x313: {  	v15 =	vpop (erf)  }
0x314: {  	v16 =	vsub.f32 $0.0e+00, v39;
	v40 =	vpop (erf)  }
0x315: {  	v17 =	vadd.f32 $1.000000000e+00, v40  }
0x316: {  	v16 =	vmul.f32 $1.442695020e+00, v16  }
0x317: {  	(erf) = vrcp.f32 v17  }
0x318: {  	(erf) = vpow2.f32 v16;
	_ =	sdelay $0x3  }
0x319: {  	v41 =	vld [tilespmem:$0x970];
	_ =	sdelay $0x3  }
0x31a: {  	v17 =	vpop (erf)  }
0x31b: {  	v16 =	vsub.f32 $0.0e+00, v41;
	v18 =	vpop (erf)  }
0x31c: {  	v18 =	vadd.f32 $1.000000000e+00, v18  }
0x31d: {  	v16 =	vmul.f32 $1.442695020e+00, v16  }
0x31e: {  	(erf) = vrcp.f32 v18  }
0x31f: {  	(erf) = vpow2.f32 v16;
	_ =	sdelay $0x7  }
0x320: {  	v42 =	vpop (erf)  }
0x321: {  	v43 =	vpop (erf)  }
0x322: {  	v18 =	vadd.f32 $1.000000000e+00, v43;
	_ =	sdelay $0x1  }
0x323: {  	(erf) = vrcp.f32 v18;
	_ =	sdelay $0x8  }
0x324: {  	v18 =	vpop (erf)  }
0x325: {  	v16 =	vsub.f32 v17, v42;
	v18 =	vmul.f32 $1.700000050e+00, v18;
	_ =	sdelay $0x1  }
0x326: {  	v16 =	vmul.f32 v18, v16;
	_ =	sdelay $0x1  }
0x327: {  	v16 =	vsub.f32 $0.0e+00, v16;
	_ =	sdelay $0x1  }
0x328: {  	v16 =	vmul.f32 $1.442695020e+00, v16;
	_ =	sdelay $0x1  }
0x329: {  	(erf) = vpow2.f32 v16;
	_ =	sdelay $0x3  }
0x32a: {  	v44 =	vld [tilespmem:$0x580];
	_ =	sdelay $0x4  }
0x32b: {  	v16 =	vsub.f32 $0.0e+00, v44;
	v45 =	vpop (erf)  }
0x32c: {  	v17 =	vadd.f32 $1.000000000e+00, v45  }
0x32d: {  	v16 =	vmul.f32 $1.442695020e+00, v16  }
0x32e: {  	(erf) = vrcp.f32 v17  }
0x32f: {  	(erf) = vpow2.f32 v16;
	_ =	sdelay $0x3  }
0x330: {  	v46 =	vld [tilespmem:$0x780];
	_ =	sdelay $0x3  }
0x331: {  	v16 =	vpop (erf)  }
0x332: {  	v17 =	vsub.f32 $0.0e+00, v46;
	v47 =	vpop (erf)  }
0x333: {  	v18 =	vadd.f32 $1.000000000e+00, v47  }
0x334: {  	v17 =	vmul.f32 $1.442695020e+00, v17  }
0x335: {  	(erf) = vrcp.f32 v18  }
0x336: {  	(erf) = vpow2.f32 v17;
	_ =	sdelay $0x3  }
0x337: {  	v48 =	vld [tilespmem:$0x980];
	_ =	sdelay $0x3  }
0x338: {  	v18 =	vpop (erf)  }
0x339: {  	v17 =	vsub.f32 $0.0e+00, v48;
	v19 =	vpop (erf)  }
0x33a: {  	v19 =	vadd.f32 $1.000000000e+00, v19  }
0x33b: {  	v17 =	vmul.f32 $1.442695020e+00, v17  }
0x33c: {  	(erf) = vrcp.f32 v19  }
0x33d: {  	(erf) = vpow2.f32 v17;
	_ =	sdelay $0x7  }
0x33e: {  	v49 =	vpop (erf)  }
0x33f: {  	v50 =	vpop (erf)  }
0x340: {  	v19 =	vadd.f32 $1.000000000e+00, v50;
	_ =	sdelay $0x1  }
0x341: {  	(erf) = vrcp.f32 v19;
	_ =	sdelay $0x8  }
0x342: {  	v19 =	vpop (erf)  }
0x343: {  	v17 =	vsub.f32 v18, v49;
	v19 =	vmul.f32 $1.700000050e+00, v19;
	_ =	sdelay $0x1  }
0x344: {  	v17 =	vmul.f32 v19, v17;
	_ =	sdelay $0x1  }
0x345: {  	v17 =	vsub.f32 $0.0e+00, v17;
	_ =	sdelay $0x1  }
0x346: {  	v17 =	vmul.f32 $1.442695020e+00, v17;
	_ =	sdelay $0x1  }
0x347: {  	(erf) = vpow2.f32 v17;
	_ =	sdelay $0x3  }
0x348: {  	v51 =	vld [tilespmem:$0x590];
	_ =	sdelay $0x4  }
0x349: {  	v17 =	vsub.f32 $0.0e+00, v51;
	v52 =	vpop (erf)  }
0x34a: {  	v18 =	vadd.f32 $1.000000000e+00, v52  }
0x34b: {  	v17 =	vmul.f32 $1.442695020e+00, v17  }
0x34c: {  	(erf) = vrcp.f32 v18  }
0x34d: {  	(erf) = vpow2.f32 v17;
	_ =	sdelay $0x3  }
0x34e: {  	v53 =	vld [tilespmem:$0x790];
	_ =	sdelay $0x3  }
0x34f: {  	v17 =	vpop (erf)  }
0x350: {  	v18 =	vsub.f32 $0.0e+00, v53;
	v54 =	vpop (erf)  }
0x351: {  	v19 =	vadd.f32 $1.000000000e+00, v54  }
0x352: {  	v18 =	vmul.f32 $1.442695020e+00, v18  }
0x353: {  	(erf) = vrcp.f32 v19  }
0x354: {  	(erf) = vpow2.f32 v18;
	_ =	sdelay $0x3  }
0x355: {  	v55 =	vld [tilespmem:$0x990];
	_ =	sdelay $0x3  }
0x356: {  	v19 =	vpop (erf)  }
0x357: {  	v18 =	vsub.f32 $0.0e+00, v55;
	v20 =	vpop (erf)  }
0x358: {  	v20 =	vadd.f32 $1.000000000e+00, v20  }
0x359: {  	v18 =	vmul.f32 $1.442695020e+00, v18  }
0x35a: {  	(erf) = vrcp.f32 v20  }
0x35b: {  	(erf) = vpow2.f32 v18;
	_ =	sdelay $0x7  }
0x35c: {  	v56 =	vpop (erf)  }
0x35d: {  	v57 =	vpop (erf)  }
0x35e: {  	v20 =	vadd.f32 $1.000000000e+00, v57;
	_ =	sdelay $0x1  }
0x35f: {  	(erf) = vrcp.f32 v20;
	_ =	sdelay $0x8  }
0x360: {  	v20 =	vpop (erf)  }
0x361: {  	v18 =	vsub.f32 v19, v56;
	v20 =	vmul.f32 $1.700000050e+00, v20;
	_ =	sdelay $0x1  }
0x362: {  	v18 =	vmul.f32 v20, v18;
	_ =	sdelay $0x1  }
0x363: {  	v18 =	vsub.f32 $0.0e+00, v18;
	_ =	sdelay $0x1  }
0x364: {  	v18 =	vmul.f32 $1.442695020e+00, v18;
	_ =	sdelay $0x1  }
0x365: {  	(erf) = vpow2.f32 v18;
	_ =	sdelay $0x3  }
0x366: {  	v58 =	vld [tilespmem:$0x5A0];
	_ =	sdelay $0x4  }
0x367: {  	v18 =	vsub.f32 $0.0e+00, v58;
	v59 =	vpop (erf)  }
0x368: {  	v19 =	vadd.f32 $1.000000000e+00, v59  }
0x369: {  	v18 =	vmul.f32 $1.442695020e+00, v18  }
0x36a: {  	(erf) = vrcp.f32 v19  }
0x36b: {  	(erf) = vpow2.f32 v18;
	_ =	sdelay $0x3  }
0x36c: {  	v60 =	vld [tilespmem:$0x7A0];
	_ =	sdelay $0x3  }
0x36d: {  	v18 =	vpop (erf)  }
0x36e: {  	v19 =	vsub.f32 $0.0e+00, v60;
	v61 =	vpop (erf)  }
0x36f: {  	v20 =	vadd.f32 $1.000000000e+00, v61  }
0x370: {  	v19 =	vmul.f32 $1.442695020e+00, v19  }
0x371: {  	(erf) = vrcp.f32 v20  }
0x372: {  	(erf) = vpow2.f32 v19;
	_ =	sdelay $0x3  }
0x373: {  	v62 =	vld [tilespmem:$0x9A0];
	_ =	sdelay $0x3  }
0x374: {  	v20 =	vpop (erf)  }
0x375: {  	v19 =	vsub.f32 $0.0e+00, v62;
	v21 =	vpop (erf)  }
0x376: {  	v21 =	vadd.f32 $1.000000000e+00, v21  }
0x377: {  	v19 =	vmul.f32 $1.442695020e+00, v19  }
0x378: {  	(erf) = vrcp.f32 v21  }
0x379: {  	(erf) = vpow2.f32 v19;
	_ =	sdelay $0x7  }
0x37a: {  	v63 =	vpop (erf)  }
0x37b: {  	v24 =	vpop (erf)  }
0x37c: {  	v21 =	vadd.f32 $1.000000000e+00, v24;
	_ =	sdelay $0x1  }
0x37d: {  	(erf) = vrcp.f32 v21;
	_ =	sdelay $0x8  }
0x37e: {  	v21 =	vpop (erf)  }
0x37f: {  	v19 =	vsub.f32 v20, v63;
	v21 =	vmul.f32 $1.700000050e+00, v21;
	_ =	sdelay $0x1  }
0x380: {  	v19 =	vmul.f32 v21, v19;
	_ =	sdelay $0x1  }
0x381: {  	v19 =	vsub.f32 $0.0e+00, v19;
	_ =	sdelay $0x1  }
0x382: {  	v19 =	vmul.f32 $1.442695020e+00, v19;
	_ =	sdelay $0x1  }
0x383: {  	(erf) = vpow2.f32 v19;
	_ =	sdelay $0x3  }
0x384: {  	v25 =	vld [tilespmem:$0x5B0];
	_ =	sdelay $0x4  }
0x385: {  	v19 =	vsub.f32 $0.0e+00, v25;
	v26 =	vpop (erf)  }
0x386: {  	v20 =	vadd.f32 $1.000000000e+00, v26  }
0x387: {  	v19 =	vmul.f32 $1.442695020e+00, v19  }
0x388: {  	(erf) = vrcp.f32 v20  }
0x389: {  	(erf) = vpow2.f32 v19;
	_ =	sdelay $0x3  }
0x38a: {  	v27 =	vld [tilespmem:$0x7B0];
	_ =	sdelay $0x3  }
0x38b: {  	v28 =	vpop (erf)  }
0x38c: {  	v20 =	vsub.f32 $0.0e+00, v27;
	v29 =	vpop (erf)  }
0x38d: {  	v21 =	vadd.f32 $1.000000000e+00, v29  }
0x38e: {  	v20 =	vmul.f32 $1.442695020e+00, v20  }
0x38f: {  	(erf) = vrcp.f32 v21  }
0x390: {  	(erf) = vpow2.f32 v20;
	_ =	sdelay $0x3  }
0x391: {  	v30 =	vld [tilespmem:$0x9B0];
	_ =	sdelay $0x3  }
0x392: {  	v21 =	vpop (erf)  }
0x393: {  	v20 =	vsub.f32 $0.0e+00, v30;
	v22 =	vpop (erf)  }
0x394: {  	v22 =	vadd.f32 $1.000000000e+00, v22  }
0x395: {  	v20 =	vmul.f32 $1.442695020e+00, v20  }
0x396: {  	(erf) = vrcp.f32 v22  }
0x397: {  	(erf) = vpow2.f32 v20;
	_ =	sdelay $0x7  }
0x398: {  	v31 =	vpop (erf)  }
0x399: {  	v32 =	vpop (erf)  }
0x39a: {  	v22 =	vadd.f32 $1.000000000e+00, v32;
	_ =	sdelay $0x1  }
0x39b: {  	(erf) = vrcp.f32 v22;
	_ =	sdelay $0x8  }
0x39c: {  	v22 =	vpop (erf)  }
0x39d: {  	v20 =	vsub.f32 v21, v31;
	v22 =	vmul.f32 $1.700000050e+00, v22;
	_ =	sdelay $0x1  }
0x39e: {  	v20 =	vmul.f32 v22, v20;
	_ =	sdelay $0x1  }
0x39f: {  	v20 =	vsub.f32 $0.0e+00, v20;
	_ =	sdelay $0x1  }
0x3a0: {  	v20 =	vmul.f32 $1.442695020e+00, v20;
	_ =	sdelay $0x1  }
0x3a1: {  	(erf) = vpow2.f32 v20;
	_ =	sdelay $0x3  }
0x3a2: {  	v33 =	vld [tilespmem:$0x5C0];
	_ =	sdelay $0x4  }
0x3a3: {  	v20 =	vsub.f32 $0.0e+00, v33;
	v34 =	vpop (erf)  }
0x3a4: {  	v21 =	vadd.f32 $1.000000000e+00, v34  }
0x3a5: {  	v20 =	vmul.f32 $1.442695020e+00, v20  }
0x3a6: {  	(erf) = vrcp.f32 v21  }
0x3a7: {  	(erf) = vpow2.f32 v20;
	_ =	sdelay $0x3  }
0x3a8: {  	v35 =	vld [tilespmem:$0x7C0];
	_ =	sdelay $0x3  }
0x3a9: {  	v36 =	vpop (erf)  }
0x3aa: {  	v21 =	vsub.f32 $0.0e+00, v35;
	v37 =	vpop (erf)  }
0x3ab: {  	v22 =	vadd.f32 $1.000000000e+00, v37  }
0x3ac: {  	v21 =	vmul.f32 $1.442695020e+00, v21  }
0x3ad: {  	(erf) = vrcp.f32 v22  }
0x3ae: {  	(erf) = vpow2.f32 v21;
	_ =	sdelay $0x3  }
0x3af: {  	v38 =	vld [tilespmem:$0x9C0];
	_ =	sdelay $0x3  }
0x3b0: {  	v22 =	vpop (erf)  }
0x3b1: {  	v21 =	vsub.f32 $0.0e+00, v38;
	v23 =	vpop (erf)  }
0x3b2: {  	v23 =	vadd.f32 $1.000000000e+00, v23  }
0x3b3: {  	v21 =	vmul.f32 $1.442695020e+00, v21  }
0x3b4: {  	(erf) = vrcp.f32 v23  }
0x3b5: {  	(erf) = vpow2.f32 v21;
	_ =	sdelay $0x7  }
0x3b6: {  	v39 =	vpop (erf)  }
0x3b7: {  	v40 =	vpop (erf)  }
0x3b8: {  	v23 =	vadd.f32 $1.000000000e+00, v40;
	_ =	sdelay $0x1  }
0x3b9: {  	(erf) = vrcp.f32 v23;
	_ =	sdelay $0x8  }
0x3ba: {  	v23 =	vpop (erf)  }
0x3bb: {  	v21 =	vsub.f32 v22, v39;
	v23 =	vmul.f32 $1.700000050e+00, v23;
	_ =	sdelay $0x1  }
0x3bc: {  	v21 =	vmul.f32 v23, v21;
	_ =	sdelay $0x1  }
0x3bd: {  	v21 =	vsub.f32 $0.0e+00, v21;
	_ =	sdelay $0x1  }
0x3be: {  	v21 =	vmul.f32 $1.442695020e+00, v21;
	_ =	sdelay $0x1  }
0x3bf: {  	(erf) = vpow2.f32 v21;
	_ =	sdelay $0x3  }
0x3c0: {  	v41 =	vld [tilespmem:$0x5D0];
	_ =	sdelay $0x4  }
0x3c1: {  	v21 =	vsub.f32 $0.0e+00, v41;
	v42 =	vpop (erf)  }
0x3c2: {  	v22 =	vadd.f32 $1.000000000e+00, v42  }
0x3c3: {  	v21 =	vmul.f32 $1.442695020e+00, v21  }
0x3c4: {  	(erf) = vrcp.f32 v22  }
0x3c5: {  	(erf) = vpow2.f32 v21;
	_ =	sdelay $0x3  }
0x3c6: {  	v43 =	vld [tilespmem:$0x7D0];
	_ =	sdelay $0x3  }
0x3c7: {  	v22 =	vpop (erf)  }
0x3c8: {  	v21 =	vsub.f32 $0.0e+00, v43;
	v44 =	vpop (erf)  }
0x3c9: {  	v23 =	vadd.f32 $1.000000000e+00, v44  }
0x3ca: {  	v21 =	vmul.f32 $1.442695020e+00, v21  }
0x3cb: {  	(erf) = vrcp.f32 v23  }
0x3cc: {  	(erf) = vpow2.f32 v21;
	_ =	sdelay $0x3  }
0x3cd: {  	v45 =	vld [tilespmem:$0x9D0];
	_ =	sdelay $0x3  }
0x3ce: {  	v23 =	vpop (erf)  }
0x3cf: {  	v21 =	vsub.f32 $0.0e+00, v45;
	v24 =	vpop (erf)  }
0x3d0: {  	v24 =	vadd.f32 $1.000000000e+00, v24  }
0x3d1: {  	v21 =	vmul.f32 $1.442695020e+00, v21  }
0x3d2: {  	(erf) = vrcp.f32 v24  }
0x3d3: {  	(erf) = vpow2.f32 v21;
	_ =	sdelay $0x7  }
0x3d4: {  	v46 =	vpop (erf)  }
0x3d5: {  	v47 =	vpop (erf)  }
0x3d6: {  	v24 =	vadd.f32 $1.000000000e+00, v47;
	_ =	sdelay $0x1  }
0x3d7: {  	(erf) = vrcp.f32 v24;
	_ =	sdelay $0x8  }
0x3d8: {  	v24 =	vpop (erf)  }
0x3d9: {  	v21 =	vsub.f32 v23, v46;
	v24 =	vmul.f32 $1.700000050e+00, v24;
	_ =	sdelay $0x1  }
0x3da: {  	v21 =	vmul.f32 v24, v21;
	_ =	sdelay $0x1  }
0x3db: {  	v21 =	vsub.f32 $0.0e+00, v21;
	_ =	sdelay $0x1  }
0x3dc: {  	v21 =	vmul.f32 $1.442695020e+00, v21;
	_ =	sdelay $0x1  }
0x3dd: {  	(erf) = vpow2.f32 v21;
	_ =	sdelay $0x3  }
0x3de: {  	v48 =	vld [tilespmem:$0x5E0];
	_ =	sdelay $0x4  }
0x3df: {  	v21 =	vsub.f32 $0.0e+00, v48;
	v49 =	vpop (erf)  }
0x3e0: {  	v23 =	vadd.f32 $1.000000000e+00, v49  }
0x3e1: {  	v21 =	vmul.f32 $1.442695020e+00, v21  }
0x3e2: {  	(erf) = vrcp.f32 v23  }
0x3e3: {  	(erf) = vpow2.f32 v21;
	_ =	sdelay $0x3  }
0x3e4: {  	v50 =	vld [tilespmem:$0x7E0];
	_ =	sdelay $0x3  }
0x3e5: {  	v23 =	vpop (erf)  }
0x3e6: {  	v21 =	vsub.f32 $0.0e+00, v50;
	v51 =	vpop (erf)  }
0x3e7: {  	v24 =	vadd.f32 $1.000000000e+00, v51  }
0x3e8: {  	v21 =	vmul.f32 $1.442695020e+00, v21  }
0x3e9: {  	(erf) = vrcp.f32 v24  }
0x3ea: {  	(erf) = vpow2.f32 v21;
	_ =	sdelay $0x3  }
0x3eb: {  	v52 =	vld [tilespmem:$0x9E0];
	_ =	sdelay $0x3  }
0x3ec: {  	v24 =	vpop (erf)  }
0x3ed: {  	v21 =	vsub.f32 $0.0e+00, v52;
	v25 =	vpop (erf)  }
0x3ee: {  	v25 =	vadd.f32 $1.000000000e+00, v25  }
0x3ef: {  	v21 =	vmul.f32 $1.442695020e+00, v21  }
0x3f0: {  	(erf) = vrcp.f32 v25  }
0x3f1: {  	(erf) = vpow2.f32 v21;
	_ =	sdelay $0x7  }
0x3f2: {  	v53 =	vpop (erf)  }
0x3f3: {  	v54 =	vpop (erf)  }
0x3f4: {  	v25 =	vadd.f32 $1.000000000e+00, v54;
	_ =	sdelay $0x1  }
0x3f5: {  	(erf) = vrcp.f32 v25;
	_ =	sdelay $0x8  }
0x3f6: {  	v25 =	vpop (erf)  }
0x3f7: {  	v21 =	vsub.f32 v24, v53;
	v25 =	vmul.f32 $1.700000050e+00, v25;
	_ =	sdelay $0x1  }
0x3f8: {  	v21 =	vmul.f32 v25, v21;
	_ =	sdelay $0x1  }
0x3f9: {  	v21 =	vsub.f32 $0.0e+00, v21;
	_ =	sdelay $0x1  }
0x3fa: {  	v21 =	vmul.f32 $1.442695020e+00, v21;
	_ =	sdelay $0x1  }
0x3fb: {  	(erf) = vpow2.f32 v21;
	_ =	sdelay $0x3  }
0x3fc: {  	v55 =	vld [tilespmem:$0x5F0];
	_ =	sdelay $0x4  }
0x3fd: {  	v21 =	vsub.f32 $0.0e+00, v55;
	v56 =	vpop (erf)  }
0x3fe: {  	v24 =	vadd.f32 $1.000000000e+00, v56  }
0x3ff: {  	v21 =	vmul.f32 $1.442695020e+00, v21  }
0x400: {  	(erf) = vrcp.f32 v24  }
0x401: {  	(erf) = vpow2.f32 v21;
	_ =	sdelay $0x3  }
0x402: {  	v57 =	vld [tilespmem:$0x7F0];
	_ =	sdelay $0x3  }
0x403: {  	v24 =	vpop (erf)  }
0x404: {  	v21 =	vsub.f32 $0.0e+00, v57;
	v58 =	vpop (erf)  }
0x405: {  	v25 =	vadd.f32 $1.000000000e+00, v58  }
0x406: {  	v21 =	vmul.f32 $1.442695020e+00, v21  }
0x407: {  	(erf) = vrcp.f32 v25  }
0x408: {  	(erf) = vpow2.f32 v21;
	_ =	sdelay $0x3  }
0x409: {  	v59 =	vld [tilespmem:$0x9F0];
	_ =	sdelay $0x3  }
0x40a: {  	v25 =	vpop (erf)  }
0x40b: {  	v21 =	vsub.f32 $0.0e+00, v59;
	v26 =	vpop (erf)  }
0x40c: {  	v26 =	vadd.f32 $1.000000000e+00, v26  }
0x40d: {  	v21 =	vmul.f32 $1.442695020e+00, v21  }
0x40e: {  	(erf) = vrcp.f32 v26  }
0x40f: {  	(erf) = vpow2.f32 v21;
	_ =	sdelay $0x7  }
0x410: {  	v60 =	vpop (erf)  }
0x411: {  	v61 =	vpop (erf)  }
0x412: {  	v26 =	vadd.f32 $1.000000000e+00, v61;
	_ =	sdelay $0x1  }
0x413: {  	(erf) = vrcp.f32 v26;
	_ =	sdelay $0x8  }
0x414: {  	v26 =	vpop (erf)  }
0x415: {  	v21 =	vsub.f32 v25, v60;
	v62 =	vmul.f32 $1.700000050e+00, v26;
	_ =	sdelay $0x1  }
0x416: {  	v21 =	vmul.f32 v62, v21;
	_ =	sdelay $0x1  }
0x417: {  	v21 =	vsub.f32 $0.0e+00, v21;
	_ =	sdelay $0x1  }
0x418: {  	[tilespmem:$0xA70] =	vst v0;
	v63 =	vmul.f32 $1.442695020e+00, v21  }
0x419: {  	[tilespmem:$0xA80] =	vst v1  }
0x41a: {  	[tilespmem:$0xA90] =	vst v2;
	(erf) = vpow2.f32 v63  }
0x41b: {  	[tilespmem:$0xAA0] =	vst v3  }
0x41c: {  	[tilespmem:$0xAB0] =	vst v4  }
0x41d: {  	[tilespmem:$0xAC0] =	vst v5  }
0x41e: {  	[tilespmem:$0xAD0] =	vst v6  }
0x41f: {  	[tilespmem:$0xAE0] =	vst v7  }
0x420: {  	[tilespmem:$0xAF0] =	vst v8  }
0x421: {  	[tilespmem:$0xB00] =	vst v9  }
0x422: {  	[tilespmem:$0xB10] =	vst v10  }
0x423: {  	[tilespmem:$0xB20] =	vst v11;
	v0 =	vpop (erf)  }
0x424: {  	[tilespmem:$0xB30] =	vst v12;
	v0 =	vadd.f32 $1.000000000e+00, v0  }
0x425: {  	[tilespmem:$0xB40] =	vst v13  }
0x426: {  	[tilespmem:$0xB50] =	vst v14;
	(erf) = vrcp.f32 v0  }
0x427: {  	[tilespmem:$0xB60] =	vst v15  }
0x428: {  	[tilespmem:$0xB70] =	vst v16  }
0x429: {  	[tilespmem:$0xB80] =	vst v17  }
0x42a: {  	[tilespmem:$0xB90] =	vst v18  }
0x42b: {  	[tilespmem:$0xBA0] =	vst v28  }
0x42c: {  	[tilespmem:$0xBB0] =	vst v36  }
0x42d: {  	[tilespmem:$0xBC0] =	vst v22  }
0x42e: {  	[tilespmem:$0xBD0] =	vst v23  }
0x42f: {  	p0 =	sne.s32 s8, $0x1;
	[tilespmem:$0xBE0] =	vst v24;
	v0 =	vpop (erf)  }
.Ltmp0:
0x430: {  	[tilespmem:$0xBF0] =	vst v0;
	(pc) =	sbr.rel @p0 .LBB2_1-.Ltmp0, $4  }
0x431: {  	[hbm4b:s7+s5] =	stream.linear.scatter [tilespmem:s31], [sflag:$0x2], $0x200, $0x38;
	[tilespmem:$0xC00] =	vst v63  }
0x432: {  	_ =	swait.ge [sflag:s9], $0x200  }
0x433: {  	[sflag:s9] =	ssyncset.done $0x0  }
0x434: {  	s8 =	sadd.s32 $0xFFFFFFFF, s8;
	[sflag:s9] =	ssyncadd.s32 $0xFFFFFE00  }
0x435: {  	_ =	sfence.sel $0x180000  }
0x436: {  	[bflag:$0x0] =	sbarrier.arrive $0xFFFF  }
0x437: {  	_ =	strace $0x90000047  }
0x438: {  	[bflag:$0x2] =	sbarrier.arrive $0xFFFF  }
0x439: {  	p0 =	sne.s32 s3, $0x0;
	s0 =	rddreg [dreg:$0x6]  }
0x43a: {  	s0 =	sadd.s32 @!p0 $0x100000, s0  }
0x43b: {  	[sflag:s0] =	ssyncadd.tile.s32 @!p0 $0x1;
	_ =	shalt  }
.Lfunc_end2:
_tile_overlayer_lowered:
.L_overlay_start_2:
0x43c: {  	(tag) =	ssettag $0x2  }
0x43d: {  	s0 =	rddreg [dreg:$0x0];
	s2 =	stileid.u32  }
0x43e: {  	s1 =	rddreg [dreg:$0x1];
	p0 =	sne.s32 s2, $0x0  }
0x43f: {  	s3 =	rddreg [dreg:$0x2];
	[bflag:$0x3] =	sbarrier.arrive $0xFFFF;
	s2 =	simm.s32 @!p0 $0x1C02  }
0x440: {  	[timem:s3], [sflag:s2] =	dma.local @!p0 [hbm:s0], s1  }
0x441: {  	s0 =	simm.s32 @!p0 $0x2  }
0x442: {  	_ =	swait.ge @!p0 [sflag:s0], s1  }
0x443: {  	s1 =	ssub.s32 @!p0 $0x0, s1;
	[sflag:s0] =	ssyncset.done @!p0 $0x0  }
0x444: {  	[sflag:s0] =	ssyncadd.s32 @!p0 s1  }
0x445: {  	[bflag:$0x3] =	sbarrier.arrive $0xFFFF  }
0x446: {  	_ =	shalt  }

</sc_bundles>
